<compile_context>
chip_gen: v7x
topology: tpu7x:2x2x1
jax: 0.10.2.dev20260603
libtpu: 0.0.44.dev20260713+nightly
codegen_flags: <defaults>
</compile_context>

<pallas_src>
import functools

import jax
import jax.numpy as jnp
from jax import lax
from jax.experimental import pallas as pl
from jax.experimental.pallas import tpu as pltpu
from jax.experimental.pallas import tpu_sc as plsc

_NUM_BINS = 32
_NUM_FEATURES = 100
_BATCH = 16384
_NUM_PAIRS = 10

_NC = 2
_NS = 16
_NW = _NC * _NS
_BPW = _BATCH // _NW
_XS = _NUM_FEATURES
_GROUPS = _BPW // 16


def _ebm_body(x_hbm, wm_hbm, wi_hbm, ic_hbm, out_hbm,
              x_v, wm_v, wi_v, ic_v, out_v):
    wid = lax.axis_index("s") * _NC + lax.axis_index("c")
    base = wid * _BPW
    pltpu.sync_copy(x_hbm.at[pl.ds(base * _XS, _BPW * _XS)], x_v)
    pltpu.sync_copy(wm_hbm, wm_v)
    pltpu.sync_copy(wi_hbm, wi_v)
    pltpu.sync_copy(ic_hbm, ic_v)

    lane_row = lax.iota(jnp.int32, 16) * _XS
    ones = jnp.ones((16,), jnp.int32)

    def group(g, carry):
        accs = [ic_v[...],
                jnp.zeros((16,), jnp.float32),
                jnp.zeros((16,), jnp.float32),
                jnp.zeros((16,), jnp.float32)]
        xidx = lane_row + g * (16 * _XS)
        prev_bi = None
        for f in range(_NUM_FEATURES):
            xv = plsc.load_gather(x_v, [xidx])
            xidx = xidx + ones
            bi = (xv * float(_NUM_BINS)).astype(jnp.int32)
            accs[f % 4] = accs[f % 4] + plsc.load_gather(
                wm_v, [bi + f * _NUM_BINS])
            if f < 2 * _NUM_PAIRS:
                if f % 2 == 0:
                    prev_bi = bi
                else:
                    k = f // 2
                    flat = (prev_bi * _NUM_BINS + bi
                            + k * (_NUM_BINS * _NUM_BINS))
                    accs[(f + 1) % 4] = accs[(f + 1) % 4] + plsc.load_gather(
                        wi_v, [flat])
        acc = (accs[0] + accs[1]) + (accs[2] + accs[3])
        out_v[pl.ds(g * 16, 16)] = acc
        return carry

    lax.fori_loop(0, _GROUPS, group, 0)
    pltpu.sync_copy(out_v, out_hbm.at[pl.ds(base, _BPW)])


_ebm_kernel = functools.partial(
    pl.kernel,
    out_type=jax.ShapeDtypeStruct((_BATCH,), jnp.float32),
    mesh=plsc.VectorSubcoreMesh(core_axis_name="c", subcore_axis_name="s"),
    compiler_params=pltpu.CompilerParams(needs_layout_passes=False),
    scratch_types=[
        pltpu.VMEM((_BPW * _XS,), jnp.float32),
        pltpu.VMEM((_NUM_FEATURES * _NUM_BINS,), jnp.float32),
        pltpu.VMEM((_NUM_PAIRS * _NUM_BINS * _NUM_BINS,), jnp.float32),
        pltpu.VMEM((16,), jnp.float32),
        pltpu.VMEM((_BPW,), jnp.float32),
    ],
)(_ebm_body)


def kernel(inputs, W_main, W_inter, intercept):
    x = inputs.reshape(-1)
    wm = W_main.reshape(-1)
    wi = W_inter.reshape(-1)
    ic = jnp.broadcast_to(intercept.astype(jnp.float32), (16,))
    out = _ebm_kernel(x, wm, wi, ic)
    return out.reshape(-1, 1)

# --- scband reference (transcript-rebuilt; emitter-appended) ---
"""Pipeline reference for scband-fair-ebmlayer-48885317763811 (READ-ONLY COPY).

The authoritative reference and input builder live on the scoring server;
editing this copy changes nothing except your own understanding.
"""

import jax, jax.numpy as jnp
import numpy as np

NUM_BINS = 32
NUM_FEATURES = 100
BATCH = 16384
INTERACTION_TERMS = [(0, 1), (2, 3), (4, 5), (6, 7), (8, 9), (10, 11), (12, 13), (14, 15), (16, 17), (18, 19)]


def setup_inputs(seed: int = 0) -> dict:
    key = jax.random.key(seed)
    k1, k2, k3 = jax.random.split(key, 3)
    inputs = jax.random.uniform(k1, (BATCH, NUM_FEATURES), dtype=jnp.float32)
    # learned parameters (zeros init in the original module; small random here for a nontrivial reference)
    W_main = jax.random.normal(k2, (NUM_FEATURES, NUM_BINS), dtype=jnp.float32) * 0.01
    W_inter = jax.random.normal(k3, (len(INTERACTION_TERMS), NUM_BINS, NUM_BINS), dtype=jnp.float32) * 0.01
    intercept = jnp.zeros((1,), dtype=jnp.float32)
    return {"inputs": inputs, "W_main": W_main, "W_inter": W_inter, "intercept": intercept}


def _bin_indices(values, bins):
    # values: [B, F]; bins: [NUM_BINS+1]
    comp = (values[..., None] >= bins[None, None, :]).astype(jnp.int32)
    idx = jnp.sum(comp, axis=-1) - 1
    return jnp.clip(idx, 0, NUM_BINS - 1)


def reference(inputs, W_main, W_inter, intercept):
    # default bins from build(): linspace(0, 1, num_bins + 1), identical for every feature
    bins = jnp.linspace(0.0, 1.0, NUM_BINS + 1).astype(jnp.float32)
    idx = _bin_indices(inputs, bins)  # [B, F] int32
    # main effects: gather per-feature bin weight
    feat_ids = jnp.arange(NUM_FEATURES)[None, :]  # [1, F]
    gathered = W_main[feat_ids, idx]  # [B, F]
    preds = intercept[0] + jnp.sum(gathered, axis=1)  # [B]
    # pairwise interaction effects via 2-D gather
    for k, (i, j) in enumerate(INTERACTION_TERMS):
        preds = preds + W_inter[k][idx[:, i], idx[:, j]]
    return preds.reshape(-1, 1)

if __name__ == "__main__":
    import jax
    _d = setup_inputs()
    print(jax.jit(kernel)(*tuple(_d.values())))

</pallas_src>

<mosaic_0001>
#map = affine_map<(d0, d1) -> (0)>
module attributes {stable_mosaic.version = 14 : i64} {
  func.func @_ebm_body(%arg0: i32, %arg1: i32, %arg2: memref<1638400xf32, #tpu.memory_space<hbm>>, %arg3: memref<3200xf32, #tpu.memory_space<hbm>>, %arg4: memref<10240xf32, #tpu.memory_space<hbm>>, %arg5: memref<16xf32, #tpu.memory_space<hbm>>, %arg6: memref<16384xf32, #tpu.memory_space<hbm>>, %arg7: memref<51200xf32, #tpu.memory_space<vmem>>, %arg8: memref<3200xf32, #tpu.memory_space<vmem>>, %arg9: memref<10240xf32, #tpu.memory_space<vmem>>, %arg10: memref<16xf32, #tpu.memory_space<vmem>>, %arg11: memref<512xf32, #tpu.memory_space<vmem>>) attributes {dimension_semantics = [#tpu.dimension_semantics<core_parallel>, #tpu.dimension_semantics<subcore_parallel>], iteration_bounds = array<i64: 2, 16>, scalar_prefetch = 0 : i64, scratch_operands = 5 : i64, tpu.core_type = #tpu.core_type<sc_vector_subcore>, window_params = [{transform_indices = #map}, {transform_indices = #map}, {transform_indices = #map}, {transform_indices = #map}, {transform_indices = #map}]} {
    %mul3A = arith.constant 2 : i32
    %mul3A_0 = arith.muli %arg1, %mul3A : i32
    %add3A = arith.addi %mul3A_0, %arg0 : i32
    %mul3A_1 = arith.constant 512 : i32
    %mul3A_2 = arith.muli %add3A, %mul3A_1 : i32
    %mul3A_3 = arith.constant 100 : i32
    %mul3A_4 = arith.muli %mul3A_2, %mul3A_3 : i32
    "tpu.region"() ({
      %run_scoped3A = tpu.sem_alloc : memref<!tpu.dma_semaphore, #tpu.memory_space<semaphore_mem>>
      %dma_start3A = tpu.memref_slice %arg2[%mul3A_4] : memref<1638400xf32, #tpu.memory_space<hbm>> -> memref<51200xf32, #tpu.memory_space<hbm>>
      %dma_start3A_14 = tpu.memref_slice %arg2[%mul3A_4] : memref<1638400xf32, #tpu.memory_space<hbm>> -> memref<51200xf32, #tpu.memory_space<hbm>>
      tpu.enqueue_dma source(%dma_start3A_14 : memref<51200xf32, #tpu.memory_space<hbm>>) target(%arg7 : memref<51200xf32, #tpu.memory_space<vmem>>) target_semaphore(%run_scoped3A : memref<!tpu.dma_semaphore, #tpu.memory_space<semaphore_mem>>)
      %dma_wait3A = tpu.memref_slice %arg2[%mul3A_4] : memref<1638400xf32, #tpu.memory_space<hbm>> -> memref<51200xf32, #tpu.memory_space<hbm>>
      %dma_wait3A_15 = tpu.memref_slice %arg2[%mul3A_4] : memref<1638400xf32, #tpu.memory_space<hbm>> -> memref<51200xf32, #tpu.memory_space<hbm>>
      tpu.wait_dma2 semaphore(%run_scoped3A : memref<!tpu.dma_semaphore, #tpu.memory_space<semaphore_mem>>) src(%dma_wait3A_15 : memref<51200xf32, #tpu.memory_space<hbm>>) dst(%arg7 : memref<51200xf32, #tpu.memory_space<vmem>>)
      tpu.yield
    }) : () -> ()
    "tpu.region"() ({
      %run_scoped3A = tpu.sem_alloc : memref<!tpu.dma_semaphore, #tpu.memory_space<semaphore_mem>>
      tpu.enqueue_dma source(%arg3 : memref<3200xf32, #tpu.memory_space<hbm>>) target(%arg8 : memref<3200xf32, #tpu.memory_space<vmem>>) target_semaphore(%run_scoped3A : memref<!tpu.dma_semaphore, #tpu.memory_space<semaphore_mem>>)
      tpu.wait_dma2 semaphore(%run_scoped3A : memref<!tpu.dma_semaphore, #tpu.memory_space<semaphore_mem>>) src(%arg3 : memref<3200xf32, #tpu.memory_space<hbm>>) dst(%arg8 : memref<3200xf32, #tpu.memory_space<vmem>>)
      tpu.yield
    }) : () -> ()
    "tpu.region"() ({
      %run_scoped3A = tpu.sem_alloc : memref<!tpu.dma_semaphore, #tpu.memory_space<semaphore_mem>>
      tpu.enqueue_dma source(%arg4 : memref<10240xf32, #tpu.memory_space<hbm>>) target(%arg9 : memref<10240xf32, #tpu.memory_space<vmem>>) target_semaphore(%run_scoped3A : memref<!tpu.dma_semaphore, #tpu.memory_space<semaphore_mem>>)
      tpu.wait_dma2 semaphore(%run_scoped3A : memref<!tpu.dma_semaphore, #tpu.memory_space<semaphore_mem>>) src(%arg4 : memref<10240xf32, #tpu.memory_space<hbm>>) dst(%arg9 : memref<10240xf32, #tpu.memory_space<vmem>>)
      tpu.yield
    }) : () -> ()
    "tpu.region"() ({
      %run_scoped3A = tpu.sem_alloc : memref<!tpu.dma_semaphore, #tpu.memory_space<semaphore_mem>>
      tpu.enqueue_dma source(%arg5 : memref<16xf32, #tpu.memory_space<hbm>>) target(%arg10 : memref<16xf32, #tpu.memory_space<vmem>>) target_semaphore(%run_scoped3A : memref<!tpu.dma_semaphore, #tpu.memory_space<semaphore_mem>>)
      tpu.wait_dma2 semaphore(%run_scoped3A : memref<!tpu.dma_semaphore, #tpu.memory_space<semaphore_mem>>) src(%arg5 : memref<16xf32, #tpu.memory_space<hbm>>) dst(%arg10 : memref<16xf32, #tpu.memory_space<vmem>>)
      tpu.yield
    }) : () -> ()
    %iota3A = tpu.iota {dimensions = array<i32: 0>} : vector<16xi32>
    %mul3A_5 = arith.constant 100 : i32
    %mul3A_6 = vector.broadcast %mul3A_5 : i32 to vector<16xi32>
    %mul3A_7 = arith.muli %iota3A, %mul3A_6 : vector<16xi32>
    %broadcast_in_dim3A = arith.constant 1 : i32
    %broadcast_in_dim3A_8 = vector.broadcast %broadcast_in_dim3A : i32 to vector<16xi32>
    %scan3A = arith.constant 0 : i32
    %scan3A_9 = arith.constant 0 : i32
    %scan3A_10 = arith.constant 32 : i32
    %scan3A_11 = arith.addi %scan3A_9, %scan3A_10 : i32
    %scan3A_12 = arith.constant 1 : i32
    scf.for %scan3A_14 = %scan3A_9 to %scan3A_11 step %scan3A_12  : i32 {
      %get3A = arith.constant 0 : index
      %get3A_15 = tpu.vector_load %arg10[%get3A] {strides = array<i32>} : memref<16xf32, #tpu.memory_space<vmem>>, vector<16xf32>,
      %broadcast_in_dim3A_16 = arith.constant 0.000000e+00 : f32
      %broadcast_in_dim3A_17 = vector.broadcast %broadcast_in_dim3A_16 : f32 to vector<16xf32>
      %broadcast_in_dim3A_18 = arith.constant 0.000000e+00 : f32
      %broadcast_in_dim3A_19 = vector.broadcast %broadcast_in_dim3A_18 : f32 to vector<16xf32>
      %broadcast_in_dim3A_20 = arith.constant 0.000000e+00 : f32
      %broadcast_in_dim3A_21 = vector.broadcast %broadcast_in_dim3A_20 : f32 to vector<16xf32>
      %mul3A_22 = arith.constant 1600 : i32
      %mul3A_23 = arith.muli %scan3A_14, %mul3A_22 : i32
      %add3A_24 = vector.broadcast %mul3A_23 : i32 to vector<16xi32>
      %add3A_25 = arith.addi %mul3A_7, %add3A_24 : vector<16xi32>
      %gather3A = tpu.vector_load_idx %arg7[%add3A_25] : memref<51200xf32, #tpu.memory_space<vmem>>[vector<16xi32>], vector<16xf32>,
      %add3A_26 = arith.addi %add3A_25, %broadcast_in_dim3A_8 : vector<16xi32>
      %mul3A_27 = arith.constant 3.200000e+01 : f32
      %mul3A_28 = vector.broadcast %mul3A_27 : f32 to vector<16xf32>
      %mul3A_29 = arith.mulf %gather3A, %mul3A_28 : vector<16xf32>
      %convert_element_type3A = arith.fptosi %mul3A_29 : vector<16xf32> to vector<16xi32>
      %add3A_30 = arith.constant 0 : i32
      %add3A_31 = vector.broadcast %add3A_30 : i32 to vector<16xi32>
      %add3A_32 = arith.addi %convert_element_type3A, %add3A_31 : vector<16xi32>
      %gather3A_33 = tpu.vector_load_idx %arg8[%add3A_32] : memref<3200xf32, #tpu.memory_space<vmem>>[vector<16xi32>], vector<16xf32>,
      %add3A_34 = arith.addf %get3A_15, %gather3A_33 : vector<16xf32>
      %gather3A_35 = tpu.vector_load_idx %arg7[%add3A_26] : memref<51200xf32, #tpu.memory_space<vmem>>[vector<16xi32>], vector<16xf32>,
      %add3A_36 = arith.addi %add3A_26, %broadcast_in_dim3A_8 : vector<16xi32>
      %mul3A_37 = arith.constant 3.200000e+01 : f32
      %mul3A_38 = vector.broadcast %mul3A_37 : f32 to vector<16xf32>
      %mul3A_39 = arith.mulf %gather3A_35, %mul3A_38 : vector<16xf32>
      %convert_element_type3A_40 = arith.fptosi %mul3A_39 : vector<16xf32> to vector<16xi32>
      %add3A_41 = arith.constant 32 : i32
      %add3A_42 = vector.broadcast %add3A_41 : i32 to vector<16xi32>
      %add3A_43 = arith.addi %convert_element_type3A_40, %add3A_42 : vector<16xi32>
      %gather3A_44 = tpu.vector_load_idx %arg8[%add3A_43] : memref<3200xf32, #tpu.memory_space<vmem>>[vector<16xi32>], vector<16xf32>,
      %add3A_45 = arith.addf %broadcast_in_dim3A_17, %gather3A_44 : vector<16xf32>
      %mul3A_46 = arith.constant 32 : i32
      %mul3A_47 = vector.broadcast %mul3A_46 : i32 to vector<16xi32>
      %mul3A_48 = arith.muli %convert_element_type3A, %mul3A_47 : vector<16xi32>
      %add3A_49 = arith.addi %mul3A_48, %convert_element_type3A_40 : vector<16xi32>
      %add3A_50 = arith.constant 0 : i32
      %add3A_51 = vector.broadcast %add3A_50 : i32 to vector<16xi32>
      %add3A_52 = arith.addi %add3A_49, %add3A_51 : vector<16xi32>
      %gather3A_53 = tpu.vector_load_idx %arg9[%add3A_52] : memref<10240xf32, #tpu.memory_space<vmem>>[vector<16xi32>], vector<16xf32>,
      %add3A_54 = arith.addf %broadcast_in_dim3A_19, %gather3A_53 : vector<16xf32>
      %gather3A_55 = tpu.vector_load_idx %arg7[%add3A_36] : memref<51200xf32, #tpu.memory_space<vmem>>[vector<16xi32>], vector<16xf32>,
      %add3A_56 = arith.addi %add3A_36, %broadcast_in_dim3A_8 : vector<16xi32>
      %mul3A_57 = arith.constant 3.200000e+01 : f32
      %mul3A_58 = vector.broadcast %mul3A_57 : f32 to vector<16xf32>
      %mul3A_59 = arith.mulf %gather3A_55, %mul3A_58 : vector<16xf32>
      %convert_element_type3A_60 = arith.fptosi %mul3A_59 : vector<16xf32> to vector<16xi32>
      %add3A_61 = arith.constant 64 : i32
      %add3A_62 = vector.broadcast %add3A_61 : i32 to vector<16xi32>
      %add3A_63 = arith.addi %convert_element_type3A_60, %add3A_62 : vector<16xi32>
      %gather3A_64 = tpu.vector_load_idx %arg8[%add3A_63] : memref<3200xf32, #tpu.memory_space<vmem>>[vector<16xi32>], vector<16xf32>,
      %add3A_65 = arith.addf %add3A_54, %gather3A_64 : vector<16xf32>
      %gather3A_66 = tpu.vector_load_idx %arg7[%add3A_56] : memref<51200xf32, #tpu.memory_space<vmem>>[vector<16xi32>], vector<16xf32>,
      %add3A_67 = arith.addi %add3A_56, %broadcast_in_dim3A_8 : vector<16xi32>
      %mul3A_68 = arith.constant 3.200000e+01 : f32
      %mul3A_69 = vector.broadcast %mul3A_68 : f32 to vector<16xf32>
      %mul3A_70 = arith.mulf %gather3A_66, %mul3A_69 : vector<16xf32>
      %convert_element_type3A_71 = arith.fptosi %mul3A_70 : vector<16xf32> to vector<16xi32>
      %add3A_72 = arith.constant 96 : i32
      %add3A_73 = vector.broadcast %add3A_72 : i32 to vector<16xi32>
      %add3A_74 = arith.addi %convert_element_type3A_71, %add3A_73 : vector<16xi32>
      %gather3A_75 = tpu.vector_load_idx %arg8[%add3A_74] : memref<3200xf32, #tpu.memory_space<vmem>>[vector<16xi32>], vector<16xf32>,
      %add3A_76 = arith.addf %broadcast_in_dim3A_21, %gather3A_75 : vector<16xf32>
      %mul3A_77 = arith.constant 32 : i32
      %mul3A_78 = vector.broadcast %mul3A_77 : i32 to vector<16xi32>
      %mul3A_79 = arith.muli %convert_element_type3A_60, %mul3A_78 : vector<16xi32>
      %add3A_80 = arith.addi %mul3A_79, %convert_element_type3A_71 : vector<16xi32>
      %add3A_81 = arith.constant 1024 : i32
      %add3A_82 = vector.broadcast %add3A_81 : i32 to vector<16xi32>
      %add3A_83 = arith.addi %add3A_80, %add3A_82 : vector<16xi32>
      %gather3A_84 = tpu.vector_load_idx %arg9[%add3A_83] : memref<10240xf32, #tpu.memory_space<vmem>>[vector<16xi32>], vector<16xf32>,
      %add3A_85 = arith.addf %add3A_34, %gather3A_84 : vector<16xf32>
      %gather3A_86 = tpu.vector_load_idx %arg7[%add3A_67] : memref<51200xf32, #tpu.memory_space<vmem>>[vector<16xi32>], vector<16xf32>,
      %add3A_87 = arith.addi %add3A_67, %broadcast_in_dim3A_8 : vector<16xi32>
      %mul3A_88 = arith.constant 3.200000e+01 : f32
      %mul3A_89 = vector.broadcast %mul3A_88 : f32 to vector<16xf32>
      %mul3A_90 = arith.mulf %gather3A_86, %mul3A_89 : vector<16xf32>
      %convert_element_type3A_91 = arith.fptosi %mul3A_90 : vector<16xf32> to vector<16xi32>
      %add3A_92 = arith.constant 128 : i32
      %add3A_93 = vector.broadcast %add3A_92 : i32 to vector<16xi32>
      %add3A_94 = arith.addi %convert_element_type3A_91, %add3A_93 : vector<16xi32>
      %gather3A_95 = tpu.vector_load_idx %arg8[%add3A_94] : memref<3200xf32, #tpu.memory_space<vmem>>[vector<16xi32>], vector<16xf32>,
      %add3A_96 = arith.addf %add3A_85, %gather3A_95 : vector<16xf32>
      %gather3A_97 = tpu.vector_load_idx %arg7[%add3A_87] : memref<51200xf32, #tpu.memory_space<vmem>>[vector<16xi32>], vector<16xf32>,
      %add3A_98 = arith.addi %add3A_87, %broadcast_in_dim3A_8 : vector<16xi32>
      %mul3A_99 = arith.constant 3.200000e+01 : f32
      %mul3A_100 = vector.broadcast %mul3A_99 : f32 to vector<16xf32>
      %mul3A_101 = arith.mulf %gather3A_97, %mul3A_100 : vector<16xf32>
      %convert_element_type3A_102 = arith.fptosi %mul3A_101 : vector<16xf32> to vector<16xi32>
      %add3A_103 = arith.constant 160 : i32
      %add3A_104 = vector.broadcast %add3A_103 : i32 to vector<16xi32>
      %add3A_105 = arith.addi %convert_element_type3A_102, %add3A_104 : vector<16xi32>
      %gather3A_106 = tpu.vector_load_idx %arg8[%add3A_105] : memref<3200xf32, #tpu.memory_space<vmem>>[vector<16xi32>], vector<16xf32>,
      %add3A_107 = arith.addf %add3A_45, %gather3A_106 : vector<16xf32>
      %mul3A_108 = arith.constant 32 : i32
      %mul3A_109 = vector.broadcast %mul3A_108 : i32 to vector<16xi32>
      %mul3A_110 = arith.muli %convert_element_type3A_91, %mul3A_109 : vector<16xi32>
      %add3A_111 = arith.addi %mul3A_110, %convert_element_type3A_102 : vector<16xi32>
      %add3A_112 = arith.constant 2048 : i32
      %add3A_113 = vector.broadcast %add3A_112 : i32 to vector<16xi32>
      %add3A_114 = arith.addi %add3A_111, %add3A_113 : vector<16xi32>
      %gather3A_115 = tpu.vector_load_idx %arg9[%add3A_114] : memref<10240xf32, #tpu.memory_space<vmem>>[vector<16xi32>], vector<16xf32>,
      %add3A_116 = arith.addf %add3A_65, %gather3A_115 : vector<16xf32>
      %gather3A_117 = tpu.vector_load_idx %arg7[%add3A_98] : memref<51200xf32, #tpu.memory_space<vmem>>[vector<16xi32>], vector<16xf32>,
      %add3A_118 = arith.addi %add3A_98, %broadcast_in_dim3A_8 : vector<16xi32>
      %mul3A_119 = arith.constant 3.200000e+01 : f32
      %mul3A_120 = vector.broadcast %mul3A_119 : f32 to vector<16xf32>
      %mul3A_121 = arith.mulf %gather3A_117, %mul3A_120 : vector<16xf32>
      %convert_element_type3A_122 = arith.fptosi %mul3A_121 : vector<16xf32> to vector<16xi32>
      %add3A_123 = arith.constant 192 : i32
      %add3A_124 = vector.broadcast %add3A_123 : i32 to vector<16xi32>
      %add3A_125 = arith.addi %convert_element_type3A_122, %add3A_124 : vector<16xi32>
      %gather3A_126 = tpu.vector_load_idx %arg8[%add3A_125] : memref<3200xf32, #tpu.memory_space<vmem>>[vector<16xi32>], vector<16xf32>,
      %add3A_127 = arith.addf %add3A_116, %gather3A_126 : vector<16xf32>
      %gather3A_128 = tpu.vector_load_idx %arg7[%add3A_118] : memref<51200xf32, #tpu.memory_space<vmem>>[vector<16xi32>], vector<16xf32>,
      %add3A_129 = arith.addi %add3A_118, %broadcast_in_dim3A_8 : vector<16xi32>
      %mul3A_130 = arith.constant 3.200000e+01 : f32
      %mul3A_131 = vector.broadcast %mul3A_130 : f32 to vector<16xf32>
      %mul3A_132 = arith.mulf %gather3A_128, %mul3A_131 : vector<16xf32>
      %convert_element_type3A_133 = arith.fptosi %mul3A_132 : vector<16xf32> to vector<16xi32>
      %add3A_134 = arith.constant 224 : i32
      %add3A_135 = vector.broadcast %add3A_134 : i32 to vector<16xi32>
      %add3A_136 = arith.addi %convert_element_type3A_133, %add3A_135 : vector<16xi32>
      %gather3A_137 = tpu.vector_load_idx %arg8[%add3A_136] : memref<3200xf32, #tpu.memory_space<vmem>>[vector<16xi32>], vector<16xf32>,
      %add3A_138 = arith.addf %add3A_76, %gather3A_137 : vector<16xf32>
      %mul3A_139 = arith.constant 32 : i32
      %mul3A_140 = vector.broadcast %mul3A_139 : i32 to vector<16xi32>
      %mul3A_141 = arith.muli %convert_element_type3A_122, %mul3A_140 : vector<16xi32>
      %add3A_142 = arith.addi %mul3A_141, %convert_element_type3A_133 : vector<16xi32>
      %add3A_143 = arith.constant 3072 : i32
      %add3A_144 = vector.broadcast %add3A_143 : i32 to vector<16xi32>
      %add3A_145 = arith.addi %add3A_142, %add3A_144 : vector<16xi32>
      %gather3A_146 = tpu.vector_load_idx %arg9[%add3A_145] : memref<10240xf32, #tpu.memory_space<vmem>>[vector<16xi32>], vector<16xf32>,
      %add3A_147 = arith.addf %add3A_96, %gather3A_146 : vector<16xf32>
      %gather3A_148 = tpu.vector_load_idx %arg7[%add3A_129] : memref<51200xf32, #tpu.memory_space<vmem>>[vector<16xi32>], vector<16xf32>,
      %add3A_149 = arith.addi %add3A_129, %broadcast_in_dim3A_8 : vector<16xi32>
      %mul3A_150 = arith.constant 3.200000e+01 : f32
      %mul3A_151 = vector.broadcast %mul3A_150 : f32 to vector<16xf32>
      %mul3A_152 = arith.mulf %gather3A_148, %mul3A_151 : vector<16xf32>
      %convert_element_type3A_153 = arith.fptosi %mul3A_152 : vector<16xf32> to vector<16xi32>
      %add3A_154 = arith.constant 256 : i32
      %add3A_155 = vector.broadcast %add3A_154 : i32 to vector<16xi32>
      %add3A_156 = arith.addi %convert_element_type3A_153, %add3A_155 : vector<16xi32>
      %gather3A_157 = tpu.vector_load_idx %arg8[%add3A_156] : memref<3200xf32, #tpu.memory_space<vmem>>[vector<16xi32>], vector<16xf32>,
      %add3A_158 = arith.addf %add3A_147, %gather3A_157 : vector<16xf32>
      %gather3A_159 = tpu.vector_load_idx %arg7[%add3A_149] : memref<51200xf32, #tpu.memory_space<vmem>>[vector<16xi32>], vector<16xf32>,
      %add3A_160 = arith.addi %add3A_149, %broadcast_in_dim3A_8 : vector<16xi32>
      %mul3A_161 = arith.constant 3.200000e+01 : f32
      %mul3A_162 = vector.broadcast %mul3A_161 : f32 to vector<16xf32>
      %mul3A_163 = arith.mulf %gather3A_159, %mul3A_162 : vector<16xf32>
      %convert_element_type3A_164 = arith.fptosi %mul3A_163 : vector<16xf32> to vector<16xi32>
      %add3A_165 = arith.constant 288 : i32
      %add3A_166 = vector.broadcast %add3A_165 : i32 to vector<16xi32>
      %add3A_167 = arith.addi %convert_element_type3A_164, %add3A_166 : vector<16xi32>
      %gather3A_168 = tpu.vector_load_idx %arg8[%add3A_167] : memref<3200xf32, #tpu.memory_space<vmem>>[vector<16xi32>], vector<16xf32>,
      %add3A_169 = arith.addf %add3A_107, %gather3A_168 : vector<16xf32>
      %mul3A_170 = arith.constant 32 : i32
      %mul3A_171 = vector.broadcast %mul3A_170 : i32 to vector<16xi32>
      %mul3A_172 = arith.muli %convert_element_type3A_153, %mul3A_171 : vector<16xi32>
      %add3A_173 = arith.addi %mul3A_172, %convert_element_type3A_164 : vector<16xi32>
      %add3A_174 = arith.constant 4096 : i32
      %add3A_175 = vector.broadcast %add3A_174 : i32 to vector<16xi32>
      %add3A_176 = arith.addi %add3A_173, %add3A_175 : vector<16xi32>
      %gather3A_177 = tpu.vector_load_idx %arg9[%add3A_176] : memref<10240xf32, #tpu.memory_space<vmem>>[vector<16xi32>], vector<16xf32>,
      %add3A_178 = arith.addf %add3A_127, %gather3A_177 : vector<16xf32>
      %gather3A_179 = tpu.vector_load_idx %arg7[%add3A_160] : memref<51200xf32, #tpu.memory_space<vmem>>[vector<16xi32>], vector<16xf32>,
      %add3A_180 = arith.addi %add3A_160, %broadcast_in_dim3A_8 : vector<16xi32>
      %mul3A_181 = arith.constant 3.200000e+01 : f32
      %mul3A_182 = vector.broadcast %mul3A_181 : f32 to vector<16xf32>
      %mul3A_183 = arith.mulf %gather3A_179, %mul3A_182 : vector<16xf32>
      %convert_element_type3A_184 = arith.fptosi %mul3A_183 : vector<16xf32> to vector<16xi32>
      %add3A_185 = arith.constant 320 : i32
      %add3A_186 = vector.broadcast %add3A_185 : i32 to vector<16xi32>
      %add3A_187 = arith.addi %convert_element_type3A_184, %add3A_186 : vector<16xi32>
      %gather3A_188 = tpu.vector_load_idx %arg8[%add3A_187] : memref<3200xf32, #tpu.memory_space<vmem>>[vector<16xi32>], vector<16xf32>,
      %add3A_189 = arith.addf %add3A_178, %gather3A_188 : vector<16xf32>
      %gather3A_190 = tpu.vector_load_idx %arg7[%add3A_180] : memref<51200xf32, #tpu.memory_space<vmem>>[vector<16xi32>], vector<16xf32>,
      %add3A_191 = arith.addi %add3A_180, %broadcast_in_dim3A_8 : vector<16xi32>
      %mul3A_192 = arith.constant 3.200000e+01 : f32
      %mul3A_193 = vector.broadcast %mul3A_192 : f32 to vector<16xf32>
      %mul3A_194 = arith.mulf %gather3A_190, %mul3A_193 : vector<16xf32>
      %convert_element_type3A_195 = arith.fptosi %mul3A_194 : vector<16xf32> to vector<16xi32>
      %add3A_196 = arith.constant 352 : i32
      %add3A_197 = vector.broadcast %add3A_196 : i32 to vector<16xi32>
      %add3A_198 = arith.addi %convert_element_type3A_195, %add3A_197 : vector<16xi32>
      %gather3A_199 = tpu.vector_load_idx %arg8[%add3A_198] : memref<3200xf32, #tpu.memory_space<vmem>>[vector<16xi32>], vector<16xf32>,
      %add3A_200 = arith.addf %add3A_138, %gather3A_199 : vector<16xf32>
      %mul3A_201 = arith.constant 32 : i32
      %mul3A_202 = vector.broadcast %mul3A_201 : i32 to vector<16xi32>
      %mul3A_203 = arith.muli %convert_element_type3A_184, %mul3A_202 : vector<16xi32>
      %add3A_204 = arith.addi %mul3A_203, %convert_element_type3A_195 : vector<16xi32>
      %add3A_205 = arith.constant 5120 : i32
      %add3A_206 = vector.broadcast %add3A_205 : i32 to vector<16xi32>
      %add3A_207 = arith.addi %add3A_204, %add3A_206 : vector<16xi32>
      %gather3A_208 = tpu.vector_load_idx %arg9[%add3A_207] : memref<10240xf32, #tpu.memory_space<vmem>>[vector<16xi32>], vector<16xf32>,
      %add3A_209 = arith.addf %add3A_158, %gather3A_208 : vector<16xf32>
      %gather3A_210 = tpu.vector_load_idx %arg7[%add3A_191] : memref<51200xf32, #tpu.memory_space<vmem>>[vector<16xi32>], vector<16xf32>,
      %add3A_211 = arith.addi %add3A_191, %broadcast_in_dim3A_8 : vector<16xi32>
      %mul3A_212 = arith.constant 3.200000e+01 : f32
      %mul3A_213 = vector.broadcast %mul3A_212 : f32 to vector<16xf32>
      %mul3A_214 = arith.mulf %gather3A_210, %mul3A_213 : vector<16xf32>
      %convert_element_type3A_215 = arith.fptosi %mul3A_214 : vector<16xf32> to vector<16xi32>
      %add3A_216 = arith.constant 384 : i32
      %add3A_217 = vector.broadcast %add3A_216 : i32 to vector<16xi32>
      %add3A_218 = arith.addi %convert_element_type3A_215, %add3A_217 : vector<16xi32>
      %gather3A_219 = tpu.vector_load_idx %arg8[%add3A_218] : memref<3200xf32, #tpu.memory_space<vmem>>[vector<16xi32>], vector<16xf32>,
      %add3A_220 = arith.addf %add3A_209, %gather3A_219 : vector<16xf32>
      %gather3A_221 = tpu.vector_load_idx %arg7[%add3A_211] : memref<51200xf32, #tpu.memory_space<vmem>>[vector<16xi32>], vector<16xf32>,
      %add3A_222 = arith.addi %add3A_211, %broadcast_in_dim3A_8 : vector<16xi32>
      %mul3A_223 = arith.constant 3.200000e+01 : f32
      %mul3A_224 = vector.broadcast %mul3A_223 : f32 to vector<16xf32>
      %mul3A_225 = arith.mulf %gather3A_221, %mul3A_224 : vector<16xf32>
      %convert_element_type3A_226 = arith.fptosi %mul3A_225 : vector<16xf32> to vector<16xi32>
      %add3A_227 = arith.constant 416 : i32
      %add3A_228 = vector.broadcast %add3A_227 : i32 to vector<16xi32>
      %add3A_229 = arith.addi %convert_element_type3A_226, %add3A_228 : vector<16xi32>
      %gather3A_230 = tpu.vector_load_idx %arg8[%add3A_229] : memref<3200xf32, #tpu.memory_space<vmem>>[vector<16xi32>], vector<16xf32>,
      %add3A_231 = arith.addf %add3A_169, %gather3A_230 : vector<16xf32>
      %mul3A_232 = arith.constant 32 : i32
      %mul3A_233 = vector.broadcast %mul3A_232 : i32 to vector<16xi32>
      %mul3A_234 = arith.muli %convert_element_type3A_215, %mul3A_233 : vector<16xi32>
      %add3A_235 = arith.addi %mul3A_234, %convert_element_type3A_226 : vector<16xi32>
      %add3A_236 = arith.constant 6144 : i32
      %add3A_237 = vector.broadcast %add3A_236 : i32 to vector<16xi32>
      %add3A_238 = arith.addi %add3A_235, %add3A_237 : vector<16xi32>
      %gather3A_239 = tpu.vector_load_idx %arg9[%add3A_238] : memref<10240xf32, #tpu.memory_space<vmem>>[vector<16xi32>], vector<16xf32>,
      %add3A_240 = arith.addf %add3A_189, %gather3A_239 : vector<16xf32>
      %gather3A_241 = tpu.vector_load_idx %arg7[%add3A_222] : memref<51200xf32, #tpu.memory_space<vmem>>[vector<16xi32>], vector<16xf32>,
      %add3A_242 = arith.addi %add3A_222, %broadcast_in_dim3A_8 : vector<16xi32>
      %mul3A_243 = arith.constant 3.200000e+01 : f32
      %mul3A_244 = vector.broadcast %mul3A_243 : f32 to vector<16xf32>
      %mul3A_245 = arith.mulf %gather3A_241, %mul3A_244 : vector<16xf32>
      %convert_element_type3A_246 = arith.fptosi %mul3A_245 : vector<16xf32> to vector<16xi32>
      %add3A_247 = arith.constant 448 : i32
      %add3A_248 = vector.broadcast %add3A_247 : i32 to vector<16xi32>
      %add3A_249 = arith.addi %convert_element_type3A_246, %add3A_248 : vector<16xi32>
      %gather3A_250 = tpu.vector_load_idx %arg8[%add3A_249] : memref<3200xf32, #tpu.memory_space<vmem>>[vector<16xi32>], vector<16xf32>,
      %add3A_251 = arith.addf %add3A_240, %gather3A_250 : vector<16xf32>
      %gather3A_252 = tpu.vector_load_idx %arg7[%add3A_242] : memref<51200xf32, #tpu.memory_space<vmem>>[vector<16xi32>], vector<16xf32>,
      %add3A_253 = arith.addi %add3A_242, %broadcast_in_dim3A_8 : vector<16xi32>
      %mul3A_254 = arith.constant 3.200000e+01 : f32
      %mul3A_255 = vector.broadcast %mul3A_254 : f32 to vector<16xf32>
      %mul3A_256 = arith.mulf %gather3A_252, %mul3A_255 : vector<16xf32>
      %convert_element_type3A_257 = arith.fptosi %mul3A_256 : vector<16xf32> to vector<16xi32>
      %add3A_258 = arith.constant 480 : i32
      %add3A_259 = vector.broadcast %add3A_258 : i32 to vector<16xi32>
      %add3A_260 = arith.addi %convert_element_type3A_257, %add3A_259 : vector<16xi32>
      %gather3A_261 = tpu.vector_load_idx %arg8[%add3A_260] : memref<3200xf32, #tpu.memory_space<vmem>>[vector<16xi32>], vector<16xf32>,
      %add3A_262 = arith.addf %add3A_200, %gather3A_261 : vector<16xf32>
      %mul3A_263 = arith.constant 32 : i32
      %mul3A_264 = vector.broadcast %mul3A_263 : i32 to vector<16xi32>
      %mul3A_265 = arith.muli %convert_element_type3A_246, %mul3A_264 : vector<16xi32>
      %add3A_266 = arith.addi %mul3A_265, %convert_element_type3A_257 : vector<16xi32>
      %add3A_267 = arith.constant 7168 : i32
      %add3A_268 = vector.broadcast %add3A_267 : i32 to vector<16xi32>
      %add3A_269 = arith.addi %add3A_266, %add3A_268 : vector<16xi32>
      %gather3A_270 = tpu.vector_load_idx %arg9[%add3A_269] : memref<10240xf32, #tpu.memory_space<vmem>>[vector<16xi32>], vector<16xf32>,
      %add3A_271 = arith.addf %add3A_220, %gather3A_270 : vector<16xf32>
      %gather3A_272 = tpu.vector_load_idx %arg7[%add3A_253] : memref<51200xf32, #tpu.memory_space<vmem>>[vector<16xi32>], vector<16xf32>,
      %add3A_273 = arith.addi %add3A_253, %broadcast_in_dim3A_8 : vector<16xi32>
      %mul3A_274 = arith.constant 3.200000e+01 : f32
      %mul3A_275 = vector.broadcast %mul3A_274 : f32 to vector<16xf32>
      %mul3A_276 = arith.mulf %gather3A_272, %mul3A_275 : vector<16xf32>
      %convert_element_type3A_277 = arith.fptosi %mul3A_276 : vector<16xf32> to vector<16xi32>
      %add3A_278 = arith.constant 512 : i32
      %add3A_279 = vector.broadcast %add3A_278 : i32 to vector<16xi32>
      %add3A_280 = arith.addi %convert_element_type3A_277, %add3A_279 : vector<16xi32>
      %gather3A_281 = tpu.vector_load_idx %arg8[%add3A_280] : memref<3200xf32, #tpu.memory_space<vmem>>[vector<16xi32>], vector<16xf32>,
      %add3A_282 = arith.addf %add3A_271, %gather3A_281 : vector<16xf32>
      %gather3A_283 = tpu.vector_load_idx %arg7[%add3A_273] : memref<51200xf32, #tpu.memory_space<vmem>>[vector<16xi32>], vector<16xf32>,
      %add3A_284 = arith.addi %add3A_273, %broadcast_in_dim3A_8 : vector<16xi32>
      %mul3A_285 = arith.constant 3.200000e+01 : f32
      %mul3A_286 = vector.broadcast %mul3A_285 : f32 to vector<16xf32>
      %mul3A_287 = arith.mulf %gather3A_283, %mul3A_286 : vector<16xf32>
      %convert_element_type3A_288 = arith.fptosi %mul3A_287 : vector<16xf32> to vector<16xi32>
      %add3A_289 = arith.constant 544 : i32
      %add3A_290 = vector.broadcast %add3A_289 : i32 to vector<16xi32>
      %add3A_291 = arith.addi %convert_element_type3A_288, %add3A_290 : vector<16xi32>
      %gather3A_292 = tpu.vector_load_idx %arg8[%add3A_291] : memref<3200xf32, #tpu.memory_space<vmem>>[vector<16xi32>], vector<16xf32>,
      %add3A_293 = arith.addf %add3A_231, %gather3A_292 : vector<16xf32>
      %mul3A_294 = arith.constant 32 : i32
      %mul3A_295 = vector.broadcast %mul3A_294 : i32 to vector<16xi32>
      %mul3A_296 = arith.muli %convert_element_type3A_277, %mul3A_295 : vector<16xi32>
      %add3A_297 = arith.addi %mul3A_296, %convert_element_type3A_288 : vector<16xi32>
      %add3A_298 = arith.constant 8192 : i32
      %add3A_299 = vector.broadcast %add3A_298 : i32 to vector<16xi32>
      %add3A_300 = arith.addi %add3A_297, %add3A_299 : vector<16xi32>
      %gather3A_301 = tpu.vector_load_idx %arg9[%add3A_300] : memref<10240xf32, #tpu.memory_space<vmem>>[vector<16xi32>], vector<16xf32>,
      %add3A_302 = arith.addf %add3A_251, %gather3A_301 : vector<16xf32>
      %gather3A_303 = tpu.vector_load_idx %arg7[%add3A_284] : memref<51200xf32, #tpu.memory_space<vmem>>[vector<16xi32>], vector<16xf32>,
      %add3A_304 = arith.addi %add3A_284, %broadcast_in_dim3A_8 : vector<16xi32>
      %mul3A_305 = arith.constant 3.200000e+01 : f32
      %mul3A_306 = vector.broadcast %mul3A_305 : f32 to vector<16xf32>
      %mul3A_307 = arith.mulf %gather3A_303, %mul3A_306 : vector<16xf32>
      %convert_element_type3A_308 = arith.fptosi %mul3A_307 : vector<16xf32> to vector<16xi32>
      %add3A_309 = arith.constant 576 : i32
      %add3A_310 = vector.broadcast %add3A_309 : i32 to vector<16xi32>
      %add3A_311 = arith.addi %convert_element_type3A_308, %add3A_310 : vector<16xi32>
      %gather3A_312 = tpu.vector_load_idx %arg8[%add3A_311] : memref<3200xf32, #tpu.memory_space<vmem>>[vector<16xi32>], vector<16xf32>,
      %add3A_313 = arith.addf %add3A_302, %gather3A_312 : vector<16xf32>
      %gather3A_314 = tpu.vector_load_idx %arg7[%add3A_304] : memref<51200xf32, #tpu.memory_space<vmem>>[vector<16xi32>], vector<16xf32>,
      %add3A_315 = arith.addi %add3A_304, %broadcast_in_dim3A_8 : vector<16xi32>
      %mul3A_316 = arith.constant 3.200000e+01 : f32
      %mul3A_317 = vector.broadcast %mul3A_316 : f32 to vector<16xf32>
      %mul3A_318 = arith.mulf %gather3A_314, %mul3A_317 : vector<16xf32>
      %convert_element_type3A_319 = arith.fptosi %mul3A_318 : vector<16xf32> to vector<16xi32>
      %add3A_320 = arith.constant 608 : i32
      %add3A_321 = vector.broadcast %add3A_320 : i32 to vector<16xi32>
      %add3A_322 = arith.addi %convert_element_type3A_319, %add3A_321 : vector<16xi32>
      %gather3A_323 = tpu.vector_load_idx %arg8[%add3A_322] : memref<3200xf32, #tpu.memory_space<vmem>>[vector<16xi32>], vector<16xf32>,
      %add3A_324 = arith.addf %add3A_262, %gather3A_323 : vector<16xf32>
      %mul3A_325 = arith.constant 32 : i32
      %mul3A_326 = vector.broadcast %mul3A_325 : i32 to vector<16xi32>
      %mul3A_327 = arith.muli %convert_element_type3A_308, %mul3A_326 : vector<16xi32>
      %add3A_328 = arith.addi %mul3A_327, %convert_element_type3A_319 : vector<16xi32>
      %add3A_329 = arith.constant 9216 : i32
      %add3A_330 = vector.broadcast %add3A_329 : i32 to vector<16xi32>
      %add3A_331 = arith.addi %add3A_328, %add3A_330 : vector<16xi32>
      %gather3A_332 = tpu.vector_load_idx %arg9[%add3A_331] : memref<10240xf32, #tpu.memory_space<vmem>>[vector<16xi32>], vector<16xf32>,
      %add3A_333 = arith.addf %add3A_282, %gather3A_332 : vector<16xf32>
      %gather3A_334 = tpu.vector_load_idx %arg7[%add3A_315] : memref<51200xf32, #tpu.memory_space<vmem>>[vector<16xi32>], vector<16xf32>,
      %add3A_335 = arith.addi %add3A_315, %broadcast_in_dim3A_8 : vector<16xi32>
      %mul3A_336 = arith.constant 3.200000e+01 : f32
      %mul3A_337 = vector.broadcast %mul3A_336 : f32 to vector<16xf32>
      %mul3A_338 = arith.mulf %gather3A_334, %mul3A_337 : vector<16xf32>
      %convert_element_type3A_339 = arith.fptosi %mul3A_338 : vector<16xf32> to vector<16xi32>
      %add3A_340 = arith.constant 640 : i32
      %add3A_341 = vector.broadcast %add3A_340 : i32 to vector<16xi32>
      %add3A_342 = arith.addi %convert_element_type3A_339, %add3A_341 : vector<16xi32>
      %gather3A_343 = tpu.vector_load_idx %arg8[%add3A_342] : memref<3200xf32, #tpu.memory_space<vmem>>[vector<16xi32>], vector<16xf32>,
      %add3A_344 = arith.addf %add3A_333, %gather3A_343 : vector<16xf32>
      %gather3A_345 = tpu.vector_load_idx %arg7[%add3A_335] : memref<51200xf32, #tpu.memory_space<vmem>>[vector<16xi32>], vector<16xf32>,
      %add3A_346 = arith.addi %add3A_335, %broadcast_in_dim3A_8 : vector<16xi32>
      %mul3A_347 = arith.constant 3.200000e+01 : f32
      %mul3A_348 = vector.broadcast %mul3A_347 : f32 to vector<16xf32>
      %mul3A_349 = arith.mulf %gather3A_345, %mul3A_348 : vector<16xf32>
      %convert_element_type3A_350 = arith.fptosi %mul3A_349 : vector<16xf32> to vector<16xi32>
      %add3A_351 = arith.constant 672 : i32
      %add3A_352 = vector.broadcast %add3A_351 : i32 to vector<16xi32>
      %add3A_353 = arith.addi %convert_element_type3A_350, %add3A_352 : vector<16xi32>
      %gather3A_354 = tpu.vector_load_idx %arg8[%add3A_353] : memref<3200xf32, #tpu.memory_space<vmem>>[vector<16xi32>], vector<16xf32>,
      %add3A_355 = arith.addf %add3A_293, %gather3A_354 : vector<16xf32>
      %gather3A_356 = tpu.vector_load_idx %arg7[%add3A_346] : memref<51200xf32, #tpu.memory_space<vmem>>[vector<16xi32>], vector<16xf32>,
      %add3A_357 = arith.addi %add3A_346, %broadcast_in_dim3A_8 : vector<16xi32>
      %mul3A_358 = arith.constant 3.200000e+01 : f32
      %mul3A_359 = vector.broadcast %mul3A_358 : f32 to vector<16xf32>
      %mul3A_360 = arith.mulf %gather3A_356, %mul3A_359 : vector<16xf32>
      %convert_element_type3A_361 = arith.fptosi %mul3A_360 : vector<16xf32> to vector<16xi32>
      %add3A_362 = arith.constant 704 : i32
      %add3A_363 = vector.broadcast %add3A_362 : i32 to vector<16xi32>
      %add3A_364 = arith.addi %convert_element_type3A_361, %add3A_363 : vector<16xi32>
      %gather3A_365 = tpu.vector_load_idx %arg8[%add3A_364] : memref<3200xf32, #tpu.memory_space<vmem>>[vector<16xi32>], vector<16xf32>,
      %add3A_366 = arith.addf %add3A_313, %gather3A_365 : vector<16xf32>
      %gather3A_367 = tpu.vector_load_idx %arg7[%add3A_357] : memref<51200xf32, #tpu.memory_space<vmem>>[vector<16xi32>], vector<16xf32>,
      %add3A_368 = arith.addi %add3A_357, %broadcast_in_dim3A_8 : vector<16xi32>
      %mul3A_369 = arith.constant 3.200000e+01 : f32
      %mul3A_370 = vector.broadcast %mul3A_369 : f32 to vector<16xf32>
      %mul3A_371 = arith.mulf %gather3A_367, %mul3A_370 : vector<16xf32>
      %convert_element_type3A_372 = arith.fptosi %mul3A_371 : vector<16xf32> to vector<16xi32>
      %add3A_373 = arith.constant 736 : i32
      %add3A_374 = vector.broadcast %add3A_373 : i32 to vector<16xi32>
      %add3A_375 = arith.addi %convert_element_type3A_372, %add3A_374 : vector<16xi32>
      %gather3A_376 = tpu.vector_load_idx %arg8[%add3A_375] : memref<3200xf32, #tpu.memory_space<vmem>>[vector<16xi32>], vector<16xf32>,
      %add3A_377 = arith.addf %add3A_324, %gather3A_376 : vector<16xf32>
      %gather3A_378 = tpu.vector_load_idx %arg7[%add3A_368] : memref<51200xf32, #tpu.memory_space<vmem>>[vector<16xi32>], vector<16xf32>,
      %add3A_379 = arith.addi %add3A_368, %broadcast_in_dim3A_8 : vector<16xi32>
      %mul3A_380 = arith.constant 3.200000e+01 : f32
      %mul3A_381 = vector.broadcast %mul3A_380 : f32 to vector<16xf32>
      %mul3A_382 = arith.mulf %gather3A_378, %mul3A_381 : vector<16xf32>
      %convert_element_type3A_383 = arith.fptosi %mul3A_382 : vector<16xf32> to vector<16xi32>
      %add3A_384 = arith.constant 768 : i32
      %add3A_385 = vector.broadcast %add3A_384 : i32 to vector<16xi32>
      %add3A_386 = arith.addi %convert_element_type3A_383, %add3A_385 : vector<16xi32>
      %gather3A_387 = tpu.vector_load_idx %arg8[%add3A_386] : memref<3200xf32, #tpu.memory_space<vmem>>[vector<16xi32>], vector<16xf32>,
      %add3A_388 = arith.addf %add3A_344, %gather3A_387 : vector<16xf32>
      %gather3A_389 = tpu.vector_load_idx %arg7[%add3A_379] : memref<51200xf32, #tpu.memory_space<vmem>>[vector<16xi32>], vector<16xf32>,
      %add3A_390 = arith.addi %add3A_379, %broadcast_in_dim3A_8 : vector<16xi32>
      %mul3A_391 = arith.constant 3.200000e+01 : f32
      %mul3A_392 = vector.broadcast %mul3A_391 : f32 to vector<16xf32>
      %mul3A_393 = arith.mulf %gather3A_389, %mul3A_392 : vector<16xf32>
      %convert_element_type3A_394 = arith.fptosi %mul3A_393 : vector<16xf32> to vector<16xi32>
      %add3A_395 = arith.constant 800 : i32
      %add3A_396 = vector.broadcast %add3A_395 : i32 to vector<16xi32>
      %add3A_397 = arith.addi %convert_element_type3A_394, %add3A_396 : vector<16xi32>
      %gather3A_398 = tpu.vector_load_idx %arg8[%add3A_397] : memref<3200xf32, #tpu.memory_space<vmem>>[vector<16xi32>], vector<16xf32>,
      %add3A_399 = arith.addf %add3A_355, %gather3A_398 : vector<16xf32>
      %gather3A_400 = tpu.vector_load_idx %arg7[%add3A_390] : memref<51200xf32, #tpu.memory_space<vmem>>[vector<16xi32>], vector<16xf32>,
      %add3A_401 = arith.addi %add3A_390, %broadcast_in_dim3A_8 : vector<16xi32>
      %mul3A_402 = arith.constant 3.200000e+01 : f32
      %mul3A_403 = vector.broadcast %mul3A_402 : f32 to vector<16xf32>
      %mul3A_404 = arith.mulf %gather3A_400, %mul3A_403 : vector<16xf32>
      %convert_element_type3A_405 = arith.fptosi %mul3A_404 : vector<16xf32> to vector<16xi32>
      %add3A_406 = arith.constant 832 : i32
      %add3A_407 = vector.broadcast %add3A_406 : i32 to vector<16xi32>
      %add3A_408 = arith.addi %convert_element_type3A_405, %add3A_407 : vector<16xi32>
      %gather3A_409 = tpu.vector_load_idx %arg8[%add3A_408] : memref<3200xf32, #tpu.memory_space<vmem>>[vector<16xi32>], vector<16xf32>,
      %add3A_410 = arith.addf %add3A_366, %gather3A_409 : vector<16xf32>
      %gather3A_411 = tpu.vector_load_idx %arg7[%add3A_401] : memref<51200xf32, #tpu.memory_space<vmem>>[vector<16xi32>], vector<16xf32>,
      %add3A_412 = arith.addi %add3A_401, %broadcast_in_dim3A_8 : vector<16xi32>
      %mul3A_413 = arith.constant 3.200000e+01 : f32
      %mul3A_414 = vector.broadcast %mul3A_413 : f32 to vector<16xf32>
      %mul3A_415 = arith.mulf %gather3A_411, %mul3A_414 : vector<16xf32>
      %convert_element_type3A_416 = arith.fptosi %mul3A_415 : vector<16xf32> to vector<16xi32>
      %add3A_417 = arith.constant 864 : i32
      %add3A_418 = vector.broadcast %add3A_417 : i32 to vector<16xi32>
      %add3A_419 = arith.addi %convert_element_type3A_416, %add3A_418 : vector<16xi32>
      %gather3A_420 = tpu.vector_load_idx %arg8[%add3A_419] : memref<3200xf32, #tpu.memory_space<vmem>>[vector<16xi32>], vector<16xf32>,
      %add3A_421 = arith.addf %add3A_377, %gather3A_420 : vector<16xf32>
      %gather3A_422 = tpu.vector_load_idx %arg7[%add3A_412] : memref<51200xf32, #tpu.memory_space<vmem>>[vector<16xi32>], vector<16xf32>,
      %add3A_423 = arith.addi %add3A_412, %broadcast_in_dim3A_8 : vector<16xi32>
      %mul3A_424 = arith.constant 3.200000e+01 : f32
      %mul3A_425 = vector.broadcast %mul3A_424 : f32 to vector<16xf32>
      %mul3A_426 = arith.mulf %gather3A_422, %mul3A_425 : vector<16xf32>
      %convert_element_type3A_427 = arith.fptosi %mul3A_426 : vector<16xf32> to vector<16xi32>
      %add3A_428 = arith.constant 896 : i32
      %add3A_429 = vector.broadcast %add3A_428 : i32 to vector<16xi32>
      %add3A_430 = arith.addi %convert_element_type3A_427, %add3A_429 : vector<16xi32>
      %gather3A_431 = tpu.vector_load_idx %arg8[%add3A_430] : memref<3200xf32, #tpu.memory_space<vmem>>[vector<16xi32>], vector<16xf32>,
      %add3A_432 = arith.addf %add3A_388, %gather3A_431 : vector<16xf32>
      %gather3A_433 = tpu.vector_load_idx %arg7[%add3A_423] : memref<51200xf32, #tpu.memory_space<vmem>>[vector<16xi32>], vector<16xf32>,
      %add3A_434 = arith.addi %add3A_423, %broadcast_in_dim3A_8 : vector<16xi32>
      %mul3A_435 = arith.constant 3.200000e+01 : f32
      %mul3A_436 = vector.broadcast %mul3A_435 : f32 to vector<16xf32>
      %mul3A_437 = arith.mulf %gather3A_433, %mul3A_436 : vector<16xf32>
      %convert_element_type3A_438 = arith.fptosi %mul3A_437 : vector<16xf32> to vector<16xi32>
      %add3A_439 = arith.constant 928 : i32
      %add3A_440 = vector.broadcast %add3A_439 : i32 to vector<16xi32>
      %add3A_441 = arith.addi %convert_element_type3A_438, %add3A_440 : vector<16xi32>
      %gather3A_442 = tpu.vector_load_idx %arg8[%add3A_441] : memref<3200xf32, #tpu.memory_space<vmem>>[vector<16xi32>], vector<16xf32>,
      %add3A_443 = arith.addf %add3A_399, %gather3A_442 : vector<16xf32>
      %gather3A_444 = tpu.vector_load_idx %arg7[%add3A_434] : memref<51200xf32, #tpu.memory_space<vmem>>[vector<16xi32>], vector<16xf32>,
      %add3A_445 = arith.addi %add3A_434, %broadcast_in_dim3A_8 : vector<16xi32>
      %mul3A_446 = arith.constant 3.200000e+01 : f32
      %mul3A_447 = vector.broadcast %mul3A_446 : f32 to vector<16xf32>
      %mul3A_448 = arith.mulf %gather3A_444, %mul3A_447 : vector<16xf32>
      %convert_element_type3A_449 = arith.fptosi %mul3A_448 : vector<16xf32> to vector<16xi32>
      %add3A_450 = arith.constant 960 : i32
      %add3A_451 = vector.broadcast %add3A_450 : i32 to vector<16xi32>
      %add3A_452 = arith.addi %convert_element_type3A_449, %add3A_451 : vector<16xi32>
      %gather3A_453 = tpu.vector_load_idx %arg8[%add3A_452] : memref<3200xf32, #tpu.memory_space<vmem>>[vector<16xi32>], vector<16xf32>,
      %add3A_454 = arith.addf %add3A_410, %gather3A_453 : vector<16xf32>
      %gather3A_455 = tpu.vector_load_idx %arg7[%add3A_445] : memref<51200xf32, #tpu.memory_space<vmem>>[vector<16xi32>], vector<16xf32>,
      %add3A_456 = arith.addi %add3A_445, %broadcast_in_dim3A_8 : vector<16xi32>
      %mul3A_457 = arith.constant 3.200000e+01 : f32
      %mul3A_458 = vector.broadcast %mul3A_457 : f32 to vector<16xf32>
      %mul3A_459 = arith.mulf %gather3A_455, %mul3A_458 : vector<16xf32>
      %convert_element_type3A_460 = arith.fptosi %mul3A_459 : vector<16xf32> to vector<16xi32>
      %add3A_461 = arith.constant 992 : i32
      %add3A_462 = vector.broadcast %add3A_461 : i32 to vector<16xi32>
      %add3A_463 = arith.addi %convert_element_type3A_460, %add3A_462 : vector<16xi32>
      %gather3A_464 = tpu.vector_load_idx %arg8[%add3A_463] : memref<3200xf32, #tpu.memory_space<vmem>>[vector<16xi32>], vector<16xf32>,
      %add3A_465 = arith.addf %add3A_421, %gather3A_464 : vector<16xf32>
      %gather3A_466 = tpu.vector_load_idx %arg7[%add3A_456] : memref<51200xf32, #tpu.memory_space<vmem>>[vector<16xi32>], vector<16xf32>,
      %add3A_467 = arith.addi %add3A_456, %broadcast_in_dim3A_8 : vector<16xi32>
      %mul3A_468 = arith.constant 3.200000e+01 : f32
      %mul3A_469 = vector.broadcast %mul3A_468 : f32 to vector<16xf32>
      %mul3A_470 = arith.mulf %gather3A_466, %mul3A_469 : vector<16xf32>
      %convert_element_type3A_471 = arith.fptosi %mul3A_470 : vector<16xf32> to vector<16xi32>
      %add3A_472 = arith.constant 1024 : i32
      %add3A_473 = vector.broadcast %add3A_472 : i32 to vector<16xi32>
      %add3A_474 = arith.addi %convert_element_type3A_471, %add3A_473 : vector<16xi32>
      %gather3A_475 = tpu.vector_load_idx %arg8[%add3A_474] : memref<3200xf32, #tpu.memory_space<vmem>>[vector<16xi32>], vector<16xf32>,
      %add3A_476 = arith.addf %add3A_432, %gather3A_475 : vector<16xf32>
      %gather3A_477 = tpu.vector_load_idx %arg7[%add3A_467] : memref<51200xf32, #tpu.memory_space<vmem>>[vector<16xi32>], vector<16xf32>,
      %add3A_478 = arith.addi %add3A_467, %broadcast_in_dim3A_8 : vector<16xi32>
      %mul3A_479 = arith.constant 3.200000e+01 : f32
      %mul3A_480 = vector.broadcast %mul3A_479 : f32 to vector<16xf32>
      %mul3A_481 = arith.mulf %gather3A_477, %mul3A_480 : vector<16xf32>
      %convert_element_type3A_482 = arith.fptosi %mul3A_481 : vector<16xf32> to vector<16xi32>
      %add3A_483 = arith.constant 1056 : i32
      %add3A_484 = vector.broadcast %add3A_483 : i32 to vector<16xi32>
      %add3A_485 = arith.addi %convert_element_type3A_482, %add3A_484 : vector<16xi32>
      %gather3A_486 = tpu.vector_load_idx %arg8[%add3A_485] : memref<3200xf32, #tpu.memory_space<vmem>>[vector<16xi32>], vector<16xf32>,
      %add3A_487 = arith.addf %add3A_443, %gather3A_486 : vector<16xf32>
      %gather3A_488 = tpu.vector_load_idx %arg7[%add3A_478] : memref<51200xf32, #tpu.memory_space<vmem>>[vector<16xi32>], vector<16xf32>,
      %add3A_489 = arith.addi %add3A_478, %broadcast_in_dim3A_8 : vector<16xi32>
      %mul3A_490 = arith.constant 3.200000e+01 : f32
      %mul3A_491 = vector.broadcast %mul3A_490 : f32 to vector<16xf32>
      %mul3A_492 = arith.mulf %gather3A_488, %mul3A_491 : vector<16xf32>
      %convert_element_type3A_493 = arith.fptosi %mul3A_492 : vector<16xf32> to vector<16xi32>
      %add3A_494 = arith.constant 1088 : i32
      %add3A_495 = vector.broadcast %add3A_494 : i32 to vector<16xi32>
      %add3A_496 = arith.addi %convert_element_type3A_493, %add3A_495 : vector<16xi32>
      %gather3A_497 = tpu.vector_load_idx %arg8[%add3A_496] : memref<3200xf32, #tpu.memory_space<vmem>>[vector<16xi32>], vector<16xf32>,
      %add3A_498 = arith.addf %add3A_454, %gather3A_497 : vector<16xf32>
      %gather3A_499 = tpu.vector_load_idx %arg7[%add3A_489] : memref<51200xf32, #tpu.memory_space<vmem>>[vector<16xi32>], vector<16xf32>,
      %add3A_500 = arith.addi %add3A_489, %broadcast_in_dim3A_8 : vector<16xi32>
      %mul3A_501 = arith.constant 3.200000e+01 : f32
      %mul3A_502 = vector.broadcast %mul3A_501 : f32 to vector<16xf32>
      %mul3A_503 = arith.mulf %gather3A_499, %mul3A_502 : vector<16xf32>
      %convert_element_type3A_504 = arith.fptosi %mul3A_503 : vector<16xf32> to vector<16xi32>
      %add3A_505 = arith.constant 1120 : i32
      %add3A_506 = vector.broadcast %add3A_505 : i32 to vector<16xi32>
      %add3A_507 = arith.addi %convert_element_type3A_504, %add3A_506 : vector<16xi32>
      %gather3A_508 = tpu.vector_load_idx %arg8[%add3A_507] : memref<3200xf32, #tpu.memory_space<vmem>>[vector<16xi32>], vector<16xf32>,
      %add3A_509 = arith.addf %add3A_465, %gather3A_508 : vector<16xf32>
      %gather3A_510 = tpu.vector_load_idx %arg7[%add3A_500] : memref<51200xf32, #tpu.memory_space<vmem>>[vector<16xi32>], vector<16xf32>,
      %add3A_511 = arith.addi %add3A_500, %broadcast_in_dim3A_8 : vector<16xi32>
      %mul3A_512 = arith.constant 3.200000e+01 : f32
      %mul3A_513 = vector.broadcast %mul3A_512 : f32 to vector<16xf32>
      %mul3A_514 = arith.mulf %gather3A_510, %mul3A_513 : vector<16xf32>
      %convert_element_type3A_515 = arith.fptosi %mul3A_514 : vector<16xf32> to vector<16xi32>
      %add3A_516 = arith.constant 1152 : i32
      %add3A_517 = vector.broadcast %add3A_516 : i32 to vector<16xi32>
      %add3A_518 = arith.addi %convert_element_type3A_515, %add3A_517 : vector<16xi32>
      %gather3A_519 = tpu.vector_load_idx %arg8[%add3A_518] : memref<3200xf32, #tpu.memory_space<vmem>>[vector<16xi32>], vector<16xf32>,
      %add3A_520 = arith.addf %add3A_476, %gather3A_519 : vector<16xf32>
      %gather3A_521 = tpu.vector_load_idx %arg7[%add3A_511] : memref<51200xf32, #tpu.memory_space<vmem>>[vector<16xi32>], vector<16xf32>,
      %add3A_522 = arith.addi %add3A_511, %broadcast_in_dim3A_8 : vector<16xi32>
      %mul3A_523 = arith.constant 3.200000e+01 : f32
      %mul3A_524 = vector.broadcast %mul3A_523 : f32 to vector<16xf32>
      %mul3A_525 = arith.mulf %gather3A_521, %mul3A_524 : vector<16xf32>
      %convert_element_type3A_526 = arith.fptosi %mul3A_525 : vector<16xf32> to vector<16xi32>
      %add3A_527 = arith.constant 1184 : i32
      %add3A_528 = vector.broadcast %add3A_527 : i32 to vector<16xi32>
      %add3A_529 = arith.addi %convert_element_type3A_526, %add3A_528 : vector<16xi32>
      %gather3A_530 = tpu.vector_load_idx %arg8[%add3A_529] : memref<3200xf32, #tpu.memory_space<vmem>>[vector<16xi32>], vector<16xf32>,
      %add3A_531 = arith.addf %add3A_487, %gather3A_530 : vector<16xf32>
      %gather3A_532 = tpu.vector_load_idx %arg7[%add3A_522] : memref<51200xf32, #tpu.memory_space<vmem>>[vector<16xi32>], vector<16xf32>,
      %add3A_533 = arith.addi %add3A_522, %broadcast_in_dim3A_8 : vector<16xi32>
      %mul3A_534 = arith.constant 3.200000e+01 : f32
      %mul3A_535 = vector.broadcast %mul3A_534 : f32 to vector<16xf32>
      %mul3A_536 = arith.mulf %gather3A_532, %mul3A_535 : vector<16xf32>
      %convert_element_type3A_537 = arith.fptosi %mul3A_536 : vector<16xf32> to vector<16xi32>
      %add3A_538 = arith.constant 1216 : i32
      %add3A_539 = vector.broadcast %add3A_538 : i32 to vector<16xi32>
      %add3A_540 = arith.addi %convert_element_type3A_537, %add3A_539 : vector<16xi32>
      %gather3A_541 = tpu.vector_load_idx %arg8[%add3A_540] : memref<3200xf32, #tpu.memory_space<vmem>>[vector<16xi32>], vector<16xf32>,
      %add3A_542 = arith.addf %add3A_498, %gather3A_541 : vector<16xf32>
      %gather3A_543 = tpu.vector_load_idx %arg7[%add3A_533] : memref<51200xf32, #tpu.memory_space<vmem>>[vector<16xi32>], vector<16xf32>,
      %add3A_544 = arith.addi %add3A_533, %broadcast_in_dim3A_8 : vector<16xi32>
      %mul3A_545 = arith.constant 3.200000e+01 : f32
      %mul3A_546 = vector.broadcast %mul3A_545 : f32 to vector<16xf32>
      %mul3A_547 = arith.mulf %gather3A_543, %mul3A_546 : vector<16xf32>
      %convert_element_type3A_548 = arith.fptosi %mul3A_547 : vector<16xf32> to vector<16xi32>
      %add3A_549 = arith.constant 1248 : i32
      %add3A_550 = vector.broadcast %add3A_549 : i32 to vector<16xi32>
      %add3A_551 = arith.addi %convert_element_type3A_548, %add3A_550 : vector<16xi32>
      %gather3A_552 = tpu.vector_load_idx %arg8[%add3A_551] : memref<3200xf32, #tpu.memory_space<vmem>>[vector<16xi32>], vector<16xf32>,
      %add3A_553 = arith.addf %add3A_509, %gather3A_552 : vector<16xf32>
      %gather3A_554 = tpu.vector_load_idx %arg7[%add3A_544] : memref<51200xf32, #tpu.memory_space<vmem>>[vector<16xi32>], vector<16xf32>,
      %add3A_555 = arith.addi %add3A_544, %broadcast_in_dim3A_8 : vector<16xi32>
      %mul3A_556 = arith.constant 3.200000e+01 : f32
      %mul3A_557 = vector.broadcast %mul3A_556 : f32 to vector<16xf32>
      %mul3A_558 = arith.mulf %gather3A_554, %mul3A_557 : vector<16xf32>
      %convert_element_type3A_559 = arith.fptosi %mul3A_558 : vector<16xf32> to vector<16xi32>
      %add3A_560 = arith.constant 1280 : i32
      %add3A_561 = vector.broadcast %add3A_560 : i32 to vector<16xi32>
      %add3A_562 = arith.addi %convert_element_type3A_559, %add3A_561 : vector<16xi32>
      %gather3A_563 = tpu.vector_load_idx %arg8[%add3A_562] : memref<3200xf32, #tpu.memory_space<vmem>>[vector<16xi32>], vector<16xf32>,
      %add3A_564 = arith.addf %add3A_520, %gather3A_563 : vector<16xf32>
      %gather3A_565 = tpu.vector_load_idx %arg7[%add3A_555] : memref<51200xf32, #tpu.memory_space<vmem>>[vector<16xi32>], vector<16xf32>,
      %add3A_566 = arith.addi %add3A_555, %broadcast_in_dim3A_8 : vector<16xi32>
      %mul3A_567 = arith.constant 3.200000e+01 : f32
      %mul3A_568 = vector.broadcast %mul3A_567 : f32 to vector<16xf32>
      %mul3A_569 = arith.mulf %gather3A_565, %mul3A_568 : vector<16xf32>
      %convert_element_type3A_570 = arith.fptosi %mul3A_569 : vector<16xf32> to vector<16xi32>
      %add3A_571 = arith.constant 1312 : i32
      %add3A_572 = vector.broadcast %add3A_571 : i32 to vector<16xi32>
      %add3A_573 = arith.addi %convert_element_type3A_570, %add3A_572 : vector<16xi32>
      %gather3A_574 = tpu.vector_load_idx %arg8[%add3A_573] : memref<3200xf32, #tpu.memory_space<vmem>>[vector<16xi32>], vector<16xf32>,
      %add3A_575 = arith.addf %add3A_531, %gather3A_574 : vector<16xf32>
      %gather3A_576 = tpu.vector_load_idx %arg7[%add3A_566] : memref<51200xf32, #tpu.memory_space<vmem>>[vector<16xi32>], vector<16xf32>,
      %add3A_577 = arith.addi %add3A_566, %broadcast_in_dim3A_8 : vector<16xi32>
      %mul3A_578 = arith.constant 3.200000e+01 : f32
      %mul3A_579 = vector.broadcast %mul3A_578 : f32 to vector<16xf32>
      %mul3A_580 = arith.mulf %gather3A_576, %mul3A_579 : vector<16xf32>
      %convert_element_type3A_581 = arith.fptosi %mul3A_580 : vector<16xf32> to vector<16xi32>
      %add3A_582 = arith.constant 1344 : i32
      %add3A_583 = vector.broadcast %add3A_582 : i32 to vector<16xi32>
      %add3A_584 = arith.addi %convert_element_type3A_581, %add3A_583 : vector<16xi32>
      %gather3A_585 = tpu.vector_load_idx %arg8[%add3A_584] : memref<3200xf32, #tpu.memory_space<vmem>>[vector<16xi32>], vector<16xf32>,
      %add3A_586 = arith.addf %add3A_542, %gather3A_585 : vector<16xf32>
      %gather3A_587 = tpu.vector_load_idx %arg7[%add3A_577] : memref<51200xf32, #tpu.memory_space<vmem>>[vector<16xi32>], vector<16xf32>,
      %add3A_588 = arith.addi %add3A_577, %broadcast_in_dim3A_8 : vector<16xi32>
      %mul3A_589 = arith.constant 3.200000e+01 : f32
      %mul3A_590 = vector.broadcast %mul3A_589 : f32 to vector<16xf32>
      %mul3A_591 = arith.mulf %gather3A_587, %mul3A_590 : vector<16xf32>
      %convert_element_type3A_592 = arith.fptosi %mul3A_591 : vector<16xf32> to vector<16xi32>
      %add3A_593 = arith.constant 1376 : i32
      %add3A_594 = vector.broadcast %add3A_593 : i32 to vector<16xi32>
      %add3A_595 = arith.addi %convert_element_type3A_592, %add3A_594 : vector<16xi32>
      %gather3A_596 = tpu.vector_load_idx %arg8[%add3A_595] : memref<3200xf32, #tpu.memory_space<vmem>>[vector<16xi32>], vector<16xf32>,
      %add3A_597 = arith.addf %add3A_553, %gather3A_596 : vector<16xf32>
      %gather3A_598 = tpu.vector_load_idx %arg7[%add3A_588] : memref<51200xf32, #tpu.memory_space<vmem>>[vector<16xi32>], vector<16xf32>,
      %add3A_599 = arith.addi %add3A_588, %broadcast_in_dim3A_8 : vector<16xi32>
      %mul3A_600 = arith.constant 3.200000e+01 : f32
      %mul3A_601 = vector.broadcast %mul3A_600 : f32 to vector<16xf32>
      %mul3A_602 = arith.mulf %gather3A_598, %mul3A_601 : vector<16xf32>
      %convert_element_type3A_603 = arith.fptosi %mul3A_602 : vector<16xf32> to vector<16xi32>
      %add3A_604 = arith.constant 1408 : i32
      %add3A_605 = vector.broadcast %add3A_604 : i32 to vector<16xi32>
      %add3A_606 = arith.addi %convert_element_type3A_603, %add3A_605 : vector<16xi32>
      %gather3A_607 = tpu.vector_load_idx %arg8[%add3A_606] : memref<3200xf32, #tpu.memory_space<vmem>>[vector<16xi32>], vector<16xf32>,
      %add3A_608 = arith.addf %add3A_564, %gather3A_607 : vector<16xf32>
      %gather3A_609 = tpu.vector_load_idx %arg7[%add3A_599] : memref<51200xf32, #tpu.memory_space<vmem>>[vector<16xi32>], vector<16xf32>,
      %add3A_610 = arith.addi %add3A_599, %broadcast_in_dim3A_8 : vector<16xi32>
      %mul3A_611 = arith.constant 3.200000e+01 : f32
      %mul3A_612 = vector.broadcast %mul3A_611 : f32 to vector<16xf32>
      %mul3A_613 = arith.mulf %gather3A_609, %mul3A_612 : vector<16xf32>
      %convert_element_type3A_614 = arith.fptosi %mul3A_613 : vector<16xf32> to vector<16xi32>
      %add3A_615 = arith.constant 1440 : i32
      %add3A_616 = vector.broadcast %add3A_615 : i32 to vector<16xi32>
      %add3A_617 = arith.addi %convert_element_type3A_614, %add3A_616 : vector<16xi32>
      %gather3A_618 = tpu.vector_load_idx %arg8[%add3A_617] : memref<3200xf32, #tpu.memory_space<vmem>>[vector<16xi32>], vector<16xf32>,
      %add3A_619 = arith.addf %add3A_575, %gather3A_618 : vector<16xf32>
      %gather3A_620 = tpu.vector_load_idx %arg7[%add3A_610] : memref<51200xf32, #tpu.memory_space<vmem>>[vector<16xi32>], vector<16xf32>,
      %add3A_621 = arith.addi %add3A_610, %broadcast_in_dim3A_8 : vector<16xi32>
      %mul3A_622 = arith.constant 3.200000e+01 : f32
      %mul3A_623 = vector.broadcast %mul3A_622 : f32 to vector<16xf32>
      %mul3A_624 = arith.mulf %gather3A_620, %mul3A_623 : vector<16xf32>
      %convert_element_type3A_625 = arith.fptosi %mul3A_624 : vector<16xf32> to vector<16xi32>
      %add3A_626 = arith.constant 1472 : i32
      %add3A_627 = vector.broadcast %add3A_626 : i32 to vector<16xi32>
      %add3A_628 = arith.addi %convert_element_type3A_625, %add3A_627 : vector<16xi32>
      %gather3A_629 = tpu.vector_load_idx %arg8[%add3A_628] : memref<3200xf32, #tpu.memory_space<vmem>>[vector<16xi32>], vector<16xf32>,
      %add3A_630 = arith.addf %add3A_586, %gather3A_629 : vector<16xf32>
      %gather3A_631 = tpu.vector_load_idx %arg7[%add3A_621] : memref<51200xf32, #tpu.memory_space<vmem>>[vector<16xi32>], vector<16xf32>,
      %add3A_632 = arith.addi %add3A_621, %broadcast_in_dim3A_8 : vector<16xi32>
      %mul3A_633 = arith.constant 3.200000e+01 : f32
      %mul3A_634 = vector.broadcast %mul3A_633 : f32 to vector<16xf32>
      %mul3A_635 = arith.mulf %gather3A_631, %mul3A_634 : vector<16xf32>
      %convert_element_type3A_636 = arith.fptosi %mul3A_635 : vector<16xf32> to vector<16xi32>
      %add3A_637 = arith.constant 1504 : i32
      %add3A_638 = vector.broadcast %add3A_637 : i32 to vector<16xi32>
      %add3A_639 = arith.addi %convert_element_type3A_636, %add3A_638 : vector<16xi32>
      %gather3A_640 = tpu.vector_load_idx %arg8[%add3A_639] : memref<3200xf32, #tpu.memory_space<vmem>>[vector<16xi32>], vector<16xf32>,
      %add3A_641 = arith.addf %add3A_597, %gather3A_640 : vector<16xf32>
      %gather3A_642 = tpu.vector_load_idx %arg7[%add3A_632] : memref<51200xf32, #tpu.memory_space<vmem>>[vector<16xi32>], vector<16xf32>,
      %add3A_643 = arith.addi %add3A_632, %broadcast_in_dim3A_8 : vector<16xi32>
      %mul3A_644 = arith.constant 3.200000e+01 : f32
      %mul3A_645 = vector.broadcast %mul3A_644 : f32 to vector<16xf32>
      %mul3A_646 = arith.mulf %gather3A_642, %mul3A_645 : vector<16xf32>
      %convert_element_type3A_647 = arith.fptosi %mul3A_646 : vector<16xf32> to vector<16xi32>
      %add3A_648 = arith.constant 1536 : i32
      %add3A_649 = vector.broadcast %add3A_648 : i32 to vector<16xi32>
      %add3A_650 = arith.addi %convert_element_type3A_647, %add3A_649 : vector<16xi32>
      %gather3A_651 = tpu.vector_load_idx %arg8[%add3A_650] : memref<3200xf32, #tpu.memory_space<vmem>>[vector<16xi32>], vector<16xf32>,
      %add3A_652 = arith.addf %add3A_608, %gather3A_651 : vector<16xf32>
      %gather3A_653 = tpu.vector_load_idx %arg7[%add3A_643] : memref<51200xf32, #tpu.memory_space<vmem>>[vector<16xi32>], vector<16xf32>,
      %add3A_654 = arith.addi %add3A_643, %broadcast_in_dim3A_8 : vector<16xi32>
      %mul3A_655 = arith.constant 3.200000e+01 : f32
      %mul3A_656 = vector.broadcast %mul3A_655 : f32 to vector<16xf32>
      %mul3A_657 = arith.mulf %gather3A_653, %mul3A_656 : vector<16xf32>
      %convert_element_type3A_658 = arith.fptosi %mul3A_657 : vector<16xf32> to vector<16xi32>
      %add3A_659 = arith.constant 1568 : i32
      %add3A_660 = vector.broadcast %add3A_659 : i32 to vector<16xi32>
      %add3A_661 = arith.addi %convert_element_type3A_658, %add3A_660 : vector<16xi32>
      %gather3A_662 = tpu.vector_load_idx %arg8[%add3A_661] : memref<3200xf32, #tpu.memory_space<vmem>>[vector<16xi32>], vector<16xf32>,
      %add3A_663 = arith.addf %add3A_619, %gather3A_662 : vector<16xf32>
      %gather3A_664 = tpu.vector_load_idx %arg7[%add3A_654] : memref<51200xf32, #tpu.memory_space<vmem>>[vector<16xi32>], vector<16xf32>,
      %add3A_665 = arith.addi %add3A_654, %broadcast_in_dim3A_8 : vector<16xi32>
      %mul3A_666 = arith.constant 3.200000e+01 : f32
      %mul3A_667 = vector.broadcast %mul3A_666 : f32 to vector<16xf32>
      %mul3A_668 = arith.mulf %gather3A_664, %mul3A_667 : vector<16xf32>
      %convert_element_type3A_669 = arith.fptosi %mul3A_668 : vector<16xf32> to vector<16xi32>
      %add3A_670 = arith.constant 1600 : i32
      %add3A_671 = vector.broadcast %add3A_670 : i32 to vector<16xi32>
      %add3A_672 = arith.addi %convert_element_type3A_669, %add3A_671 : vector<16xi32>
      %gather3A_673 = tpu.vector_load_idx %arg8[%add3A_672] : memref<3200xf32, #tpu.memory_space<vmem>>[vector<16xi32>], vector<16xf32>,
      %add3A_674 = arith.addf %add3A_630, %gather3A_673 : vector<16xf32>
      %gather3A_675 = tpu.vector_load_idx %arg7[%add3A_665] : memref<51200xf32, #tpu.memory_space<vmem>>[vector<16xi32>], vector<16xf32>,
      %add3A_676 = arith.addi %add3A_665, %broadcast_in_dim3A_8 : vector<16xi32>
      %mul3A_677 = arith.constant 3.200000e+01 : f32
      %mul3A_678 = vector.broadcast %mul3A_677 : f32 to vector<16xf32>
      %mul3A_679 = arith.mulf %gather3A_675, %mul3A_678 : vector<16xf32>
      %convert_element_type3A_680 = arith.fptosi %mul3A_679 : vector<16xf32> to vector<16xi32>
      %add3A_681 = arith.constant 1632 : i32
      %add3A_682 = vector.broadcast %add3A_681 : i32 to vector<16xi32>
      %add3A_683 = arith.addi %convert_element_type3A_680, %add3A_682 : vector<16xi32>
      %gather3A_684 = tpu.vector_load_idx %arg8[%add3A_683] : memref<3200xf32, #tpu.memory_space<vmem>>[vector<16xi32>], vector<16xf32>,
      %add3A_685 = arith.addf %add3A_641, %gather3A_684 : vector<16xf32>
      %gather3A_686 = tpu.vector_load_idx %arg7[%add3A_676] : memref<51200xf32, #tpu.memory_space<vmem>>[vector<16xi32>], vector<16xf32>,
      %add3A_687 = arith.addi %add3A_676, %broadcast_in_dim3A_8 : vector<16xi32>
      %mul3A_688 = arith.constant 3.200000e+01 : f32
      %mul3A_689 = vector.broadcast %mul3A_688 : f32 to vector<16xf32>
      %mul3A_690 = arith.mulf %gather3A_686, %mul3A_689 : vector<16xf32>
      %convert_element_type3A_691 = arith.fptosi %mul3A_690 : vector<16xf32> to vector<16xi32>
      %add3A_692 = arith.constant 1664 : i32
      %add3A_693 = vector.broadcast %add3A_692 : i32 to vector<16xi32>
      %add3A_694 = arith.addi %convert_element_type3A_691, %add3A_693 : vector<16xi32>
      %gather3A_695 = tpu.vector_load_idx %arg8[%add3A_694] : memref<3200xf32, #tpu.memory_space<vmem>>[vector<16xi32>], vector<16xf32>,
      %add3A_696 = arith.addf %add3A_652, %gather3A_695 : vector<16xf32>
      %gather3A_697 = tpu.vector_load_idx %arg7[%add3A_687] : memref<51200xf32, #tpu.memory_space<vmem>>[vector<16xi32>], vector<16xf32>,
      %add3A_698 = arith.addi %add3A_687, %broadcast_in_dim3A_8 : vector<16xi32>
      %mul3A_699 = arith.constant 3.200000e+01 : f32
      %mul3A_700 = vector.broadcast %mul3A_699 : f32 to vector<16xf32>
      %mul3A_701 = arith.mulf %gather3A_697, %mul3A_700 : vector<16xf32>
      %convert_element_type3A_702 = arith.fptosi %mul3A_701 : vector<16xf32> to vector<16xi32>
      %add3A_703 = arith.constant 1696 : i32
      %add3A_704 = vector.broadcast %add3A_703 : i32 to vector<16xi32>
      %add3A_705 = arith.addi %convert_element_type3A_702, %add3A_704 : vector<16xi32>
      %gather3A_706 = tpu.vector_load_idx %arg8[%add3A_705] : memref<3200xf32, #tpu.memory_space<vmem>>[vector<16xi32>], vector<16xf32>,
      %add3A_707 = arith.addf %add3A_663, %gather3A_706 : vector<16xf32>
      %gather3A_708 = tpu.vector_load_idx %arg7[%add3A_698] : memref<51200xf32, #tpu.memory_space<vmem>>[vector<16xi32>], vector<16xf32>,
      %add3A_709 = arith.addi %add3A_698, %broadcast_in_dim3A_8 : vector<16xi32>
      %mul3A_710 = arith.constant 3.200000e+01 : f32
      %mul3A_711 = vector.broadcast %mul3A_710 : f32 to vector<16xf32>
      %mul3A_712 = arith.mulf %gather3A_708, %mul3A_711 : vector<16xf32>
      %convert_element_type3A_713 = arith.fptosi %mul3A_712 : vector<16xf32> to vector<16xi32>
      %add3A_714 = arith.constant 1728 : i32
      %add3A_715 = vector.broadcast %add3A_714 : i32 to vector<16xi32>
      %add3A_716 = arith.addi %convert_element_type3A_713, %add3A_715 : vector<16xi32>
      %gather3A_717 = tpu.vector_load_idx %arg8[%add3A_716] : memref<3200xf32, #tpu.memory_space<vmem>>[vector<16xi32>], vector<16xf32>,
      %add3A_718 = arith.addf %add3A_674, %gather3A_717 : vector<16xf32>
      %gather3A_719 = tpu.vector_load_idx %arg7[%add3A_709] : memref<51200xf32, #tpu.memory_space<vmem>>[vector<16xi32>], vector<16xf32>,
      %add3A_720 = arith.addi %add3A_709, %broadcast_in_dim3A_8 : vector<16xi32>
      %mul3A_721 = arith.constant 3.200000e+01 : f32
      %mul3A_722 = vector.broadcast %mul3A_721 : f32 to vector<16xf32>
      %mul3A_723 = arith.mulf %gather3A_719, %mul3A_722 : vector<16xf32>
      %convert_element_type3A_724 = arith.fptosi %mul3A_723 : vector<16xf32> to vector<16xi32>
      %add3A_725 = arith.constant 1760 : i32
      %add3A_726 = vector.broadcast %add3A_725 : i32 to vector<16xi32>
      %add3A_727 = arith.addi %convert_element_type3A_724, %add3A_726 : vector<16xi32>
      %gather3A_728 = tpu.vector_load_idx %arg8[%add3A_727] : memref<3200xf32, #tpu.memory_space<vmem>>[vector<16xi32>], vector<16xf32>,
      %add3A_729 = arith.addf %add3A_685, %gather3A_728 : vector<16xf32>
      %gather3A_730 = tpu.vector_load_idx %arg7[%add3A_720] : memref<51200xf32, #tpu.memory_space<vmem>>[vector<16xi32>], vector<16xf32>,
      %add3A_731 = arith.addi %add3A_720, %broadcast_in_dim3A_8 : vector<16xi32>
      %mul3A_732 = arith.constant 3.200000e+01 : f32
      %mul3A_733 = vector.broadcast %mul3A_732 : f32 to vector<16xf32>
      %mul3A_734 = arith.mulf %gather3A_730, %mul3A_733 : vector<16xf32>
      %convert_element_type3A_735 = arith.fptosi %mul3A_734 : vector<16xf32> to vector<16xi32>
      %add3A_736 = arith.constant 1792 : i32
      %add3A_737 = vector.broadcast %add3A_736 : i32 to vector<16xi32>
      %add3A_738 = arith.addi %convert_element_type3A_735, %add3A_737 : vector<16xi32>
      %gather3A_739 = tpu.vector_load_idx %arg8[%add3A_738] : memref<3200xf32, #tpu.memory_space<vmem>>[vector<16xi32>], vector<16xf32>,
      %add3A_740 = arith.addf %add3A_696, %gather3A_739 : vector<16xf32>
      %gather3A_741 = tpu.vector_load_idx %arg7[%add3A_731] : memref<51200xf32, #tpu.memory_space<vmem>>[vector<16xi32>], vector<16xf32>,
      %add3A_742 = arith.addi %add3A_731, %broadcast_in_dim3A_8 : vector<16xi32>
      %mul3A_743 = arith.constant 3.200000e+01 : f32
      %mul3A_744 = vector.broadcast %mul3A_743 : f32 to vector<16xf32>
      %mul3A_745 = arith.mulf %gather3A_741, %mul3A_744 : vector<16xf32>
      %convert_element_type3A_746 = arith.fptosi %mul3A_745 : vector<16xf32> to vector<16xi32>
      %add3A_747 = arith.constant 1824 : i32
      %add3A_748 = vector.broadcast %add3A_747 : i32 to vector<16xi32>
      %add3A_749 = arith.addi %convert_element_type3A_746, %add3A_748 : vector<16xi32>
      %gather3A_750 = tpu.vector_load_idx %arg8[%add3A_749] : memref<3200xf32, #tpu.memory_space<vmem>>[vector<16xi32>], vector<16xf32>,
      %add3A_751 = arith.addf %add3A_707, %gather3A_750 : vector<16xf32>
      %gather3A_752 = tpu.vector_load_idx %arg7[%add3A_742] : memref<51200xf32, #tpu.memory_space<vmem>>[vector<16xi32>], vector<16xf32>,
      %add3A_753 = arith.addi %add3A_742, %broadcast_in_dim3A_8 : vector<16xi32>
      %mul3A_754 = arith.constant 3.200000e+01 : f32
      %mul3A_755 = vector.broadcast %mul3A_754 : f32 to vector<16xf32>
      %mul3A_756 = arith.mulf %gather3A_752, %mul3A_755 : vector<16xf32>
      %convert_element_type3A_757 = arith.fptosi %mul3A_756 : vector<16xf32> to vector<16xi32>
      %add3A_758 = arith.constant 1856 : i32
      %add3A_759 = vector.broadcast %add3A_758 : i32 to vector<16xi32>
      %add3A_760 = arith.addi %convert_element_type3A_757, %add3A_759 : vector<16xi32>
      %gather3A_761 = tpu.vector_load_idx %arg8[%add3A_760] : memref<3200xf32, #tpu.memory_space<vmem>>[vector<16xi32>], vector<16xf32>,
      %add3A_762 = arith.addf %add3A_718, %gather3A_761 : vector<16xf32>
      %gather3A_763 = tpu.vector_load_idx %arg7[%add3A_753] : memref<51200xf32, #tpu.memory_space<vmem>>[vector<16xi32>], vector<16xf32>,
      %add3A_764 = arith.addi %add3A_753, %broadcast_in_dim3A_8 : vector<16xi32>
      %mul3A_765 = arith.constant 3.200000e+01 : f32
      %mul3A_766 = vector.broadcast %mul3A_765 : f32 to vector<16xf32>
      %mul3A_767 = arith.mulf %gather3A_763, %mul3A_766 : vector<16xf32>
      %convert_element_type3A_768 = arith.fptosi %mul3A_767 : vector<16xf32> to vector<16xi32>
      %add3A_769 = arith.constant 1888 : i32
      %add3A_770 = vector.broadcast %add3A_769 : i32 to vector<16xi32>
      %add3A_771 = arith.addi %convert_element_type3A_768, %add3A_770 : vector<16xi32>
      %gather3A_772 = tpu.vector_load_idx %arg8[%add3A_771] : memref<3200xf32, #tpu.memory_space<vmem>>[vector<16xi32>], vector<16xf32>,
      %add3A_773 = arith.addf %add3A_729, %gather3A_772 : vector<16xf32>
      %gather3A_774 = tpu.vector_load_idx %arg7[%add3A_764] : memref<51200xf32, #tpu.memory_space<vmem>>[vector<16xi32>], vector<16xf32>,
      %add3A_775 = arith.addi %add3A_764, %broadcast_in_dim3A_8 : vector<16xi32>
      %mul3A_776 = arith.constant 3.200000e+01 : f32
      %mul3A_777 = vector.broadcast %mul3A_776 : f32 to vector<16xf32>
      %mul3A_778 = arith.mulf %gather3A_774, %mul3A_777 : vector<16xf32>
      %convert_element_type3A_779 = arith.fptosi %mul3A_778 : vector<16xf32> to vector<16xi32>
      %add3A_780 = arith.constant 1920 : i32
      %add3A_781 = vector.broadcast %add3A_780 : i32 to vector<16xi32>
      %add3A_782 = arith.addi %convert_element_type3A_779, %add3A_781 : vector<16xi32>
      %gather3A_783 = tpu.vector_load_idx %arg8[%add3A_782] : memref<3200xf32, #tpu.memory_space<vmem>>[vector<16xi32>], vector<16xf32>,
      %add3A_784 = arith.addf %add3A_740, %gather3A_783 : vector<16xf32>
      %gather3A_785 = tpu.vector_load_idx %arg7[%add3A_775] : memref<51200xf32, #tpu.memory_space<vmem>>[vector<16xi32>], vector<16xf32>,
      %add3A_786 = arith.addi %add3A_775, %broadcast_in_dim3A_8 : vector<16xi32>
      %mul3A_787 = arith.constant 3.200000e+01 : f32
      %mul3A_788 = vector.broadcast %mul3A_787 : f32 to vector<16xf32>
      %mul3A_789 = arith.mulf %gather3A_785, %mul3A_788 : vector<16xf32>
      %convert_element_type3A_790 = arith.fptosi %mul3A_789 : vector<16xf32> to vector<16xi32>
      %add3A_791 = arith.constant 1952 : i32
      %add3A_792 = vector.broadcast %add3A_791 : i32 to vector<16xi32>
      %add3A_793 = arith.addi %convert_element_type3A_790, %add3A_792 : vector<16xi32>
      %gather3A_794 = tpu.vector_load_idx %arg8[%add3A_793] : memref<3200xf32, #tpu.memory_space<vmem>>[vector<16xi32>], vector<16xf32>,
      %add3A_795 = arith.addf %add3A_751, %gather3A_794 : vector<16xf32>
      %gather3A_796 = tpu.vector_load_idx %arg7[%add3A_786] : memref<51200xf32, #tpu.memory_space<vmem>>[vector<16xi32>], vector<16xf32>,
      %add3A_797 = arith.addi %add3A_786, %broadcast_in_dim3A_8 : vector<16xi32>
      %mul3A_798 = arith.constant 3.200000e+01 : f32
      %mul3A_799 = vector.broadcast %mul3A_798 : f32 to vector<16xf32>
      %mul3A_800 = arith.mulf %gather3A_796, %mul3A_799 : vector<16xf32>
      %convert_element_type3A_801 = arith.fptosi %mul3A_800 : vector<16xf32> to vector<16xi32>
      %add3A_802 = arith.constant 1984 : i32
      %add3A_803 = vector.broadcast %add3A_802 : i32 to vector<16xi32>
      %add3A_804 = arith.addi %convert_element_type3A_801, %add3A_803 : vector<16xi32>
      %gather3A_805 = tpu.vector_load_idx %arg8[%add3A_804] : memref<3200xf32, #tpu.memory_space<vmem>>[vector<16xi32>], vector<16xf32>,
      %add3A_806 = arith.addf %add3A_762, %gather3A_805 : vector<16xf32>
      %gather3A_807 = tpu.vector_load_idx %arg7[%add3A_797] : memref<51200xf32, #tpu.memory_space<vmem>>[vector<16xi32>], vector<16xf32>,
      %add3A_808 = arith.addi %add3A_797, %broadcast_in_dim3A_8 : vector<16xi32>
      %mul3A_809 = arith.constant 3.200000e+01 : f32
      %mul3A_810 = vector.broadcast %mul3A_809 : f32 to vector<16xf32>
      %mul3A_811 = arith.mulf %gather3A_807, %mul3A_810 : vector<16xf32>
      %convert_element_type3A_812 = arith.fptosi %mul3A_811 : vector<16xf32> to vector<16xi32>
      %add3A_813 = arith.constant 2016 : i32
      %add3A_814 = vector.broadcast %add3A_813 : i32 to vector<16xi32>
      %add3A_815 = arith.addi %convert_element_type3A_812, %add3A_814 : vector<16xi32>
      %gather3A_816 = tpu.vector_load_idx %arg8[%add3A_815] : memref<3200xf32, #tpu.memory_space<vmem>>[vector<16xi32>], vector<16xf32>,
      %add3A_817 = arith.addf %add3A_773, %gather3A_816 : vector<16xf32>
      %gather3A_818 = tpu.vector_load_idx %arg7[%add3A_808] : memref<51200xf32, #tpu.memory_space<vmem>>[vector<16xi32>], vector<16xf32>,
      %add3A_819 = arith.addi %add3A_808, %broadcast_in_dim3A_8 : vector<16xi32>
      %mul3A_820 = arith.constant 3.200000e+01 : f32
      %mul3A_821 = vector.broadcast %mul3A_820 : f32 to vector<16xf32>
      %mul3A_822 = arith.mulf %gather3A_818, %mul3A_821 : vector<16xf32>
      %convert_element_type3A_823 = arith.fptosi %mul3A_822 : vector<16xf32> to vector<16xi32>
      %add3A_824 = arith.constant 2048 : i32
      %add3A_825 = vector.broadcast %add3A_824 : i32 to vector<16xi32>
      %add3A_826 = arith.addi %convert_element_type3A_823, %add3A_825 : vector<16xi32>
      %gather3A_827 = tpu.vector_load_idx %arg8[%add3A_826] : memref<3200xf32, #tpu.memory_space<vmem>>[vector<16xi32>], vector<16xf32>,
      %add3A_828 = arith.addf %add3A_784, %gather3A_827 : vector<16xf32>
      %gather3A_829 = tpu.vector_load_idx %arg7[%add3A_819] : memref<51200xf32, #tpu.memory_space<vmem>>[vector<16xi32>], vector<16xf32>,
      %add3A_830 = arith.addi %add3A_819, %broadcast_in_dim3A_8 : vector<16xi32>
      %mul3A_831 = arith.constant 3.200000e+01 : f32
      %mul3A_832 = vector.broadcast %mul3A_831 : f32 to vector<16xf32>
      %mul3A_833 = arith.mulf %gather3A_829, %mul3A_832 : vector<16xf32>
      %convert_element_type3A_834 = arith.fptosi %mul3A_833 : vector<16xf32> to vector<16xi32>
      %add3A_835 = arith.constant 2080 : i32
      %add3A_836 = vector.broadcast %add3A_835 : i32 to vector<16xi32>
      %add3A_837 = arith.addi %convert_element_type3A_834, %add3A_836 : vector<16xi32>
      %gather3A_838 = tpu.vector_load_idx %arg8[%add3A_837] : memref<3200xf32, #tpu.memory_space<vmem>>[vector<16xi32>], vector<16xf32>,
      %add3A_839 = arith.addf %add3A_795, %gather3A_838 : vector<16xf32>
      %gather3A_840 = tpu.vector_load_idx %arg7[%add3A_830] : memref<51200xf32, #tpu.memory_space<vmem>>[vector<16xi32>], vector<16xf32>,
      %add3A_841 = arith.addi %add3A_830, %broadcast_in_dim3A_8 : vector<16xi32>
      %mul3A_842 = arith.constant 3.200000e+01 : f32
      %mul3A_843 = vector.broadcast %mul3A_842 : f32 to vector<16xf32>
      %mul3A_844 = arith.mulf %gather3A_840, %mul3A_843 : vector<16xf32>
      %convert_element_type3A_845 = arith.fptosi %mul3A_844 : vector<16xf32> to vector<16xi32>
      %add3A_846 = arith.constant 2112 : i32
      %add3A_847 = vector.broadcast %add3A_846 : i32 to vector<16xi32>
      %add3A_848 = arith.addi %convert_element_type3A_845, %add3A_847 : vector<16xi32>
      %gather3A_849 = tpu.vector_load_idx %arg8[%add3A_848] : memref<3200xf32, #tpu.memory_space<vmem>>[vector<16xi32>], vector<16xf32>,
      %add3A_850 = arith.addf %add3A_806, %gather3A_849 : vector<16xf32>
      %gather3A_851 = tpu.vector_load_idx %arg7[%add3A_841] : memref<51200xf32, #tpu.memory_space<vmem>>[vector<16xi32>], vector<16xf32>,
      %add3A_852 = arith.addi %add3A_841, %broadcast_in_dim3A_8 : vector<16xi32>
      %mul3A_853 = arith.constant 3.200000e+01 : f32
      %mul3A_854 = vector.broadcast %mul3A_853 : f32 to vector<16xf32>
      %mul3A_855 = arith.mulf %gather3A_851, %mul3A_854 : vector<16xf32>
      %convert_element_type3A_856 = arith.fptosi %mul3A_855 : vector<16xf32> to vector<16xi32>
      %add3A_857 = arith.constant 2144 : i32
      %add3A_858 = vector.broadcast %add3A_857 : i32 to vector<16xi32>
      %add3A_859 = arith.addi %convert_element_type3A_856, %add3A_858 : vector<16xi32>
      %gather3A_860 = tpu.vector_load_idx %arg8[%add3A_859] : memref<3200xf32, #tpu.memory_space<vmem>>[vector<16xi32>], vector<16xf32>,
      %add3A_861 = arith.addf %add3A_817, %gather3A_860 : vector<16xf32>
      %gather3A_862 = tpu.vector_load_idx %arg7[%add3A_852] : memref<51200xf32, #tpu.memory_space<vmem>>[vector<16xi32>], vector<16xf32>,
      %add3A_863 = arith.addi %add3A_852, %broadcast_in_dim3A_8 : vector<16xi32>
      %mul3A_864 = arith.constant 3.200000e+01 : f32
      %mul3A_865 = vector.broadcast %mul3A_864 : f32 to vector<16xf32>
      %mul3A_866 = arith.mulf %gather3A_862, %mul3A_865 : vector<16xf32>
      %convert_element_type3A_867 = arith.fptosi %mul3A_866 : vector<16xf32> to vector<16xi32>
      %add3A_868 = arith.constant 2176 : i32
      %add3A_869 = vector.broadcast %add3A_868 : i32 to vector<16xi32>
      %add3A_870 = arith.addi %convert_element_type3A_867, %add3A_869 : vector<16xi32>
      %gather3A_871 = tpu.vector_load_idx %arg8[%add3A_870] : memref<3200xf32, #tpu.memory_space<vmem>>[vector<16xi32>], vector<16xf32>,
      %add3A_872 = arith.addf %add3A_828, %gather3A_871 : vector<16xf32>
      %gather3A_873 = tpu.vector_load_idx %arg7[%add3A_863] : memref<51200xf32, #tpu.memory_space<vmem>>[vector<16xi32>], vector<16xf32>,
      %add3A_874 = arith.addi %add3A_863, %broadcast_in_dim3A_8 : vector<16xi32>
      %mul3A_875 = arith.constant 3.200000e+01 : f32
      %mul3A_876 = vector.broadcast %mul3A_875 : f32 to vector<16xf32>
      %mul3A_877 = arith.mulf %gather3A_873, %mul3A_876 : vector<16xf32>
      %convert_element_type3A_878 = arith.fptosi %mul3A_877 : vector<16xf32> to vector<16xi32>
      %add3A_879 = arith.constant 2208 : i32
      %add3A_880 = vector.broadcast %add3A_879 : i32 to vector<16xi32>
      %add3A_881 = arith.addi %convert_element_type3A_878, %add3A_880 : vector<16xi32>
      %gather3A_882 = tpu.vector_load_idx %arg8[%add3A_881] : memref<3200xf32, #tpu.memory_space<vmem>>[vector<16xi32>], vector<16xf32>,
      %add3A_883 = arith.addf %add3A_839, %gather3A_882 : vector<16xf32>
      %gather3A_884 = tpu.vector_load_idx %arg7[%add3A_874] : memref<51200xf32, #tpu.memory_space<vmem>>[vector<16xi32>], vector<16xf32>,
      %add3A_885 = arith.addi %add3A_874, %broadcast_in_dim3A_8 : vector<16xi32>
      %mul3A_886 = arith.constant 3.200000e+01 : f32
      %mul3A_887 = vector.broadcast %mul3A_886 : f32 to vector<16xf32>
      %mul3A_888 = arith.mulf %gather3A_884, %mul3A_887 : vector<16xf32>
      %convert_element_type3A_889 = arith.fptosi %mul3A_888 : vector<16xf32> to vector<16xi32>
      %add3A_890 = arith.constant 2240 : i32
      %add3A_891 = vector.broadcast %add3A_890 : i32 to vector<16xi32>
      %add3A_892 = arith.addi %convert_element_type3A_889, %add3A_891 : vector<16xi32>
      %gather3A_893 = tpu.vector_load_idx %arg8[%add3A_892] : memref<3200xf32, #tpu.memory_space<vmem>>[vector<16xi32>], vector<16xf32>,
      %add3A_894 = arith.addf %add3A_850, %gather3A_893 : vector<16xf32>
      %gather3A_895 = tpu.vector_load_idx %arg7[%add3A_885] : memref<51200xf32, #tpu.memory_space<vmem>>[vector<16xi32>], vector<16xf32>,
      %add3A_896 = arith.addi %add3A_885, %broadcast_in_dim3A_8 : vector<16xi32>
      %mul3A_897 = arith.constant 3.200000e+01 : f32
      %mul3A_898 = vector.broadcast %mul3A_897 : f32 to vector<16xf32>
      %mul3A_899 = arith.mulf %gather3A_895, %mul3A_898 : vector<16xf32>
      %convert_element_type3A_900 = arith.fptosi %mul3A_899 : vector<16xf32> to vector<16xi32>
      %add3A_901 = arith.constant 2272 : i32
      %add3A_902 = vector.broadcast %add3A_901 : i32 to vector<16xi32>
      %add3A_903 = arith.addi %convert_element_type3A_900, %add3A_902 : vector<16xi32>
      %gather3A_904 = tpu.vector_load_idx %arg8[%add3A_903] : memref<3200xf32, #tpu.memory_space<vmem>>[vector<16xi32>], vector<16xf32>,
      %add3A_905 = arith.addf %add3A_861, %gather3A_904 : vector<16xf32>
      %gather3A_906 = tpu.vector_load_idx %arg7[%add3A_896] : memref<51200xf32, #tpu.memory_space<vmem>>[vector<16xi32>], vector<16xf32>,
      %add3A_907 = arith.addi %add3A_896, %broadcast_in_dim3A_8 : vector<16xi32>
      %mul3A_908 = arith.constant 3.200000e+01 : f32
      %mul3A_909 = vector.broadcast %mul3A_908 : f32 to vector<16xf32>
      %mul3A_910 = arith.mulf %gather3A_906, %mul3A_909 : vector<16xf32>
      %convert_element_type3A_911 = arith.fptosi %mul3A_910 : vector<16xf32> to vector<16xi32>
      %add3A_912 = arith.constant 2304 : i32
      %add3A_913 = vector.broadcast %add3A_912 : i32 to vector<16xi32>
      %add3A_914 = arith.addi %convert_element_type3A_911, %add3A_913 : vector<16xi32>
      %gather3A_915 = tpu.vector_load_idx %arg8[%add3A_914] : memref<3200xf32, #tpu.memory_space<vmem>>[vector<16xi32>], vector<16xf32>,
      %add3A_916 = arith.addf %add3A_872, %gather3A_915 : vector<16xf32>
      %gather3A_917 = tpu.vector_load_idx %arg7[%add3A_907] : memref<51200xf32, #tpu.memory_space<vmem>>[vector<16xi32>], vector<16xf32>,
      %add3A_918 = arith.addi %add3A_907, %broadcast_in_dim3A_8 : vector<16xi32>
      %mul3A_919 = arith.constant 3.200000e+01 : f32
      %mul3A_920 = vector.broadcast %mul3A_919 : f32 to vector<16xf32>
      %mul3A_921 = arith.mulf %gather3A_917, %mul3A_920 : vector<16xf32>
      %convert_element_type3A_922 = arith.fptosi %mul3A_921 : vector<16xf32> to vector<16xi32>
      %add3A_923 = arith.constant 2336 : i32
      %add3A_924 = vector.broadcast %add3A_923 : i32 to vector<16xi32>
      %add3A_925 = arith.addi %convert_element_type3A_922, %add3A_924 : vector<16xi32>
      %gather3A_926 = tpu.vector_load_idx %arg8[%add3A_925] : memref<3200xf32, #tpu.memory_space<vmem>>[vector<16xi32>], vector<16xf32>,
      %add3A_927 = arith.addf %add3A_883, %gather3A_926 : vector<16xf32>
      %gather3A_928 = tpu.vector_load_idx %arg7[%add3A_918] : memref<51200xf32, #tpu.memory_space<vmem>>[vector<16xi32>], vector<16xf32>,
      %add3A_929 = arith.addi %add3A_918, %broadcast_in_dim3A_8 : vector<16xi32>
      %mul3A_930 = arith.constant 3.200000e+01 : f32
      %mul3A_931 = vector.broadcast %mul3A_930 : f32 to vector<16xf32>
      %mul3A_932 = arith.mulf %gather3A_928, %mul3A_931 : vector<16xf32>
      %convert_element_type3A_933 = arith.fptosi %mul3A_932 : vector<16xf32> to vector<16xi32>
      %add3A_934 = arith.constant 2368 : i32
      %add3A_935 = vector.broadcast %add3A_934 : i32 to vector<16xi32>
      %add3A_936 = arith.addi %convert_element_type3A_933, %add3A_935 : vector<16xi32>
      %gather3A_937 = tpu.vector_load_idx %arg8[%add3A_936] : memref<3200xf32, #tpu.memory_space<vmem>>[vector<16xi32>], vector<16xf32>,
      %add3A_938 = arith.addf %add3A_894, %gather3A_937 : vector<16xf32>
      %gather3A_939 = tpu.vector_load_idx %arg7[%add3A_929] : memref<51200xf32, #tpu.memory_space<vmem>>[vector<16xi32>], vector<16xf32>,
      %add3A_940 = arith.addi %add3A_929, %broadcast_in_dim3A_8 : vector<16xi32>
      %mul3A_941 = arith.constant 3.200000e+01 : f32
      %mul3A_942 = vector.broadcast %mul3A_941 : f32 to vector<16xf32>
      %mul3A_943 = arith.mulf %gather3A_939, %mul3A_942 : vector<16xf32>
      %convert_element_type3A_944 = arith.fptosi %mul3A_943 : vector<16xf32> to vector<16xi32>
      %add3A_945 = arith.constant 2400 : i32
      %add3A_946 = vector.broadcast %add3A_945 : i32 to vector<16xi32>
      %add3A_947 = arith.addi %convert_element_type3A_944, %add3A_946 : vector<16xi32>
      %gather3A_948 = tpu.vector_load_idx %arg8[%add3A_947] : memref<3200xf32, #tpu.memory_space<vmem>>[vector<16xi32>], vector<16xf32>,
      %add3A_949 = arith.addf %add3A_905, %gather3A_948 : vector<16xf32>
      %gather3A_950 = tpu.vector_load_idx %arg7[%add3A_940] : memref<51200xf32, #tpu.memory_space<vmem>>[vector<16xi32>], vector<16xf32>,
      %add3A_951 = arith.addi %add3A_940, %broadcast_in_dim3A_8 : vector<16xi32>
      %mul3A_952 = arith.constant 3.200000e+01 : f32
      %mul3A_953 = vector.broadcast %mul3A_952 : f32 to vector<16xf32>
      %mul3A_954 = arith.mulf %gather3A_950, %mul3A_953 : vector<16xf32>
      %convert_element_type3A_955 = arith.fptosi %mul3A_954 : vector<16xf32> to vector<16xi32>
      %add3A_956 = arith.constant 2432 : i32
      %add3A_957 = vector.broadcast %add3A_956 : i32 to vector<16xi32>
      %add3A_958 = arith.addi %convert_element_type3A_955, %add3A_957 : vector<16xi32>
      %gather3A_959 = tpu.vector_load_idx %arg8[%add3A_958] : memref<3200xf32, #tpu.memory_space<vmem>>[vector<16xi32>], vector<16xf32>,
      %add3A_960 = arith.addf %add3A_916, %gather3A_959 : vector<16xf32>
      %gather3A_961 = tpu.vector_load_idx %arg7[%add3A_951] : memref<51200xf32, #tpu.memory_space<vmem>>[vector<16xi32>], vector<16xf32>,
      %add3A_962 = arith.addi %add3A_951, %broadcast_in_dim3A_8 : vector<16xi32>
      %mul3A_963 = arith.constant 3.200000e+01 : f32
      %mul3A_964 = vector.broadcast %mul3A_963 : f32 to vector<16xf32>
      %mul3A_965 = arith.mulf %gather3A_961, %mul3A_964 : vector<16xf32>
      %convert_element_type3A_966 = arith.fptosi %mul3A_965 : vector<16xf32> to vector<16xi32>
      %add3A_967 = arith.constant 2464 : i32
      %add3A_968 = vector.broadcast %add3A_967 : i32 to vector<16xi32>
      %add3A_969 = arith.addi %convert_element_type3A_966, %add3A_968 : vector<16xi32>
      %gather3A_970 = tpu.vector_load_idx %arg8[%add3A_969] : memref<3200xf32, #tpu.memory_space<vmem>>[vector<16xi32>], vector<16xf32>,
      %add3A_971 = arith.addf %add3A_927, %gather3A_970 : vector<16xf32>
      %gather3A_972 = tpu.vector_load_idx %arg7[%add3A_962] : memref<51200xf32, #tpu.memory_space<vmem>>[vector<16xi32>], vector<16xf32>,
      %add3A_973 = arith.addi %add3A_962, %broadcast_in_dim3A_8 : vector<16xi32>
      %mul3A_974 = arith.constant 3.200000e+01 : f32
      %mul3A_975 = vector.broadcast %mul3A_974 : f32 to vector<16xf32>
      %mul3A_976 = arith.mulf %gather3A_972, %mul3A_975 : vector<16xf32>
      %convert_element_type3A_977 = arith.fptosi %mul3A_976 : vector<16xf32> to vector<16xi32>
      %add3A_978 = arith.constant 2496 : i32
      %add3A_979 = vector.broadcast %add3A_978 : i32 to vector<16xi32>
      %add3A_980 = arith.addi %convert_element_type3A_977, %add3A_979 : vector<16xi32>
      %gather3A_981 = tpu.vector_load_idx %arg8[%add3A_980] : memref<3200xf32, #tpu.memory_space<vmem>>[vector<16xi32>], vector<16xf32>,
      %add3A_982 = arith.addf %add3A_938, %gather3A_981 : vector<16xf32>
      %gather3A_983 = tpu.vector_load_idx %arg7[%add3A_973] : memref<51200xf32, #tpu.memory_space<vmem>>[vector<16xi32>], vector<16xf32>,
      %add3A_984 = arith.addi %add3A_973, %broadcast_in_dim3A_8 : vector<16xi32>
      %mul3A_985 = arith.constant 3.200000e+01 : f32
      %mul3A_986 = vector.broadcast %mul3A_985 : f32 to vector<16xf32>
      %mul3A_987 = arith.mulf %gather3A_983, %mul3A_986 : vector<16xf32>
      %convert_element_type3A_988 = arith.fptosi %mul3A_987 : vector<16xf32> to vector<16xi32>
      %add3A_989 = arith.constant 2528 : i32
      %add3A_990 = vector.broadcast %add3A_989 : i32 to vector<16xi32>
      %add3A_991 = arith.addi %convert_element_type3A_988, %add3A_990 : vector<16xi32>
      %gather3A_992 = tpu.vector_load_idx %arg8[%add3A_991] : memref<3200xf32, #tpu.memory_space<vmem>>[vector<16xi32>], vector<16xf32>,
      %add3A_993 = arith.addf %add3A_949, %gather3A_992 : vector<16xf32>
      %gather3A_994 = tpu.vector_load_idx %arg7[%add3A_984] : memref<51200xf32, #tpu.memory_space<vmem>>[vector<16xi32>], vector<16xf32>,
      %add3A_995 = arith.addi %add3A_984, %broadcast_in_dim3A_8 : vector<16xi32>
      %mul3A_996 = arith.constant 3.200000e+01 : f32
      %mul3A_997 = vector.broadcast %mul3A_996 : f32 to vector<16xf32>
      %mul3A_998 = arith.mulf %gather3A_994, %mul3A_997 : vector<16xf32>
      %convert_element_type3A_999 = arith.fptosi %mul3A_998 : vector<16xf32> to vector<16xi32>
      %add3A_1000 = arith.constant 2560 : i32
      %add3A_1001 = vector.broadcast %add3A_1000 : i32 to vector<16xi32>
      %add3A_1002 = arith.addi %convert_element_type3A_999, %add3A_1001 : vector<16xi32>
      %gather3A_1003 = tpu.vector_load_idx %arg8[%add3A_1002] : memref<3200xf32, #tpu.memory_space<vmem>>[vector<16xi32>], vector<16xf32>,
      %add3A_1004 = arith.addf %add3A_960, %gather3A_1003 : vector<16xf32>
      %gather3A_1005 = tpu.vector_load_idx %arg7[%add3A_995] : memref<51200xf32, #tpu.memory_space<vmem>>[vector<16xi32>], vector<16xf32>,
      %add3A_1006 = arith.addi %add3A_995, %broadcast_in_dim3A_8 : vector<16xi32>
      %mul3A_1007 = arith.constant 3.200000e+01 : f32
      %mul3A_1008 = vector.broadcast %mul3A_1007 : f32 to vector<16xf32>
      %mul3A_1009 = arith.mulf %gather3A_1005, %mul3A_1008 : vector<16xf32>
      %convert_element_type3A_1010 = arith.fptosi %mul3A_1009 : vector<16xf32> to vector<16xi32>
      %add3A_1011 = arith.constant 2592 : i32
      %add3A_1012 = vector.broadcast %add3A_1011 : i32 to vector<16xi32>
      %add3A_1013 = arith.addi %convert_element_type3A_1010, %add3A_1012 : vector<16xi32>
      %gather3A_1014 = tpu.vector_load_idx %arg8[%add3A_1013] : memref<3200xf32, #tpu.memory_space<vmem>>[vector<16xi32>], vector<16xf32>,
      %add3A_1015 = arith.addf %add3A_971, %gather3A_1014 : vector<16xf32>
      %gather3A_1016 = tpu.vector_load_idx %arg7[%add3A_1006] : memref<51200xf32, #tpu.memory_space<vmem>>[vector<16xi32>], vector<16xf32>,
      %add3A_1017 = arith.addi %add3A_1006, %broadcast_in_dim3A_8 : vector<16xi32>
      %mul3A_1018 = arith.constant 3.200000e+01 : f32
      %mul3A_1019 = vector.broadcast %mul3A_1018 : f32 to vector<16xf32>
      %mul3A_1020 = arith.mulf %gather3A_1016, %mul3A_1019 : vector<16xf32>
      %convert_element_type3A_1021 = arith.fptosi %mul3A_1020 : vector<16xf32> to vector<16xi32>
      %add3A_1022 = arith.constant 2624 : i32
      %add3A_1023 = vector.broadcast %add3A_1022 : i32 to vector<16xi32>
      %add3A_1024 = arith.addi %convert_element_type3A_1021, %add3A_1023 : vector<16xi32>
      %gather3A_1025 = tpu.vector_load_idx %arg8[%add3A_1024] : memref<3200xf32, #tpu.memory_space<vmem>>[vector<16xi32>], vector<16xf32>,
      %add3A_1026 = arith.addf %add3A_982, %gather3A_1025 : vector<16xf32>
      %gather3A_1027 = tpu.vector_load_idx %arg7[%add3A_1017] : memref<51200xf32, #tpu.memory_space<vmem>>[vector<16xi32>], vector<16xf32>,
      %add3A_1028 = arith.addi %add3A_1017, %broadcast_in_dim3A_8 : vector<16xi32>
      %mul3A_1029 = arith.constant 3.200000e+01 : f32
      %mul3A_1030 = vector.broadcast %mul3A_1029 : f32 to vector<16xf32>
      %mul3A_1031 = arith.mulf %gather3A_1027, %mul3A_1030 : vector<16xf32>
      %convert_element_type3A_1032 = arith.fptosi %mul3A_1031 : vector<16xf32> to vector<16xi32>
      %add3A_1033 = arith.constant 2656 : i32
      %add3A_1034 = vector.broadcast %add3A_1033 : i32 to vector<16xi32>
      %add3A_1035 = arith.addi %convert_element_type3A_1032, %add3A_1034 : vector<16xi32>
      %gather3A_1036 = tpu.vector_load_idx %arg8[%add3A_1035] : memref<3200xf32, #tpu.memory_space<vmem>>[vector<16xi32>], vector<16xf32>,
      %add3A_1037 = arith.addf %add3A_993, %gather3A_1036 : vector<16xf32>
      %gather3A_1038 = tpu.vector_load_idx %arg7[%add3A_1028] : memref<51200xf32, #tpu.memory_space<vmem>>[vector<16xi32>], vector<16xf32>,
      %add3A_1039 = arith.addi %add3A_1028, %broadcast_in_dim3A_8 : vector<16xi32>
      %mul3A_1040 = arith.constant 3.200000e+01 : f32
      %mul3A_1041 = vector.broadcast %mul3A_1040 : f32 to vector<16xf32>
      %mul3A_1042 = arith.mulf %gather3A_1038, %mul3A_1041 : vector<16xf32>
      %convert_element_type3A_1043 = arith.fptosi %mul3A_1042 : vector<16xf32> to vector<16xi32>
      %add3A_1044 = arith.constant 2688 : i32
      %add3A_1045 = vector.broadcast %add3A_1044 : i32 to vector<16xi32>
      %add3A_1046 = arith.addi %convert_element_type3A_1043, %add3A_1045 : vector<16xi32>
      %gather3A_1047 = tpu.vector_load_idx %arg8[%add3A_1046] : memref<3200xf32, #tpu.memory_space<vmem>>[vector<16xi32>], vector<16xf32>,
      %add3A_1048 = arith.addf %add3A_1004, %gather3A_1047 : vector<16xf32>
      %gather3A_1049 = tpu.vector_load_idx %arg7[%add3A_1039] : memref<51200xf32, #tpu.memory_space<vmem>>[vector<16xi32>], vector<16xf32>,
      %add3A_1050 = arith.addi %add3A_1039, %broadcast_in_dim3A_8 : vector<16xi32>
      %mul3A_1051 = arith.constant 3.200000e+01 : f32
      %mul3A_1052 = vector.broadcast %mul3A_1051 : f32 to vector<16xf32>
      %mul3A_1053 = arith.mulf %gather3A_1049, %mul3A_1052 : vector<16xf32>
      %convert_element_type3A_1054 = arith.fptosi %mul3A_1053 : vector<16xf32> to vector<16xi32>
      %add3A_1055 = arith.constant 2720 : i32
      %add3A_1056 = vector.broadcast %add3A_1055 : i32 to vector<16xi32>
      %add3A_1057 = arith.addi %convert_element_type3A_1054, %add3A_1056 : vector<16xi32>
      %gather3A_1058 = tpu.vector_load_idx %arg8[%add3A_1057] : memref<3200xf32, #tpu.memory_space<vmem>>[vector<16xi32>], vector<16xf32>,
      %add3A_1059 = arith.addf %add3A_1015, %gather3A_1058 : vector<16xf32>
      %gather3A_1060 = tpu.vector_load_idx %arg7[%add3A_1050] : memref<51200xf32, #tpu.memory_space<vmem>>[vector<16xi32>], vector<16xf32>,
      %add3A_1061 = arith.addi %add3A_1050, %broadcast_in_dim3A_8 : vector<16xi32>
      %mul3A_1062 = arith.constant 3.200000e+01 : f32
      %mul3A_1063 = vector.broadcast %mul3A_1062 : f32 to vector<16xf32>
      %mul3A_1064 = arith.mulf %gather3A_1060, %mul3A_1063 : vector<16xf32>
      %convert_element_type3A_1065 = arith.fptosi %mul3A_1064 : vector<16xf32> to vector<16xi32>
      %add3A_1066 = arith.constant 2752 : i32
      %add3A_1067 = vector.broadcast %add3A_1066 : i32 to vector<16xi32>
      %add3A_1068 = arith.addi %convert_element_type3A_1065, %add3A_1067 : vector<16xi32>
      %gather3A_1069 = tpu.vector_load_idx %arg8[%add3A_1068] : memref<3200xf32, #tpu.memory_space<vmem>>[vector<16xi32>], vector<16xf32>,
      %add3A_1070 = arith.addf %add3A_1026, %gather3A_1069 : vector<16xf32>
      %gather3A_1071 = tpu.vector_load_idx %arg7[%add3A_1061] : memref<51200xf32, #tpu.memory_space<vmem>>[vector<16xi32>], vector<16xf32>,
      %add3A_1072 = arith.addi %add3A_1061, %broadcast_in_dim3A_8 : vector<16xi32>
      %mul3A_1073 = arith.constant 3.200000e+01 : f32
      %mul3A_1074 = vector.broadcast %mul3A_1073 : f32 to vector<16xf32>
      %mul3A_1075 = arith.mulf %gather3A_1071, %mul3A_1074 : vector<16xf32>
      %convert_element_type3A_1076 = arith.fptosi %mul3A_1075 : vector<16xf32> to vector<16xi32>
      %add3A_1077 = arith.constant 2784 : i32
      %add3A_1078 = vector.broadcast %add3A_1077 : i32 to vector<16xi32>
      %add3A_1079 = arith.addi %convert_element_type3A_1076, %add3A_1078 : vector<16xi32>
      %gather3A_1080 = tpu.vector_load_idx %arg8[%add3A_1079] : memref<3200xf32, #tpu.memory_space<vmem>>[vector<16xi32>], vector<16xf32>,
      %add3A_1081 = arith.addf %add3A_1037, %gather3A_1080 : vector<16xf32>
      %gather3A_1082 = tpu.vector_load_idx %arg7[%add3A_1072] : memref<51200xf32, #tpu.memory_space<vmem>>[vector<16xi32>], vector<16xf32>,
      %add3A_1083 = arith.addi %add3A_1072, %broadcast_in_dim3A_8 : vector<16xi32>
      %mul3A_1084 = arith.constant 3.200000e+01 : f32
      %mul3A_1085 = vector.broadcast %mul3A_1084 : f32 to vector<16xf32>
      %mul3A_1086 = arith.mulf %gather3A_1082, %mul3A_1085 : vector<16xf32>
      %convert_element_type3A_1087 = arith.fptosi %mul3A_1086 : vector<16xf32> to vector<16xi32>
      %add3A_1088 = arith.constant 2816 : i32
      %add3A_1089 = vector.broadcast %add3A_1088 : i32 to vector<16xi32>
      %add3A_1090 = arith.addi %convert_element_type3A_1087, %add3A_1089 : vector<16xi32>
      %gather3A_1091 = tpu.vector_load_idx %arg8[%add3A_1090] : memref<3200xf32, #tpu.memory_space<vmem>>[vector<16xi32>], vector<16xf32>,
      %add3A_1092 = arith.addf %add3A_1048, %gather3A_1091 : vector<16xf32>
      %gather3A_1093 = tpu.vector_load_idx %arg7[%add3A_1083] : memref<51200xf32, #tpu.memory_space<vmem>>[vector<16xi32>], vector<16xf32>,
      %add3A_1094 = arith.addi %add3A_1083, %broadcast_in_dim3A_8 : vector<16xi32>
      %mul3A_1095 = arith.constant 3.200000e+01 : f32
      %mul3A_1096 = vector.broadcast %mul3A_1095 : f32 to vector<16xf32>
      %mul3A_1097 = arith.mulf %gather3A_1093, %mul3A_1096 : vector<16xf32>
      %convert_element_type3A_1098 = arith.fptosi %mul3A_1097 : vector<16xf32> to vector<16xi32>
      %add3A_1099 = arith.constant 2848 : i32
      %add3A_1100 = vector.broadcast %add3A_1099 : i32 to vector<16xi32>
      %add3A_1101 = arith.addi %convert_element_type3A_1098, %add3A_1100 : vector<16xi32>
      %gather3A_1102 = tpu.vector_load_idx %arg8[%add3A_1101] : memref<3200xf32, #tpu.memory_space<vmem>>[vector<16xi32>], vector<16xf32>,
      %add3A_1103 = arith.addf %add3A_1059, %gather3A_1102 : vector<16xf32>
      %gather3A_1104 = tpu.vector_load_idx %arg7[%add3A_1094] : memref<51200xf32, #tpu.memory_space<vmem>>[vector<16xi32>], vector<16xf32>,
      %add3A_1105 = arith.addi %add3A_1094, %broadcast_in_dim3A_8 : vector<16xi32>
      %mul3A_1106 = arith.constant 3.200000e+01 : f32
      %mul3A_1107 = vector.broadcast %mul3A_1106 : f32 to vector<16xf32>
      %mul3A_1108 = arith.mulf %gather3A_1104, %mul3A_1107 : vector<16xf32>
      %convert_element_type3A_1109 = arith.fptosi %mul3A_1108 : vector<16xf32> to vector<16xi32>
      %add3A_1110 = arith.constant 2880 : i32
      %add3A_1111 = vector.broadcast %add3A_1110 : i32 to vector<16xi32>
      %add3A_1112 = arith.addi %convert_element_type3A_1109, %add3A_1111 : vector<16xi32>
      %gather3A_1113 = tpu.vector_load_idx %arg8[%add3A_1112] : memref<3200xf32, #tpu.memory_space<vmem>>[vector<16xi32>], vector<16xf32>,
      %add3A_1114 = arith.addf %add3A_1070, %gather3A_1113 : vector<16xf32>
      %gather3A_1115 = tpu.vector_load_idx %arg7[%add3A_1105] : memref<51200xf32, #tpu.memory_space<vmem>>[vector<16xi32>], vector<16xf32>,
      %add3A_1116 = arith.addi %add3A_1105, %broadcast_in_dim3A_8 : vector<16xi32>
      %mul3A_1117 = arith.constant 3.200000e+01 : f32
      %mul3A_1118 = vector.broadcast %mul3A_1117 : f32 to vector<16xf32>
      %mul3A_1119 = arith.mulf %gather3A_1115, %mul3A_1118 : vector<16xf32>
      %convert_element_type3A_1120 = arith.fptosi %mul3A_1119 : vector<16xf32> to vector<16xi32>
      %add3A_1121 = arith.constant 2912 : i32
      %add3A_1122 = vector.broadcast %add3A_1121 : i32 to vector<16xi32>
      %add3A_1123 = arith.addi %convert_element_type3A_1120, %add3A_1122 : vector<16xi32>
      %gather3A_1124 = tpu.vector_load_idx %arg8[%add3A_1123] : memref<3200xf32, #tpu.memory_space<vmem>>[vector<16xi32>], vector<16xf32>,
      %add3A_1125 = arith.addf %add3A_1081, %gather3A_1124 : vector<16xf32>
      %gather3A_1126 = tpu.vector_load_idx %arg7[%add3A_1116] : memref<51200xf32, #tpu.memory_space<vmem>>[vector<16xi32>], vector<16xf32>,
      %add3A_1127 = arith.addi %add3A_1116, %broadcast_in_dim3A_8 : vector<16xi32>
      %mul3A_1128 = arith.constant 3.200000e+01 : f32
      %mul3A_1129 = vector.broadcast %mul3A_1128 : f32 to vector<16xf32>
      %mul3A_1130 = arith.mulf %gather3A_1126, %mul3A_1129 : vector<16xf32>
      %convert_element_type3A_1131 = arith.fptosi %mul3A_1130 : vector<16xf32> to vector<16xi32>
      %add3A_1132 = arith.constant 2944 : i32
      %add3A_1133 = vector.broadcast %add3A_1132 : i32 to vector<16xi32>
      %add3A_1134 = arith.addi %convert_element_type3A_1131, %add3A_1133 : vector<16xi32>
      %gather3A_1135 = tpu.vector_load_idx %arg8[%add3A_1134] : memref<3200xf32, #tpu.memory_space<vmem>>[vector<16xi32>], vector<16xf32>,
      %add3A_1136 = arith.addf %add3A_1092, %gather3A_1135 : vector<16xf32>
      %gather3A_1137 = tpu.vector_load_idx %arg7[%add3A_1127] : memref<51200xf32, #tpu.memory_space<vmem>>[vector<16xi32>], vector<16xf32>,
      %add3A_1138 = arith.addi %add3A_1127, %broadcast_in_dim3A_8 : vector<16xi32>
      %mul3A_1139 = arith.constant 3.200000e+01 : f32
      %mul3A_1140 = vector.broadcast %mul3A_1139 : f32 to vector<16xf32>
      %mul3A_1141 = arith.mulf %gather3A_1137, %mul3A_1140 : vector<16xf32>
      %convert_element_type3A_1142 = arith.fptosi %mul3A_1141 : vector<16xf32> to vector<16xi32>
      %add3A_1143 = arith.constant 2976 : i32
      %add3A_1144 = vector.broadcast %add3A_1143 : i32 to vector<16xi32>
      %add3A_1145 = arith.addi %convert_element_type3A_1142, %add3A_1144 : vector<16xi32>
      %gather3A_1146 = tpu.vector_load_idx %arg8[%add3A_1145] : memref<3200xf32, #tpu.memory_space<vmem>>[vector<16xi32>], vector<16xf32>,
      %add3A_1147 = arith.addf %add3A_1103, %gather3A_1146 : vector<16xf32>
      %gather3A_1148 = tpu.vector_load_idx %arg7[%add3A_1138] : memref<51200xf32, #tpu.memory_space<vmem>>[vector<16xi32>], vector<16xf32>,
      %add3A_1149 = arith.addi %add3A_1138, %broadcast_in_dim3A_8 : vector<16xi32>
      %mul3A_1150 = arith.constant 3.200000e+01 : f32
      %mul3A_1151 = vector.broadcast %mul3A_1150 : f32 to vector<16xf32>
      %mul3A_1152 = arith.mulf %gather3A_1148, %mul3A_1151 : vector<16xf32>
      %convert_element_type3A_1153 = arith.fptosi %mul3A_1152 : vector<16xf32> to vector<16xi32>
      %add3A_1154 = arith.constant 3008 : i32
      %add3A_1155 = vector.broadcast %add3A_1154 : i32 to vector<16xi32>
      %add3A_1156 = arith.addi %convert_element_type3A_1153, %add3A_1155 : vector<16xi32>
      %gather3A_1157 = tpu.vector_load_idx %arg8[%add3A_1156] : memref<3200xf32, #tpu.memory_space<vmem>>[vector<16xi32>], vector<16xf32>,
      %add3A_1158 = arith.addf %add3A_1114, %gather3A_1157 : vector<16xf32>
      %gather3A_1159 = tpu.vector_load_idx %arg7[%add3A_1149] : memref<51200xf32, #tpu.memory_space<vmem>>[vector<16xi32>], vector<16xf32>,
      %add3A_1160 = arith.addi %add3A_1149, %broadcast_in_dim3A_8 : vector<16xi32>
      %mul3A_1161 = arith.constant 3.200000e+01 : f32
      %mul3A_1162 = vector.broadcast %mul3A_1161 : f32 to vector<16xf32>
      %mul3A_1163 = arith.mulf %gather3A_1159, %mul3A_1162 : vector<16xf32>
      %convert_element_type3A_1164 = arith.fptosi %mul3A_1163 : vector<16xf32> to vector<16xi32>
      %add3A_1165 = arith.constant 3040 : i32
      %add3A_1166 = vector.broadcast %add3A_1165 : i32 to vector<16xi32>
      %add3A_1167 = arith.addi %convert_element_type3A_1164, %add3A_1166 : vector<16xi32>
      %gather3A_1168 = tpu.vector_load_idx %arg8[%add3A_1167] : memref<3200xf32, #tpu.memory_space<vmem>>[vector<16xi32>], vector<16xf32>,
      %add3A_1169 = arith.addf %add3A_1125, %gather3A_1168 : vector<16xf32>
      %gather3A_1170 = tpu.vector_load_idx %arg7[%add3A_1160] : memref<51200xf32, #tpu.memory_space<vmem>>[vector<16xi32>], vector<16xf32>,
      %add3A_1171 = arith.addi %add3A_1160, %broadcast_in_dim3A_8 : vector<16xi32>
      %mul3A_1172 = arith.constant 3.200000e+01 : f32
      %mul3A_1173 = vector.broadcast %mul3A_1172 : f32 to vector<16xf32>
      %mul3A_1174 = arith.mulf %gather3A_1170, %mul3A_1173 : vector<16xf32>
      %convert_element_type3A_1175 = arith.fptosi %mul3A_1174 : vector<16xf32> to vector<16xi32>
      %add3A_1176 = arith.constant 3072 : i32
      %add3A_1177 = vector.broadcast %add3A_1176 : i32 to vector<16xi32>
      %add3A_1178 = arith.addi %convert_element_type3A_1175, %add3A_1177 : vector<16xi32>
      %gather3A_1179 = tpu.vector_load_idx %arg8[%add3A_1178] : memref<3200xf32, #tpu.memory_space<vmem>>[vector<16xi32>], vector<16xf32>,
      %add3A_1180 = arith.addf %add3A_1136, %gather3A_1179 : vector<16xf32>
      %gather3A_1181 = tpu.vector_load_idx %arg7[%add3A_1171] : memref<51200xf32, #tpu.memory_space<vmem>>[vector<16xi32>], vector<16xf32>,
      %add3A_1182 = arith.addi %add3A_1171, %broadcast_in_dim3A_8 : vector<16xi32>
      %mul3A_1183 = arith.constant 3.200000e+01 : f32
      %mul3A_1184 = vector.broadcast %mul3A_1183 : f32 to vector<16xf32>
      %mul3A_1185 = arith.mulf %gather3A_1181, %mul3A_1184 : vector<16xf32>
      %convert_element_type3A_1186 = arith.fptosi %mul3A_1185 : vector<16xf32> to vector<16xi32>
      %add3A_1187 = arith.constant 3104 : i32
      %add3A_1188 = vector.broadcast %add3A_1187 : i32 to vector<16xi32>
      %add3A_1189 = arith.addi %convert_element_type3A_1186, %add3A_1188 : vector<16xi32>
      %gather3A_1190 = tpu.vector_load_idx %arg8[%add3A_1189] : memref<3200xf32, #tpu.memory_space<vmem>>[vector<16xi32>], vector<16xf32>,
      %add3A_1191 = arith.addf %add3A_1147, %gather3A_1190 : vector<16xf32>
      %gather3A_1192 = tpu.vector_load_idx %arg7[%add3A_1182] : memref<51200xf32, #tpu.memory_space<vmem>>[vector<16xi32>], vector<16xf32>,
      %add3A_1193 = arith.addi %add3A_1182, %broadcast_in_dim3A_8 : vector<16xi32>
      %mul3A_1194 = arith.constant 3.200000e+01 : f32
      %mul3A_1195 = vector.broadcast %mul3A_1194 : f32 to vector<16xf32>
      %mul3A_1196 = arith.mulf %gather3A_1192, %mul3A_1195 : vector<16xf32>
      %convert_element_type3A_1197 = arith.fptosi %mul3A_1196 : vector<16xf32> to vector<16xi32>
      %add3A_1198 = arith.constant 3136 : i32
      %add3A_1199 = vector.broadcast %add3A_1198 : i32 to vector<16xi32>
      %add3A_1200 = arith.addi %convert_element_type3A_1197, %add3A_1199 : vector<16xi32>
      %gather3A_1201 = tpu.vector_load_idx %arg8[%add3A_1200] : memref<3200xf32, #tpu.memory_space<vmem>>[vector<16xi32>], vector<16xf32>,
      %add3A_1202 = arith.addf %add3A_1158, %gather3A_1201 : vector<16xf32>
      %gather3A_1203 = tpu.vector_load_idx %arg7[%add3A_1193] : memref<51200xf32, #tpu.memory_space<vmem>>[vector<16xi32>], vector<16xf32>,
      %add3A_1204 = arith.addi %add3A_1193, %broadcast_in_dim3A_8 : vector<16xi32>
      %mul3A_1205 = arith.constant 3.200000e+01 : f32
      %mul3A_1206 = vector.broadcast %mul3A_1205 : f32 to vector<16xf32>
      %mul3A_1207 = arith.mulf %gather3A_1203, %mul3A_1206 : vector<16xf32>
      %convert_element_type3A_1208 = arith.fptosi %mul3A_1207 : vector<16xf32> to vector<16xi32>
      %add3A_1209 = arith.constant 3168 : i32
      %add3A_1210 = vector.broadcast %add3A_1209 : i32 to vector<16xi32>
      %add3A_1211 = arith.addi %convert_element_type3A_1208, %add3A_1210 : vector<16xi32>
      %gather3A_1212 = tpu.vector_load_idx %arg8[%add3A_1211] : memref<3200xf32, #tpu.memory_space<vmem>>[vector<16xi32>], vector<16xf32>,
      %add3A_1213 = arith.addf %add3A_1169, %gather3A_1212 : vector<16xf32>
      %add3A_1214 = arith.addf %add3A_1180, %add3A_1191 : vector<16xf32>
      %add3A_1215 = arith.addf %add3A_1202, %add3A_1213 : vector<16xf32>
      %add3A_1216 = arith.addf %add3A_1214, %add3A_1215 : vector<16xf32>
      %mul3A_1217 = arith.constant 16 : i32
      %mul3A_1218 = arith.muli %scan3A_14, %mul3A_1217 : i32
      %swap3A = arith.index_cast %mul3A_1218 : i32 to index
      %swap3A_1219 = tpu.vector_load %arg11[%swap3A] {strides = array<i32>} : memref<512xf32, #tpu.memory_space<vmem>>, vector<16xf32>,
      tpu.vector_store %arg11[%swap3A], %add3A_1216 {strides = array<i32>} : memref<512xf32, #tpu.memory_space<vmem>>, vector<16xf32>,
    }
    %scan3A_13 = arith.constant 32 : i32
    "tpu.region"() ({
      %run_scoped3A = tpu.sem_alloc : memref<!tpu.dma_semaphore, #tpu.memory_space<semaphore_mem>>
      %dma_start3A = tpu.memref_slice %arg6[%mul3A_2] : memref<16384xf32, #tpu.memory_space<hbm>> -> memref<512xf32, #tpu.memory_space<hbm>>
      %dma_start3A_14 = tpu.memref_slice %arg6[%mul3A_2] : memref<16384xf32, #tpu.memory_space<hbm>> -> memref<512xf32, #tpu.memory_space<hbm>>
      tpu.enqueue_dma source(%arg11 : memref<512xf32, #tpu.memory_space<vmem>>) target(%dma_start3A_14 : memref<512xf32, #tpu.memory_space<hbm>>) target_semaphore(%run_scoped3A : memref<!tpu.dma_semaphore, #tpu.memory_space<semaphore_mem>>)
      %dma_wait3A = tpu.memref_slice %arg6[%mul3A_2] : memref<16384xf32, #tpu.memory_space<hbm>> -> memref<512xf32, #tpu.memory_space<hbm>>
      %dma_wait3A_15 = tpu.memref_slice %arg6[%mul3A_2] : memref<16384xf32, #tpu.memory_space<hbm>> -> memref<512xf32, #tpu.memory_space<hbm>>
      tpu.wait_dma2 semaphore(%run_scoped3A : memref<!tpu.dma_semaphore, #tpu.memory_space<semaphore_mem>>) src(%arg11 : memref<512xf32, #tpu.memory_space<vmem>>) dst(%dma_wait3A_15 : memref<512xf32, #tpu.memory_space<hbm>>)
      tpu.yield
    }) : () -> ()
    return
  }
}

</mosaic_0001>

<sc_bundles>
// kernel: kernel.3.cloned.1.call-start
scs
__scs_entry_jumppad:
0x0: {  	(pc) =	sbr.rel $0x88, $3  }
0x1: {  	(tag) =	ssettag $0x0;
	lr =	simm.s32 $0x1  }
0x2: {  	[smem:$0x3F9D] =	sst lr;
	_ =	strace $0xD0000000  }
0x3: {  	_ = 	snop  }
0x4: {  	_ = 	snop  }
0x5: {  	_ = 	snop  }
0x6: {  	_ = 	snop  }
0x7: {  	_ = 	snop  }
__scs_overlays_trampoline_lowered:
0x8: {  	[smem:$0x3FAC] =	sst s0  }
0x9: {  	[smem:$0x3FAD] =	sst s1  }
0xa: {  	[smem:$0x3FAE] =	sst s2  }
0xb: {  	[smem:$0x3FAF] =	sst s3  }
0xc: {  	[smem:$0x3FB0] =	sst s4  }
0xd: {  	[smem:$0x3FB1] =	sst s5  }
0xe: {  	[smem:$0x3FB2] =	sst s6  }
0xf: {  	[smem:$0x3FB3] =	sst s7  }
0x10: {  	[smem:$0x3FB4] =	sst s8  }
0x11: {  	[smem:$0x3FB5] =	sst s9;
	s0 =	simm.s32 @!p0 $0x0  }
0x12: {  	s1 =	sld [smem:$0x3F9B];
	s0 =	simm.s32 @p0 $0x1  }
0x13: {  	[smem:$0x3FB6] =	sst s0;
	s0 =	simm.s32 @!p1 $0x0  }
0x14: {  	s2 =	sld [smem:$0x3F9A];
	s0 =	simm.s32 @p1 $0x1  }
0x15: {  	[smem:$0x3FB7] =	sst s0;
	s0 =	simm.s32 @!p2 $0x0  }
0x16: {  	s3 =	sld [smem:$0x3FDB];
	s0 =	simm.s32 @p2 $0x1  }
0x17: {  	s4 =	simm.s32 $0x1BF5;
	[smem:$0x3FB9] =	sst s0  }
0x18: {  	s0 =	sld [smem:$0x3F9C];
	_ =	swait.ge [sflag:s4], $0x0  }
0x19: {  	s7 =	sld [smem:$0x3F9D]  }
0x1a: {  	s8 =	sadd.s32 $0xFFFFE003, lr  }
0x1b: {  	s9 =	sadd.s32 $0xFFFFFEF7, lr;
	s5 =	simm.s32 $0xFFFFFFFF;
	p2 =	slt.u32 s8, $0xFFFFF086  }
0x1c: {  	p1 =	slt.u32 s9, $0xF7A;
	s5 =	simm.s32 @!p2 $0x0  }
0x1d: {  	s5 =	simm.s32 @p1 $0x1;
	p0 =	seq.s32 s7, s2  }
0x1e: {  	s7 =	smul.u32 @!p0 $0xF7A, s2;
	p2 =	seq.s32 @!p0 s5, $0x0  }
0x1f: {  	s9 =	smul.u32 $0xF7A, s1;
	s8 =	simm.s32 @!p0 $0x1BF5;
	p2 =	por !p2, p0  }
0x20: {  	[sflag:s8] =	ssyncset.s32 @!p0 $0xFFFFF086;
	s6 =	sadd.s32 @!p0 s3, s7;
	s7 =	simm.s32 @!p0 $0x108  }
0x21: {  	s3 =	sadd.s32 s3, s9;
	s6 =	sadd.s32 @!p0 $0x88, s6;
	s7 =	simm.s32 @p2 $0x1082  }
0x22: {  	[simem:s7], [sflag:s8] =	dma.local @!p0 [hbm:s6], $0xF7A  }
0x23: {  	s9 =	sor.u32 $0xD0000000, s2;
	s6 =	simm.s32 $0x108;
	_ =	swait.ge @!p0 [sflag:s8], $0x0  }
0x24: {  	s3 =	sadd.s32 $0x88, s3;
	s6 =	simm.s32 @!p1 $0x1082;
	[sflag:s4] =	ssyncset.s32 $0xFFFFF086  }
0x25: {  	[simem:s6], [sflag:s4] =	dma.local [hbm:s3], $0xF7A  }
0x26: {  	[smem:$0x3F9D] =	sst s1;
	(tag) =	ssettag s2;
	_ =	strace s9  }
0x27: {  	s1 =	sld [smem:$0x3FAD]  }
0x28: {  	s2 =	sld [smem:$0x3FAE]  }
0x29: {  	s4 =	sld [smem:$0x3FB0]  }
0x2a: {  	p0 =	seq.s32 s5, $0x0;
	s5 =	sld [smem:$0x3FB1]  }
0x2b: {  	s6 =	sld [smem:$0x3FB2]  }
0x2c: {  	s7 =	sld [smem:$0x3FB3]  }
0x2d: {  	s3 =	simm.s32 $0x108;
	s8 =	sld [smem:$0x3FB4]  }
0x2e: {  	s3 =	simm.s32 @!p0 $0x1082;
	s9 =	sld [smem:$0x3FB5]  }
0x2f: {  	lr =	sadd.s32 s0, s3;
	s0 =	sld [smem:$0x3FAC]  }
0x30: {  	s3 =	sld [smem:$0x3FAF]  }
0x31: {  	[smem:$0x3FB8] =	sst s10  }
0x32: {  	s10 =	sld [smem:$0x3FB6];
	_ =	sdelay $0x3  }
0x33: {  	p0 =	seq.s32 s10, $0x1;
	s10 =	sld [smem:$0x3FB8];
	_ =	sdelay $0x3  }
0x34: {  	[smem:$0x3FB8] =	sst s10  }
0x35: {  	s10 =	sld [smem:$0x3FB7];
	_ =	sdelay $0x3  }
0x36: {  	p1 =	seq.s32 s10, $0x1;
	s10 =	sld [smem:$0x3FB8];
	_ =	sdelay $0x3  }
0x37: {  	[smem:$0x3FB8] =	sst s10  }
0x38: {  	s10 =	sld [smem:$0x3FB9]  }
0x39: {  	_ = 	snop;
	(pc) =	sbr.ind lr, $3  }
0x3a: {  	_ = 	snop  }
0x3b: {  	_ = 	snop  }
0x3c: {  	p2 =	seq.s32 s10, $0x1;
	s10 =	sld [smem:$0x3FB8]  }
0x3d: {  	_ =	shalt  }
0x3e: {  	_ =	shalt  }
0x3f: {  	_ =	shalt  }
0x40: {  	_ =	shalt  }
0x41: {  	_ =	shalt  }
0x42: {  	_ =	shalt  }
0x43: {  	_ =	shalt  }
0x44: {  	_ =	shalt  }
0x45: {  	_ =	shalt  }
0x46: {  	_ =	shalt  }
0x47: {  	_ =	shalt  }
0x48: {  	_ =	shalt  }
0x49: {  	_ =	shalt  }
0x4a: {  	_ =	shalt  }
0x4b: {  	_ =	shalt  }
0x4c: {  	_ =	shalt  }
0x4d: {  	_ =	shalt  }
0x4e: {  	_ =	shalt  }
0x4f: {  	_ =	shalt  }
0x50: {  	_ =	shalt  }
0x51: {  	_ =	shalt  }
0x52: {  	_ =	shalt  }
0x53: {  	_ =	shalt  }
0x54: {  	_ =	shalt  }
0x55: {  	_ =	shalt  }
0x56: {  	_ =	shalt  }
0x57: {  	_ =	shalt  }
0x58: {  	_ =	shalt  }
0x59: {  	_ =	shalt  }
0x5a: {  	_ =	shalt  }
0x5b: {  	_ =	shalt  }
0x5c: {  	_ =	shalt  }
0x5d: {  	_ =	shalt  }
0x5e: {  	_ =	shalt  }
0x5f: {  	_ =	shalt  }
0x60: {  	_ =	shalt  }
0x61: {  	_ =	shalt  }
0x62: {  	_ =	shalt  }
0x63: {  	_ =	shalt  }
0x64: {  	_ =	shalt  }
0x65: {  	_ =	shalt  }
0x66: {  	_ =	shalt  }
0x67: {  	_ =	shalt  }
0x68: {  	_ =	shalt  }
0x69: {  	_ =	shalt  }
0x6a: {  	_ =	shalt  }
0x6b: {  	_ =	shalt  }
0x6c: {  	_ =	shalt  }
0x6d: {  	_ =	shalt  }
0x6e: {  	_ =	shalt  }
0x6f: {  	_ =	shalt  }
0x70: {  	_ =	shalt  }
0x71: {  	_ =	shalt  }
0x72: {  	_ =	shalt  }
0x73: {  	_ =	shalt  }
0x74: {  	_ =	shalt  }
0x75: {  	_ =	shalt  }
0x76: {  	_ =	shalt  }
0x77: {  	_ =	shalt  }
0x78: {  	_ =	shalt  }
0x79: {  	_ =	shalt  }
0x7a: {  	_ =	shalt  }
0x7b: {  	_ =	shalt  }
0x7c: {  	_ =	shalt  }
0x7d: {  	_ =	shalt  }
0x7e: {  	_ =	shalt  }
0x7f: {  	_ =	shalt  }
0x80: {  	_ =	shalt  }
0x81: {  	_ =	shalt  }
0x82: {  	_ =	shalt  }
0x83: {  	_ =	shalt  }
0x84: {  	_ =	shalt  }
0x85: {  	_ =	shalt  }
0x86: {  	_ =	shalt  }
0x87: {  	_ =	shalt  }
.Lfunc_end0:
.L_simem_size_0:
called_computation_lowered:
.L_overlay_start_0:
0x88: {  	s2 =	sld [smem:$0x3FD9]  }
0x89: {  	s3 =	sld [smem:$0x3FFE];
	_ =	sdelay $0x1  }
0x8a: {  	s1 =	srdreg.scid  }
0x8b: {  	s0 =	sand.u32 $0x1, s1  }
0x8c: {  	s17 =	sshll.u32 s0, $0xA;
	s2 =	sadd.s32 s3, s2  }
0x8d: {  	s2 =	sadd.s32 s2, s17  }
0x8e: {  	[smem:$0x3FC4] =	sst s2  }
0x8f: {  	_ = 	snop  }
0x90: {  	s2 =	sld [smem:$0x3FD0];
	(tm) =	ssettm $0x1  }
0x91: {  	s18 =	sld [smem:$0x3FFB];
	_ =	sdelay $0x3  }
0x92: {  	_ =	strace s18  }
0x93: {  	s3 =	sld [smem:$0x3FFC];
	_ =	sdelay $0x3  }
0x94: {  	_ =	strace s3  }
0x95: {  	s3 =	sld [smem:$0x3FFD];
	_ =	sdelay $0x3  }
0x96: {  	_ =	strace s3  }
0x97: {  	_ =	strace $0x8FFFFFFF  }
0x98: {  	s19 =	sld [smem:$0x3FDB];
	_ =	sdelay $0x1  }
0x99: {  	s4 =	simm.s32 $_scs_section_size  }
0x9a: {  	s5 =	simm.s32 $_size__tile_overlayer_lowered;
	s6 =	simm.s32 $_tile_overlayer_lowered  }
0x9b: {  	s22 =	simm.s32 $0x1BFF;
	s21 =	sshll.u32 s6, $0x1;
	s3 =	sadd.s32 s4, s19  }
0x9c: {  	s7 =	simm.s32 $0x0;
	s20 =	sshll.u32 s5, $0x1;
	s5 =	sadd.s32 s21, s3  }
0x9d: {  	[timem:s7], [sflag:s22] =	dma.local [hbm:s5], s20  }
0x9e: {  	_ =	swait.ge [sflag:s22], s20  }
0x9f: {  	s4 =	ssub.s32 $0x0, s20;
	[sflag:s22] =	ssyncset.done $0x0  }
0xa0: {  	[sflag:s22] =	ssyncadd.s32 s4;
	_ =	sdelay $0x1  }
0xa1: {  	s23 =	simm.s32 $0x1B8B  }
0xa2: {  	_ =	swait.ge [sflag:s23], $0x1  }
0xa3: {  	[sflag:s23] =	ssyncset.done $0x0  }
0xa4: {  	s25 =	simm.s32 $0x1B8E;
	s24 =	sld [smem:$0x3FFE];
	[sflag:s23] =	ssyncadd.s32 $0xFFFFFFFF  }
0xa5: {  	s26 =	simm.s32 $execute0_lowered;
	[smem:$0x3FD2] =	sst s25  }
0xa6: {  	s5 =	sshll.u32 s26, $0x1;
	_ =	strace $0x80000046;
	[dreg:$0x1] =	wrdreg $0xFFFFFFFF  }
0xa7: {  	s28 =	simm.s32 $_size_execute0_lowered;
	s3 =	sadd.s32 s3, s5;
	[dreg:$0x0] =	wrdreg $0x0  }
0xa8: {  	s5 =	sshll.u32 s28, $0x1;
	[dreg:$0x2] =	wrdreg s3  }
0xa9: {  	[dreg:$0x3] =	wrdreg s5  }
0xaa: {  	[dreg:$0x4] =	wrdreg $0xC0  }
0xab: {  	_ =	task [dreg:s7], $0x5FFFF  }
0xac: {  	[dreg:$0x1] =	wrdreg $0xFFFFFFFF  }
0xad: {  	[dreg:$0x0] =	wrdreg $0x60  }
0xae: {  	[dreg:$0x2] =	wrdreg s24  }
0xaf: {  	[dreg:$0x3] =	wrdreg s2  }
0xb0: {  	[dreg:$0x4] =	wrdreg $0x9  }
0xb1: {  	_ =	task.clear_ibuf [dreg:s7], $0x5FFFF;
	_ =	strace $0x90000046  }
0xb2: {  	s29 =	simm.s32 $0x9;
	_ =	strace $0x80000048  }
0xb3: {  	_ =	swait.ge [sflag:s29], $0x1  }
0xb4: {  	[sflag:s29] =	ssyncadd.s32 $0xFFFFFFFF  }
0xb5: {  	_ =	strace $0x90000048  }
0xb6: {  	_ =	sfence  }
0xb7: {  	s30 =	sld [smem:$0x0];
	_ =	sdelay $0x2  }
0xb8: {  	s31 =	sshll.u32 s1, $0xD;
	s1 =	sshrl.u32 s1, $0x2  }
0xb9: {  	s3 =	sand.u32 $0x4000, s31;
	s1 =	sadd.s32 s1, s30  }
0xba: {  	s0 =	sor.u32 s3, s0;
	s1 =	sshll.u32 s1, $0x11  }
0xbb: {  	s0 =	sor.u32 s1, s0  }
0xbc: {  	s0 =	sadd.s32 $0x8F2B, s0  }
0xbd: {  	[sflag:s0] =	ssyncadd.remote.s32 $0x1  }
0xbe: {  	_ =	sfence.sel $0xFFFF  }
0xbf: {  	[dreg:$0x0] =	wrdreg $0xFFFFFFFF;
	(pc) =	sbr.abs _section_cstart, $3  }
0xc0: {  	[dreg:$0x1] =	wrdreg $0xFFFFFFFF  }
0xc1: {  	_ =	task.clear_ibuf [dreg:s7], $0x2FFFF;
	_ =	strace $0x9FFFFFFF  }
0xc2: {  	(tm) =	ssettm $0x7FFFFFFF  }
0xc3: {  	_ =	shalt  }
tec
execute0_lowered:
.L_overlay_start_1:
0x0: {  	(tag) =	ssettag $0x1  }
0x1: {  	v0 =	vlaneseq.u32  }
0x2: {  	v0 =	vmul.u32 $0x64, v0;
	_ =	sdelay $0x1  }
0x3: {  	v1 =	vor.u32 $0x2, v0  }
0x4: {  	v2 =	vadd.s32 $0x4, v0;
	[tilespmem:$0x1FC00] =	vst v1  }
0x5: {  	[tilespmem:$0x1FC10] =	vst v2;
	v2 =	vadd.s32 $0x6, v0  }
0x6: {  	[tilespmem:$0x1FC20] =	vst v2;
	v2 =	vadd.s32 $0x29, v0  }
0x7: {  	[tilespmem:$0x1FC30] =	vst v2;
	v2 =	vadd.s32 $0x2A, v0  }
0x8: {  	[tilespmem:$0x1FC40] =	vst v2;
	v2 =	vadd.s32 $0x2B, v0  }
0x9: {  	s5 =	rddreg [dreg:$0x0];
	[tilespmem:$0x1FC50] =	vst v2;
	v2 =	vadd.s32 $0x2C, v0  }
0xa: {  	s7 =	rddreg [dreg:$0x1];
	s2 =	simm.s32 $0x0;
	[tilespmem:$0x1FC60] =	vst v2;
	v2 =	vadd.s32 $0x2D, v0  }
0xb: {  	s1 =	srdreg.scid;
	[smem:$0x7FF] =	sst s2;
	[tilespmem:$0x1FC70] =	vst v2;
	v2 =	vadd.s32 $0x2E, v0  }
0xc: {  	s3 =	sand.u32 $0x1, s1;
	s1 =	rddreg [dreg:$0x2];
	_ =	strace $0x80000047;
	[tilespmem:$0x1FC80] =	vst v2  }
0xd: {  	v1 =	vor.u32 $0x3, v0;
	[tilespmem:$0x1FDA0] =	vst v0  }
0xe: {  	v19 =	vor.u32 $0x1, v0;
	[tilespmem:$0x1FDB0] =	vst v1  }
0xf: {  	v24 =	vadd.s32 $0x8, v0;
	[tilespmem:$0x1FDC0] =	vst v19  }
0x10: {  	v25 =	vadd.s32 $0xA, v0;
	[tilespmem:$0x1FDD0] =	vst v24  }
0x11: {  	v31 =	vadd.s32 $0x24, v0;
	[tilespmem:$0x1FDE0] =	vst v25  }
0x12: {  	v32 =	vadd.s32 $0x25, v0;
	[tilespmem:$0x1FDF0] =	vst v31  }
0x13: {  	v33 =	vadd.s32 $0x26, v0;
	[tilespmem:$0x1FE00] =	vst v32  }
0x14: {  	v34 =	vadd.s32 $0x20, v0;
	[tilespmem:$0x1FE10] =	vst v33  }
0x15: {  	v30 =	vadd.s32 $0x21, v0;
	[tilespmem:$0x1FE20] =	vst v34  }
0x16: {  	v29 =	vadd.s32 $0x22, v0;
	[tilespmem:$0x1FE30] =	vst v30  }
0x17: {  	v26 =	vadd.s32 $0x1C, v0;
	[tilespmem:$0x1FE40] =	vst v29  }
0x18: {  	v22 =	vadd.s32 $0x1D, v0;
	[tilespmem:$0x1FE50] =	vst v26  }
0x19: {  	v21 =	vadd.s32 $0x1E, v0;
	[tilespmem:$0x1FE60] =	vst v22  }
0x1a: {  	v18 =	vadd.s32 $0x1F, v0;
	[tilespmem:$0x1FE70] =	vst v21  }
0x1b: {  	v42 =	vadd.s32 $0x18, v0;
	[tilespmem:$0x1FE80] =	vst v18  }
0x1c: {  	v17 =	vadd.s32 $0x19, v0;
	[tilespmem:$0x1FE90] =	vst v42  }
0x1d: {  	v14 =	vadd.s32 $0x1A, v0;
	[tilespmem:$0x1FEA0] =	vst v17  }
0x1e: {  	v11 =	vadd.s32 $0x14, v0;
	[tilespmem:$0x1FEB0] =	vst v14  }
0x1f: {  	v13 =	vadd.s32 $0x15, v0;
	[tilespmem:$0x1FEC0] =	vst v11  }
0x20: {  	v9 =	vadd.s32 $0x16, v0;
	[tilespmem:$0x1FED0] =	vst v13  }
0x21: {  	v41 =	vadd.s32 $0x17, v0;
	[tilespmem:$0x1FEE0] =	vst v9  }
0x22: {  	v10 =	vadd.s32 $0x1B, v0;
	[tilespmem:$0x1FEF0] =	vst v41  }
0x23: {  	v20 =	vadd.s32 $0x13, v0;
	[tilespmem:$0x1FF00] =	vst v10  }
0x24: {  	v4 =	vadd.s32 $0xF, v0;
	[tilespmem:$0x1FF10] =	vst v20  }
0x25: {  	v5 =	vadd.s32 $0x12, v0;
	[tilespmem:$0x1FF20] =	vst v4  }
0x26: {  	v27 =	vadd.s32 $0x10, v0;
	[tilespmem:$0x1FF30] =	vst v5  }
0x27: {  	v40 =	vadd.s32 $0x11, v0;
	[tilespmem:$0x1FF40] =	vst v27  }
0x28: {  	v8 =	vadd.s32 $0x23, v0;
	[tilespmem:$0x1FF50] =	vst v40  }
0x29: {  	v3 =	vadd.s32 $0xE, v0;
	[tilespmem:$0x1FF60] =	vst v8  }
0x2a: {  	v12 =	vadd.s32 $0xB, v0;
	[tilespmem:$0x1FF70] =	vst v3  }
0x2b: {  	v6 =	vadd.s32 $0x27, v0;
	[tilespmem:$0x1FF80] =	vst v12  }
0x2c: {  	v28 =	vadd.s32 $0xC, v0;
	[tilespmem:$0x1FF90] =	vst v6  }
0x2d: {  	v39 =	vadd.s32 $0xD, v0;
	[tilespmem:$0x1FFA0] =	vst v28  }
0x2e: {  	v7 =	vadd.s32 $0x28, v0;
	[tilespmem:$0x1FFB0] =	vst v39  }
0x2f: {  	v15 =	vadd.s32 $0x7, v0;
	[tilespmem:$0x1FFC0] =	vst v7  }
0x30: {  	v23 =	vadd.s32 $0x9, v0;
	[tilespmem:$0x1FFD0] =	vst v15  }
0x31: {  	v16 =	vadd.s32 $0x5, v0;
	[tilespmem:$0x1FFE0] =	vst v23  }
0x32: {  	v2 =	vadd.s32 $0x2F, v0;
	[tilespmem:$0x1FFF0] =	vst v16  }
0x33: {  	[tilespmem:$0x1FC90] =	vst v2;
	v2 =	vadd.s32 $0x30, v0  }
0x34: {  	[tilespmem:$0x1FCA0] =	vst v2;
	v2 =	vadd.s32 $0x31, v0  }
0x35: {  	[tilespmem:$0x1FCB0] =	vst v2;
	v2 =	vadd.s32 $0x32, v0  }
0x36: {  	[tilespmem:$0x1FCC0] =	vst v2;
	v2 =	vadd.s32 $0x33, v0  }
0x37: {  	[tilespmem:$0x1FCD0] =	vst v2;
	v2 =	vadd.s32 $0x34, v0  }
0x38: {  	[tilespmem:$0x1FCE0] =	vst v2;
	v2 =	vadd.s32 $0x35, v0  }
0x39: {  	[tilespmem:$0x1FCF0] =	vst v2;
	v2 =	vadd.s32 $0x36, v0  }
0x3a: {  	[tilespmem:$0x1FD00] =	vst v2;
	v2 =	vadd.s32 $0x37, v0  }
0x3b: {  	[tilespmem:$0x1FD10] =	vst v2;
	v2 =	vadd.s32 $0x38, v0  }
0x3c: {  	[tilespmem:$0x1FD20] =	vst v2;
	v2 =	vadd.s32 $0x39, v0  }
0x3d: {  	s0 =	stileid.u32;
	s11 =	simm.s32 $0xD480;
	s12 =	simm.s32 $0xFC80;
	[tilespmem:$0x1FD30] =	vst v2;
	v2 =	vadd.s32 $0x3A, v0  }
0x3e: {  	s13 =	simm.s32 $0xFD00;
	s14 =	simm.s32 $0x0;
	s30 =	sshll.u32 s0, $0x1;
	[tilespmem:$0x1FD40] =	vst v2;
	v2 =	vadd.s32 $0x3B, v0  }
0x3f: {  	s6 =	sor.u32 s3, s30;
	s9 =	ssub.s32 $0x2, s3;
	s3 =	sadd.s32 $0x32800, s5;
	[tilespmem:$0x1FD50] =	vst v2;
	v2 =	vadd.s32 $0x3C, v0  }
0x40: {  	s4 =	smul.u32 $0x1900, s6;
	s10 =	sshrl.u32 s9, $0x1;
	s31 =	sshll.u32 s6, $0x6;
	[tilespmem:$0x1FD60] =	vst v2;
	v2 =	vadd.s32 $0x3D, v0  }
0x41: {  	s9 =	ssub.s32 s9, s10;
	s7 =	sadd.s32 s7, s31;
	s10 =	simm.s32 $0xC800;
	[tilespmem:$0x1FD70] =	vst v2;
	v2 =	vadd.s32 $0x3E, v0  }
0x42: {  	s8 =	sadd.s32 s4, s5;
	s4 =	sadd.s32 $0x32A00, s5;
	s5 =	sadd.s32 $0x33000, s5;
	[tilespmem:$0x1FD80] =	vst v2;
	v2 =	vadd.s32 $0x3F, v0  }
0x43: {  	s6 =	sadd.s32 $0x800, s8;
	s8 =	smax.u32 s9, $0x1;
	s9 =	simm.s32 $0x1;
	[tilespmem:$0x1FD90] =	vst v2  }
.LBB2_1:
0x44: {  	[tilespmem:s2], [sflag:$0x1] =	stream.linear.gather [hbm4b:s6+s2], $0xC800, $0x38;
	[tilespmem:$0xFF00] =	vst v63  }
0x45: {  	_ =	swait.ge [sflag:s9], $0xC800  }
0x46: {  	[sflag:s9] =	ssyncset.done $0x0  }
0x47: {  	[sflag:s9] =	ssyncadd.s32 $0xFFFF3800  }
0x48: {  	[tilespmem:s10], [sflag:$0x1] =	stream.linear.gather [hbm4b:s3+s2], $0xC80, $0x38;
	[tilespmem:$0xFF00] =	vst v63  }
0x49: {  	v2 =	vadd.s32 $0x60, v0;
	_ =	swait.ge [sflag:s9], $0xC80  }
0x4a: {  	v44 =	vadd.s32 $0x61, v0;
	[tilespmem:$0x1F780] =	vst v2  }
0x4b: {  	v36 =	vadd.s32 $0x5C, v0;
	[sflag:s9] =	ssyncset.done $0x0;
	[tilespmem:$0x1F790] =	vst v44  }
0x4c: {  	[tilespmem:$0x1F7C0] =	vst v36;
	[sflag:s9] =	ssyncadd.s32 $0xFFFFF380  }
0x4d: {  	[tilespmem:s11], [sflag:$0x1] =	stream.linear.gather [hbm4b:s4+s2], $0x2800, $0x38;
	[tilespmem:$0xFF00] =	vst v63  }
0x4e: {  	v47 =	vadd.s32 $0x62, v0;
	_ =	swait.ge [sflag:s9], $0x2800  }
0x4f: {  	v46 =	vadd.s32 $0x63, v0;
	v45 =	vmov v13;
	v13 =	vmov v0;
	[tilespmem:$0x1F7A0] =	vst v47  }
0x50: {  	v37 =	vadd.s32 $0x5D, v13;
	[tilespmem:$0x1F7B0] =	vst v46  }
0x51: {  	v49 =	vadd.s32 $0x5E, v13;
	[tilespmem:$0x1F7D0] =	vst v37  }
0x52: {  	v43 =	vadd.s32 $0x5F, v13;
	[tilespmem:$0x1F7E0] =	vst v49  }
0x53: {  	v60 =	vadd.s32 $0x58, v13;
	[tilespmem:$0x1F7F0] =	vst v43  }
0x54: {  	v0 =	vadd.s32 s2, v2;
	v2 =	vadd.s32 $0x5B, v13;
	[tilespmem:$0x1F800] =	vst v60  }
0x55: {  	v61 =	vadd.s32 $0x54, v13;
	[sflag:s9] =	ssyncset.done $0x0;
	[tilespmem:$0x1F670] =	vst v2  }
0x56: {  	[tilespmem:$0x1F6A0] =	vst v61;
	[sflag:s9] =	ssyncadd.s32 $0xFFFFD800  }
0x57: {  	[tilespmem:s12], [sflag:$0x1] =	stream.linear.gather [hbm4b:s5+s2], $0x80, $0x38;
	[tilespmem:$0xFF00] =	vst v63  }
0x58: {  	v62 =	vadd.s32 $0x55, v13;
	_ =	swait.ge [sflag:s9], $0x80  }
0x59: {  	v63 =	vadd.s32 $0x56, v13;
	[tilespmem:$0x1F6B0] =	vst v62  }
0x5a: {  	v48 =	vadd.s32 $0x57, v13;
	[tilespmem:$0x1F6C0] =	vst v63  }
0x5b: {  	v50 =	vadd.s32 $0x50, v13;
	[tilespmem:$0x1F6E0] =	vst v48  }
0x5c: {  	v51 =	vadd.s32 $0x51, v13;
	[tilespmem:$0x1F6D0] =	vst v50  }
0x5d: {  	v1 =	vadd.s32 s2, v1;
	v19 =	vadd.s32 s2, v19;
	v52 =	vadd.s32 $0x4C, v13;
	[tilespmem:$0x1F6F0] =	vst v51  }
0x5e: {  	v57 =	vmovc v22;
	v22 =	vmovc v4;
	v12 =	vadd.s32 s2, v12;
	v4 =	vadd.s32 s2, v13;
	v55 =	vadd.s32 $0x52, v13;
	[sflag:s9] =	ssyncset.done $0x0;
	[tilespmem:$0x1F710] =	vst v52  }
0x5f: {  	v58 =	vmovc v26;
	v53 =	vmovc v6;
	v35 =	vadd.s32 $0x59, v13;
	v38 =	vadd.s32 $0x5A, v13;
	v56 =	vadd.s32 $0x53, v13;
	v6 =	vld [tilespmem:$0x1FC00];
	[tilespmem:$0x1F700] =	vst v55;
	[sflag:s9] =	ssyncadd.s32 $0xFFFFFF80  }
0x60: {  	v26 =	vmovc v3;
	v54 =	vmovc v7;
	v3 =	vadd.s32 s2, v47;
	v7 =	vadd.s32 s2, v36;
	v59 =	vadd.s32 $0x4D, v13;
	[tilespmem:$0x1F720] =	vst v56;
	v0 =	vld.idx.msk [tilespmem:v0+s2+$0x0], $0xffff  }
0x61: {  	v36 =	vadd.s32 $0x45, v13;
	v2 =	vadd.s32 s2, v44;
	v61 =	vadd.s32 $0x4E, v13;
	[tilespmem:$0x1F730] =	vst v59  }
0x62: {  	v44 =	vmovc v5;
	v5 =	vadd.s32 s2, v46;
	v46 =	vmovc v9;
	[tilespmem:$0x1F740] =	vst v61;
	v51 =	vmov v8;
	v8 =	vld.idx.msk [tilespmem:v1+s2+$0x0], $0xffff;
	v1 =	vadd.s32 $0x4A, v13  }
0x63: {  	v9 =	vadd.s32 s2, v37;
	v37 =	vadd.s32 $0x44, v13;
	v48 =	vmovc v10;
	v10 =	vld.idx.msk [tilespmem:v4+s2+$0x0], $0xffff;
	v4 =	vmovc v13;
	[tilespmem:$0x1F750] =	vst v1;
	v1 =	vadd.s32 s2, v49  }
0x64: {  	v62 =	vadd.s32 $0x4F, v13;
	v63 =	vadd.s32 $0x48, v13;
	v56 =	vmovc v21;
	v21 =	vmovc v4;
	[tilespmem:$0x1F680] =	vst v1;
	v1 =	vadd.s32 $0x40, v4;
	v4 =	vld [tilespmem:$0x1FC10]  }
0x65: {  	v59 =	vadd.s32 $0x49, v13;
	[tilespmem:$0x1F760] =	vst v62;
	v6 =	vadd.s32 s2, v6;
	v0 =	vmul.f32 $3.200000000e+01, v0  }
0x66: {  	v61 =	vadd.s32 $0x4B, v13;
	v55 =	vadd.s32 $0x47, v13;
	[tilespmem:$0x1F690] =	vst v63;
	v63 =	vadd.s32 $0x46, v13;
	v13 =	vld.idx.msk [tilespmem:v2+s2+$0x0], $0xffff  }
0x67: {  	v47 =	vmov v11;
	[tilespmem:$0x1F910] =	vst v59;
	v11 =	vld.idx.msk [tilespmem:v19+s2+$0x0], $0xffff;
	v0 =	vtrunc.f32 v0  }
0x68: {  	v16 =	vadd.s32 s2, v16;
	[tilespmem:$0x1F920] =	vst v61;
	v5 =	vld.idx.msk [tilespmem:v5+s2+$0x0], $0xffff;
	v0 =	vcvt.f32.s32 v0  }
0x69: {  	v2 =	vadd.s32 s2, v43;
	[tilespmem:$0x1F9D0] =	vst v1;
	v43 =	vadd.s32 s2, v4;
	v4 =	vld.idx.msk [tilespmem:v3+s2+$0x0], $0xffff  }
0x6a: {  	v23 =	vadd.s32 s2, v23;
	v3 =	vmul.f32 $3.200000000e+01, v8;
	v6 =	vld.idx.msk [tilespmem:v6+s2+$0x0], $0xffff;
	[tilespmem:$0x1F770] =	vst v0  }
0x6b: {  	v50 =	vmov v17;
	v17 =	vadd.s32 s2, v20;
	v12 =	vld.idx.msk [tilespmem:v12+s2+$0x0], $0xffff  }
0x6c: {  	v28 =	vadd.s32 s2, v28;
	v62 =	vtrunc.f32 v3;
	v3 =	vld [tilespmem:$0x1FC20]  }
0x6d: {  	v26 =	vadd.s32 s2, v26;
	v16 =	vld.idx.msk [tilespmem:v16+s2+$0x0], $0xffff  }
0x6e: {  	v7 =	vld.idx.msk [tilespmem:v7+s2+$0x0], $0xffff  }
0x6f: {  	v10 =	vmul.f32 $3.200000000e+01, v10;
	v5 =	vmul.f32 $3.200000000e+01, v5;
	v23 =	vld.idx.msk [tilespmem:v23+s2+$0x0], $0xffff  }
0x70: {  	v11 =	vmul.f32 $3.200000000e+01, v11;
	v8 =	vadd.s32 s2, v25;
	v17 =	vld.idx.msk [tilespmem:v17+s2+$0x0], $0xffff  }
0x71: {  	v10 =	vtrunc.f32 v10;
	v25 =	vadd.s32 s2, v27;
	v5 =	vtrunc.f32 v5;
	v28 =	vld.idx.msk [tilespmem:v28+s2+$0x0], $0xffff  }
0x72: {  	v15 =	vadd.s32 s2, v15;
	v10 =	vcvt.f32.s32 v10;
	v5 =	vcvt.f32.s32 v5;
	v26 =	vld.idx.msk [tilespmem:v26+s2+$0x0], $0xffff  }
0x73: {  	v49 =	vmov v14;
	v11 =	vtrunc.f32 v11;
	v14 =	vld.idx.msk [tilespmem:v43+s2+$0x0], $0xffff;
	v6 =	vmul.f32 $3.200000000e+01, v6  }
0x74: {  	v40 =	vadd.s32 s2, v40;
	v11 =	vcvt.f32.s32 v11;
	v5 =	vadd.s32 $0xC60, v5;
	v2 =	vld.idx.msk [tilespmem:v2+s2+$0x0], $0xffff  }
0x75: {  	v0 =	vadd.s32 $0x41, v21;
	v27 =	vshll.u32 v10, $0x5;
	v8 =	vld.idx.msk [tilespmem:v8+s2+$0x0], $0xffff;
	v6 =	vtrunc.f32 v6  }
0x76: {  	v52 =	vmovc v18;
	v27 =	vadd.s32 v11, v27;
	v25 =	vld.idx.msk [tilespmem:v25+s2+$0x0], $0xffff;
	v18 =	vadd.s32 s2, v3;
	v19 =	vcvt.f32.s32 v6  }
0x77: {  	v6 =	vmul.f32 $3.200000000e+01, v13;
	v13 =	vld.idx.msk [tilespmem:v15+s2+$0x0], $0xffff;
	v15 =	vcvt.f32.s32 v62;
	v62 =	vadd.s32 s2, v24  }
0x78: {  	v11 =	vadd.s32 $0x20, v11;
	v43 =	vmovc v21;
	v21 =	vadd.s32 s2, v22;
	v10 =	vld.idx.msk [tilespmem:v10+s10+$0x0], $0xffff;
	v14 =	vmul.f32 $3.200000000e+01, v14  }
0x79: {  	v5 =	vld.idx.msk [tilespmem:v5+s10+$0x0], $0xffff;
	v3 =	vadd.s32 s2, v60;
	v12 =	vmul.f32 $3.200000000e+01, v12;
	v60 =	vshll.u32 v19, $0x5  }
0x7a: {  	v24 =	vld [tilespmem:$0xFC80];
	v23 =	vmul.f32 $3.200000000e+01, v23;
	v20 =	vadd.s32 v15, v60;
	v14 =	vtrunc.f32 v14  }
0x7b: {  	v16 =	vmul.f32 $3.200000000e+01, v16;
	v20 =	vadd.s32 $0x400, v20;
	v14 =	vcvt.f32.s32 v14;
	v18 =	vld.idx.msk [tilespmem:v18+s2+$0x0], $0xffff  }
0x7c: {  	v19 =	vadd.s32 $0x40, v19;
	v23 =	vtrunc.f32 v23;
	v6 =	vtrunc.f32 v6;
	v22 =	vld.idx.msk [tilespmem:v62+s2+$0x0], $0xffff  }
0x7d: {  	v11 =	vld.idx.msk [tilespmem:v11+s10+$0x0], $0xffff;
	v6 =	vcvt.f32.s32 v6;
	v13 =	vmul.f32 $3.200000000e+01, v13;
	v62 =	vmovc v30;
	v30 =	vadd.s32 $0x80, v14  }
0x7e: {  	v15 =	vadd.s32 $0x60, v15;
	v60 =	vmovc v29;
	v29 =	vmul.f32 $3.200000000e+01, v8;
	v8 =	vld.idx.msk [tilespmem:v9+s2+$0x0], $0xffff;
	v9 =	vtrunc.f32 v16  }
0x7f: {  	v10 =	vadd.f32 v10, v24;
	v24 =	vld.idx.msk [tilespmem:v27+s11+$0x0], $0xffff;
	v6 =	vadd.s32 $0xC20, v6;
	v9 =	vcvt.f32.s32 v9  }
0x80: {  	v14 =	vshll.u32 v14, $0x5;
	v13 =	vtrunc.f32 v13;
	v20 =	vld.idx.msk [tilespmem:v20+s11+$0x0], $0xffff;
	v18 =	vmul.f32 $3.200000000e+01, v18  }
0x81: {  	v19 =	vld.idx.msk [tilespmem:v19+s10+$0x0], $0xffff;
	v29 =	vtrunc.f32 v29;
	v14 =	vadd.s32 v9, v14;
	v22 =	vmul.f32 $3.200000000e+01, v22  }
0x82: {  	v29 =	vcvt.f32.s32 v29;
	v9 =	vadd.s32 $0xA0, v9;
	v27 =	vld.idx.msk [tilespmem:v30+s10+$0x0], $0xffff;
	v16 =	vtrunc.f32 v18  }
0x83: {  	v21 =	vld.idx.msk [tilespmem:v21+s2+$0x0], $0xffff;
	v14 =	vadd.s32 $0x800, v14;
	v22 =	vtrunc.f32 v22;
	v16 =	vcvt.f32.s32 v16  }
0x84: {  	v3 =	vld.idx.msk [tilespmem:v3+s2+$0x0], $0xffff;
	v24 =	vadd.f32 $0.0e+00, v24;
	v18 =	vadd.s32 s2, v39;
	v22 =	vcvt.f32.s32 v22  }
0x85: {  	v15 =	vld.idx.msk [tilespmem:v15+s10+$0x0], $0xffff;
	v10 =	vadd.f32 v20, v10;
	v39 =	vshll.u32 v16, $0x5;
	v16 =	vadd.s32 $0xC0, v16  }
0x86: {  	v13 =	vcvt.f32.s32 v13;
	v6 =	vld.idx.msk [tilespmem:v6+s10+$0x0], $0xffff;
	v19 =	vadd.f32 v19, v24;
	v24 =	vadd.s32 $0x100, v22  }
0x87: {  	v23 =	vcvt.f32.s32 v23;
	v9 =	vld.idx.msk [tilespmem:v9+s10+$0x0], $0xffff;
	v10 =	vadd.f32 v27, v10;
	v27 =	vadd.s32 $0x140, v29  }
0x88: {  	v14 =	vld.idx.msk [tilespmem:v14+s11+$0x0], $0xffff;
	v22 =	vshll.u32 v22, $0x5;
	v20 =	vadd.s32 v13, v39;
	v13 =	vadd.s32 $0xE0, v13  }
0x89: {  	v12 =	vtrunc.f32 v12;
	v22 =	vadd.s32 v23, v22;
	v23 =	vadd.s32 $0x120, v23;
	v18 =	vld.idx.msk [tilespmem:v18+s2+$0x0], $0xffff  }
0x8a: {  	v28 =	vmul.f32 $3.200000000e+01, v28;
	v12 =	vcvt.f32.s32 v12;
	v20 =	vadd.s32 $0xC00, v20;
	v16 =	vld.idx.msk [tilespmem:v16+s10+$0x0], $0xffff  }
0x8b: {  	v26 =	vmul.f32 $3.200000000e+01, v26;
	v29 =	vshll.u32 v29, $0x5;
	v22 =	vadd.s32 $0x1000, v22;
	v24 =	vld.idx.msk [tilespmem:v24+s10+$0x0], $0xffff  }
0x8c: {  	v28 =	vtrunc.f32 v28;
	v29 =	vadd.s32 v12, v29;
	v12 =	vadd.s32 $0x160, v12;
	v27 =	vld.idx.msk [tilespmem:v27+s10+$0x0], $0xffff  }
0x8d: {  	v50 =	vadd.s32 s2, v50;
	v25 =	vmul.f32 $3.200000000e+01, v25;
	v28 =	vcvt.f32.s32 v28;
	v13 =	vld.idx.msk [tilespmem:v13+s10+$0x0], $0xffff  }
0x8e: {  	v26 =	vtrunc.f32 v26;
	v29 =	vadd.s32 $0x1400, v29;
	v23 =	vld.idx.msk [tilespmem:v23+s10+$0x0], $0xffff;
	v18 =	vmul.f32 $3.200000000e+01, v18  }
0x8f: {  	v26 =	vcvt.f32.s32 v26;
	v25 =	vtrunc.f32 v25;
	v39 =	vadd.s32 $0x180, v28;
	v20 =	vld.idx.msk [tilespmem:v20+s11+$0x0], $0xffff  }
0x90: {  	v25 =	vcvt.f32.s32 v25;
	v14 =	vadd.f32 v14, v19;
	v22 =	vld.idx.msk [tilespmem:v22+s11+$0x0], $0xffff;
	v18 =	vtrunc.f32 v18  }
0x91: {  	v11 =	vadd.f32 $0.0e+00, v11;
	v21 =	vmul.f32 $3.200000000e+01, v21;
	v12 =	vld.idx.msk [tilespmem:v12+s10+$0x0], $0xffff;
	v18 =	vcvt.f32.s32 v18  }
0x92: {  	v19 =	vshll.u32 v28, $0x5;
	v14 =	vadd.f32 v16, v14;
	v16 =	vld.idx.msk [tilespmem:v40+s2+$0x0], $0xffff;
	v40 =	vadd.s32 s2, v46  }
0x93: {  	v15 =	vadd.f32 $0.0e+00, v15;
	v28 =	vld.idx.msk [tilespmem:v29+s11+$0x0], $0xffff;
	v19 =	vadd.s32 v18, v19;
	v18 =	vadd.s32 $0x1A0, v18  }
0x94: {  	v9 =	vadd.f32 v9, v11;
	v10 =	vadd.f32 v20, v10;
	v20 =	vld.idx.msk [tilespmem:v39+s10+$0x0], $0xffff;
	v39 =	vadd.s32 s2, v41  }
0x95: {  	v46 =	vadd.s32 s2, v49;
	v49 =	vadd.s32 s2, v34;
	v34 =	vld [tilespmem:$0x1FC80];
	v41 =	vadd.s32 $0x200, v25  }
0x96: {  	v13 =	vadd.f32 v13, v15;
	v15 =	vld.idx.msk [tilespmem:v50+s2+$0x0], $0xffff;
	v14 =	vadd.f32 v22, v14;
	v19 =	vadd.s32 $0x1800, v19  }
0x97: {  	v9 =	vadd.f32 v23, v9;
	v10 =	vadd.f32 v24, v10;
	v24 =	vadd.s32 s2, v44;
	v23 =	vld.idx.msk [tilespmem:v40+s2+$0x0], $0xffff  }
0x98: {  	v21 =	vtrunc.f32 v21;
	v14 =	vadd.f32 v27, v14;
	v27 =	vadd.s32 $0x1C0, v26;
	v18 =	vld.idx.msk [tilespmem:v18+s10+$0x0], $0xffff  }
0x99: {  	v21 =	vcvt.f32.s32 v21;
	v44 =	vadd.s32 s2, v62;
	v22 =	vld.idx.msk [tilespmem:v39+s2+$0x0], $0xffff  }
0x9a: {  	v12 =	vadd.f32 v12, v13;
	v26 =	vshll.u32 v26, $0x5;
	v13 =	vld.idx.msk [tilespmem:v41+s10+$0x0], $0xffff  }
0x9b: {  	v26 =	vadd.s32 v21, v26;
	v21 =	vadd.s32 $0x1E0, v21;
	v19 =	vld.idx.msk [tilespmem:v19+s11+$0x0], $0xffff  }
0x9c: {  	v10 =	vadd.f32 v28, v10;
	v28 =	vadd.s32 s2, v45;
	v24 =	vld.idx.msk [tilespmem:v24+s2+$0x0], $0xffff  }
0x9d: {  	v16 =	vmul.f32 $3.200000000e+01, v16;
	v26 =	vadd.s32 $0x1C00, v26;
	v27 =	vld.idx.msk [tilespmem:v27+s10+$0x0], $0xffff  }
0x9e: {  	v45 =	vadd.s32 s2, v58;
	v62 =	vld.idx.msk [tilespmem:v44+s2+$0x0], $0xffff  }
0x9f: {  	v58 =	vadd.s32 s2, v47;
	v16 =	vtrunc.f32 v16;
	v44 =	vld [tilespmem:$0x1FC60]  }
0xa0: {  	v15 =	vmul.f32 $3.200000000e+01, v15;
	v16 =	vcvt.f32.s32 v16;
	v21 =	vld.idx.msk [tilespmem:v21+s10+$0x0], $0xffff  }
0xa1: {  	v17 =	vmul.f32 $3.200000000e+01, v17;
	v25 =	vshll.u32 v25, $0x5;
	v28 =	vld.idx.msk [tilespmem:v28+s2+$0x0], $0xffff  }
0xa2: {  	v15 =	vtrunc.f32 v15;
	v25 =	vadd.s32 v16, v25;
	v16 =	vadd.s32 $0x220, v16;
	v26 =	vld.idx.msk [tilespmem:v26+s11+$0x0], $0xffff  }
0xa3: {  	v17 =	vtrunc.f32 v17;
	v15 =	vcvt.f32.s32 v15;
	v11 =	vld.idx.msk [tilespmem:v45+s2+$0x0], $0xffff  }
0xa4: {  	v10 =	vadd.f32 v20, v10;
	v23 =	vmul.f32 $3.200000000e+01, v23;
	v25 =	vadd.s32 $0x2000, v25;
	v20 =	vld.idx.msk [tilespmem:v58+s2+$0x0], $0xffff  }
0xa5: {  	v17 =	vcvt.f32.s32 v17;
	v45 =	vadd.s32 s2, v42;
	v15 =	vadd.s32 $0x320, v15;
	v42 =	vld [tilespmem:$0x1FCB0]  }
0xa6: {  	v23 =	vtrunc.f32 v23;
	v14 =	vadd.f32 v19, v14;
	v19 =	vmul.f32 $3.200000000e+01, v62;
	v62 =	vld [tilespmem:$0x1FD30]  }
0xa7: {  	v9 =	vadd.f32 v18, v9;
	v22 =	vmul.f32 $3.200000000e+01, v22;
	v23 =	vcvt.f32.s32 v23;
	v16 =	vld.idx.msk [tilespmem:v16+s10+$0x0], $0xffff  }
0xa8: {  	v18 =	vadd.s32 s2, v44;
	v14 =	vadd.f32 v27, v14;
	v27 =	vadd.s32 s2, v48;
	v48 =	vld [tilespmem:$0x1FC70]  }
0xa9: {  	v47 =	vadd.s32 s2, v52;
	v24 =	vmul.f32 $3.200000000e+01, v24;
	v22 =	vtrunc.f32 v22;
	v25 =	vld.idx.msk [tilespmem:v25+s11+$0x0], $0xffff  }
0xaa: {  	v12 =	vadd.f32 v21, v12;
	v22 =	vcvt.f32.s32 v22;
	v10 =	vadd.f32 v26, v10;
	v21 =	vld.idx.msk [tilespmem:v45+s2+$0x0], $0xffff  }
0xab: {  	v23 =	vadd.s32 $0x2C0, v23;
	v24 =	vtrunc.f32 v24;
	v28 =	vmul.f32 $3.200000000e+01, v28;
	v15 =	vld.idx.msk [tilespmem:v15+s10+$0x0], $0xffff  }
0xac: {  	v19 =	vtrunc.f32 v19;
	v24 =	vcvt.f32.s32 v24;
	v10 =	vadd.f32 v13, v10;
	v13 =	vld.idx.msk [tilespmem:v46+s2+$0x0], $0xffff  }
0xad: {  	v20 =	vmul.f32 $3.200000000e+01, v20;
	v22 =	vadd.s32 $0x2E0, v22;
	v19 =	vcvt.f32.s32 v19;
	v18 =	vld.idx.msk [tilespmem:v18+s2+$0x0], $0xffff  }
0xae: {  	v11 =	vmul.f32 $3.200000000e+01, v11;
	v26 =	vshll.u32 v24, $0x5;
	v24 =	vadd.s32 $0x240, v24;
	v27 =	vld.idx.msk [tilespmem:v27+s2+$0x0], $0xffff  }
0xaf: {  	v28 =	vtrunc.f32 v28;
	v19 =	vadd.s32 $0x420, v19;
	v9 =	vadd.f32 v16, v9;
	v16 =	vld.idx.msk [tilespmem:v47+s2+$0x0], $0xffff  }
0xb0: {  	v28 =	vcvt.f32.s32 v28;
	v26 =	vadd.s32 v17, v26;
	v17 =	vadd.s32 $0x260, v17;
	v23 =	vld.idx.msk [tilespmem:v23+s10+$0x0], $0xffff  }
0xb1: {  	v20 =	vtrunc.f32 v20;
	v11 =	vtrunc.f32 v11;
	v47 =	vld [tilespmem:$0x1FD70];
	v26 =	vadd.s32 $0x2400, v26  }
0xb2: {  	v20 =	vcvt.f32.s32 v20;
	v11 =	vcvt.f32.s32 v11;
	v28 =	vadd.s32 $0x2A0, v28;
	v22 =	vld.idx.msk [tilespmem:v22+s10+$0x0], $0xffff  }
0xb3: {  	v14 =	vadd.f32 v25, v14;
	v25 =	vadd.s32 s2, v57;
	v21 =	vmul.f32 $3.200000000e+01, v21;
	v24 =	vld.idx.msk [tilespmem:v24+s10+$0x0], $0xffff  }
0xb4: {  	v20 =	vadd.s32 $0x280, v20;
	v19 =	vld.idx.msk [tilespmem:v19+s10+$0x0], $0xffff  }
0xb5: {  	v11 =	vadd.s32 $0x380, v11;
	v21 =	vtrunc.f32 v21;
	v17 =	vld.idx.msk [tilespmem:v17+s10+$0x0], $0xffff  }
0xb6: {  	v21 =	vcvt.f32.s32 v21;
	v26 =	vld.idx.msk [tilespmem:v26+s11+$0x0], $0xffff  }
0xb7: {  	v13 =	vmul.f32 $3.200000000e+01, v13;
	v28 =	vld.idx.msk [tilespmem:v28+s10+$0x0], $0xffff  }
0xb8: {  	v25 =	vld.idx.msk [tilespmem:v25+s2+$0x0], $0xffff;
	v21 =	vadd.s32 $0x300, v21  }
0xb9: {  	v18 =	vmul.f32 $3.200000000e+01, v18;
	v13 =	vtrunc.f32 v13;
	v20 =	vld.idx.msk [tilespmem:v20+s10+$0x0], $0xffff  }
0xba: {  	v50 =	vadd.s32 s2, v60;
	v27 =	vmul.f32 $3.200000000e+01, v27;
	v13 =	vcvt.f32.s32 v13;
	v11 =	vld.idx.msk [tilespmem:v11+s10+$0x0], $0xffff  }
0xbb: {  	v16 =	vmul.f32 $3.200000000e+01, v16;
	v14 =	vadd.f32 v24, v14;
	v24 =	vadd.s32 s2, v56;
	v56 =	vld [tilespmem:$0x1FC30]  }
0xbc: {  	v13 =	vadd.s32 $0x340, v13;
	v12 =	vadd.f32 v17, v12;
	v17 =	vadd.s32 s2, v48;
	v48 =	vld [tilespmem:$0x1FD40]  }
0xbd: {  	v52 =	vadd.s32 s2, v53;
	v18 =	vtrunc.f32 v18;
	v27 =	vtrunc.f32 v27;
	v21 =	vld.idx.msk [tilespmem:v21+s10+$0x0], $0xffff  }
0xbe: {  	v18 =	vcvt.f32.s32 v18;
	v10 =	vadd.f32 v26, v10;
	v26 =	vadd.s32 s2, v31;
	v31 =	vld [tilespmem:$0x1F700]  }
0xbf: {  	v16 =	vtrunc.f32 v16;
	v27 =	vcvt.f32.s32 v27;
	v12 =	vadd.f32 v22, v12;
	v22 =	vld.idx.msk [tilespmem:v49+s2+$0x0], $0xffff  }
0xc0: {  	v18 =	vadd.s32 $0x580, v18;
	v9 =	vadd.f32 v28, v9;
	v10 =	vadd.f32 v20, v10;
	v20 =	vld.idx.msk [tilespmem:v50+s2+$0x0], $0xffff  }
0xc1: {  	v16 =	vcvt.f32.s32 v16;
	v27 =	vadd.s32 $0x360, v27;
	v13 =	vld.idx.msk [tilespmem:v13+s10+$0x0], $0xffff  }
0xc2: {  	v9 =	vadd.f32 v15, v9;
	v15 =	vld.idx.msk [tilespmem:v52+s2+$0x0], $0xffff  }
0xc3: {  	v16 =	vadd.s32 $0x3E0, v16;
	v52 =	vld [tilespmem:$0x1FD20]  }
0xc4: {  	v28 =	vadd.s32 s2, v51;
	v24 =	vld.idx.msk [tilespmem:v24+s2+$0x0], $0xffff  }
0xc5: {  	v51 =	vadd.s32 s2, v32;
	v18 =	vld.idx.msk [tilespmem:v18+s10+$0x0], $0xffff  }
0xc6: {  	v25 =	vmul.f32 $3.200000000e+01, v25;
	v27 =	vld.idx.msk [tilespmem:v27+s10+$0x0], $0xffff  }
0xc7: {  	v53 =	vadd.s32 s2, v33;
	v17 =	vld.idx.msk [tilespmem:v17+s2+$0x0], $0xffff  }
0xc8: {  	v25 =	vtrunc.f32 v25;
	v16 =	vld.idx.msk [tilespmem:v16+s10+$0x0], $0xffff  }
0xc9: {  	v25 =	vcvt.f32.s32 v25;
	v28 =	vld.idx.msk [tilespmem:v28+s2+$0x0], $0xffff  }
0xca: {  	v14 =	vadd.f32 v23, v14;
	v23 =	vld.idx.msk [tilespmem:v51+s2+$0x0], $0xffff  }
0xcb: {  	v57 =	vadd.s32 s2, v54;
	v25 =	vadd.s32 $0x3A0, v25;
	v26 =	vld.idx.msk [tilespmem:v26+s2+$0x0], $0xffff;
	v22 =	vmul.f32 $3.200000000e+01, v22  }
0xcc: {  	v10 =	vadd.f32 v21, v10;
	v21 =	vld.idx.msk [tilespmem:v53+s2+$0x0], $0xffff;
	v20 =	vmul.f32 $3.200000000e+01, v20;
	v15 =	vmul.f32 $3.200000000e+01, v15  }
0xcd: {  	v51 =	vld [tilespmem:$0x1FCE0];
	v13 =	vadd.f32 v13, v14;
	v24 =	vmul.f32 $3.200000000e+01, v24;
	v22 =	vtrunc.f32 v22  }
0xce: {  	v53 =	vld [tilespmem:$0x1FD90];
	v14 =	vadd.s32 s2, v56;
	v22 =	vcvt.f32.s32 v22;
	v20 =	vtrunc.f32 v20  }
0xcf: {  	v56 =	vld [tilespmem:$0x1FD00];
	v12 =	vadd.f32 v27, v12;
	v15 =	vtrunc.f32 v15;
	v17 =	vmul.f32 $3.200000000e+01, v17  }
0xd0: {  	v58 =	vadd.s32 s2, v59;
	v25 =	vld.idx.msk [tilespmem:v25+s10+$0x0], $0xffff;
	v20 =	vcvt.f32.s32 v20;
	v26 =	vmul.f32 $3.200000000e+01, v26  }
0xd1: {  	v15 =	vcvt.f32.s32 v15;
	v22 =	vadd.s32 $0x400, v22;
	v12 =	vadd.f32 v16, v12;
	v16 =	vld.idx.msk [tilespmem:v57+s2+$0x0], $0xffff  }
0xd2: {  	v24 =	vtrunc.f32 v24;
	v28 =	vmul.f32 $3.200000000e+01, v28;
	v57 =	vld [tilespmem:$0x1FD10];
	v20 =	vadd.s32 $0x440, v20  }
0xd3: {  	v24 =	vcvt.f32.s32 v24;
	v14 =	vld.idx.msk [tilespmem:v14+s2+$0x0], $0xffff;
	v26 =	vtrunc.f32 v26;
	v15 =	vadd.s32 $0x4E0, v15  }
0xd4: {  	v27 =	vtrunc.f32 v28;
	v28 =	vadd.s32 s2, v62;
	v59 =	vcvt.f32.s32 v26;
	v26 =	vld [tilespmem:$0x1FC90]  }
0xd5: {  	v23 =	vmul.f32 $3.200000000e+01, v23;
	v17 =	vtrunc.f32 v17;
	v9 =	vadd.f32 v25, v9;
	v25 =	vld [tilespmem:$0x1FC50]  }
0xd6: {  	v17 =	vcvt.f32.s32 v17;
	v24 =	vadd.s32 $0x3C0, v24;
	v22 =	vld.idx.msk [tilespmem:v22+s10+$0x0], $0xffff  }
0xd7: {  	v23 =	vtrunc.f32 v23;
	v27 =	vcvt.f32.s32 v27;
	v20 =	vld.idx.msk [tilespmem:v20+s10+$0x0], $0xffff  }
0xd8: {  	v23 =	vcvt.f32.s32 v23;
	v17 =	vadd.s32 $0x5A0, v17;
	v15 =	vld.idx.msk [tilespmem:v15+s10+$0x0], $0xffff  }
0xd9: {  	v30 =	vadd.s32 $0x42, v43;
	v29 =	vadd.s32 $0x43, v43;
	v27 =	vadd.s32 $0x460, v27;
	v43 =	vld.idx.msk [tilespmem:v28+s2+$0x0], $0xffff  }
0xda: {  	v21 =	vmul.f32 $3.200000000e+01, v21;
	v23 =	vadd.s32 $0x4A0, v23;
	v19 =	vadd.f32 v19, v9;
	v9 =	vld.idx.msk [tilespmem:v58+s2+$0x0], $0xffff  }
0xdb: {  	v16 =	vmul.f32 $3.200000000e+01, v16;
	v14 =	vmul.f32 $3.200000000e+01, v14;
	v24 =	vld.idx.msk [tilespmem:v24+s10+$0x0], $0xffff  }
0xdc: {  	v39 =	vadd.s32 s2, v34;
	v10 =	vadd.f32 v11, v10;
	v60 =	vtrunc.f32 v21;
	v58 =	vld [tilespmem:$0x1FCF0]  }
0xdd: {  	v16 =	vtrunc.f32 v16;
	v14 =	vtrunc.f32 v14;
	v17 =	vld.idx.msk [tilespmem:v17+s10+$0x0], $0xffff;
	v25 =	vadd.s32 s2, v25  }
0xde: {  	v27 =	vld.idx.msk [tilespmem:v27+s10+$0x0], $0xffff;
	v40 =	vcvt.f32.s32 v14;
	v21 =	vmul.f32 $3.200000000e+01, v43  }
0xdf: {  	v16 =	vcvt.f32.s32 v16;
	v32 =	vld.idx.msk [tilespmem:v23+s10+$0x0], $0xffff;
	v10 =	vadd.f32 v22, v10;
	v9 =	vmul.f32 $3.200000000e+01, v9  }
0xe0: {  	v11 =	vadd.s32 $0x520, v40;
	v13 =	vadd.f32 v24, v13;
	v24 =	vld [tilespmem:$0x1FC40];
	v21 =	vtrunc.f32 v21  }
0xe1: {  	v22 =	vld.idx.msk [tilespmem:v39+s2+$0x0], $0xffff;
	v16 =	vadd.s32 $0x500, v16;
	v9 =	vtrunc.f32 v9;
	v21 =	vcvt.f32.s32 v21  }
0xe2: {  	v25 =	vld.idx.msk [tilespmem:v25+s2+$0x0], $0xffff;
	v13 =	vadd.f32 v20, v13;
	v20 =	vadd.s32 s2, v42;
	v9 =	vcvt.f32.s32 v9  }
0xe3: {  	v12 =	vadd.f32 v27, v12;
	v27 =	vadd.s32 $0x480, v59;
	v59 =	vld [tilespmem:$0x1FD50];
	v21 =	vadd.s32 $0x720, v21  }
0xe4: {  	v42 =	vadd.s32 s2, v61;
	v61 =	vld [tilespmem:$0x1FD60];
	v9 =	vadd.s32 $0x920, v9  }
0xe5: {  	v11 =	vld.idx.msk [tilespmem:v11+s10+$0x0], $0xffff;
	v24 =	vadd.s32 s2, v24  }
0xe6: {  	v16 =	vld.idx.msk [tilespmem:v16+s10+$0x0], $0xffff  }
0xe7: {  	v40 =	vadd.s32 s2, v47;
	v22 =	vmul.f32 $3.200000000e+01, v22;
	v20 =	vld.idx.msk [tilespmem:v20+s2+$0x0], $0xffff  }
0xe8: {  	v26 =	vadd.s32 s2, v26;
	v19 =	vadd.f32 v32, v19;
	v21 =	vld.idx.msk [tilespmem:v21+s10+$0x0], $0xffff  }
0xe9: {  	v22 =	vtrunc.f32 v22;
	v9 =	vld.idx.msk [tilespmem:v9+s10+$0x0], $0xffff  }
0xea: {  	v22 =	vcvt.f32.s32 v22;
	v25 =	vmul.f32 $3.200000000e+01, v25;
	v11 =	vadd.f32 v11, v19;
	v33 =	vld.idx.msk [tilespmem:v24+s2+$0x0], $0xffff  }
0xeb: {  	v24 =	vcvt.f32.s32 v60;
	v60 =	vld [tilespmem:$0x1FCA0]  }
0xec: {  	v22 =	vadd.s32 $0x5C0, v22;
	v25 =	vtrunc.f32 v25;
	v11 =	vadd.f32 v17, v11;
	v17 =	vld.idx.msk [tilespmem:v40+s2+$0x0], $0xffff  }
0xed: {  	v25 =	vcvt.f32.s32 v25;
	v41 =	vadd.s32 $0x4C0, v24;
	v24 =	vld.idx.msk [tilespmem:v26+s2+$0x0], $0xffff  }
0xee: {  	v26 =	vld.idx.msk [tilespmem:v27+s10+$0x0], $0xffff  }
0xef: {  	v40 =	vld [tilespmem:$0x1F6B0];
	v25 =	vadd.s32 $0x560, v25  }
0xf0: {  	v34 =	vadd.s32 s2, v56;
	v27 =	vld [tilespmem:$0x1FCD0];
	v20 =	vmul.f32 $3.200000000e+01, v20  }
0xf1: {  	v22 =	vld.idx.msk [tilespmem:v22+s10+$0x0], $0xffff  }
0xf2: {  	v20 =	vtrunc.f32 v20;
	v54 =	vadd.s32 s2, v60;
	v14 =	vld.idx.msk [tilespmem:v41+s10+$0x0], $0xffff  }
0xf3: {  	v23 =	vmul.f32 $3.200000000e+01, v33;
	v33 =	vadd.s32 s2, v57;
	v10 =	vadd.f32 v26, v10;
	v26 =	vld [tilespmem:$0x1FCC0]  }
0xf4: {  	v32 =	vadd.s32 s2, v58;
	v12 =	vadd.f32 v15, v12;
	v20 =	vcvt.f32.s32 v20;
	v25 =	vld.idx.msk [tilespmem:v25+s10+$0x0], $0xffff  }
0xf5: {  	v17 =	vmul.f32 $3.200000000e+01, v17;
	v27 =	vadd.s32 s2, v27;
	v10 =	vadd.f32 v16, v10;
	v16 =	vld.idx.msk [tilespmem:v34+s2+$0x0], $0xffff  }
0xf6: {  	[tilespmem:$0x1FA20] =	vst v30;
	v23 =	vtrunc.f32 v23;
	v24 =	vmul.f32 $3.200000000e+01, v24;
	v34 =	vadd.s32 s2, v30;
	v30 =	vld [tilespmem:$0x1F6E0]  }
0xf7: {  	v20 =	vadd.s32 $0x620, v20;
	v23 =	vcvt.f32.s32 v23;
	v17 =	vtrunc.f32 v17;
	v15 =	vld.idx.msk [tilespmem:v54+s2+$0x0], $0xffff  }
0xf8: {  	v41 =	vadd.s32 s2, v48;
	v17 =	vcvt.f32.s32 v17;
	v19 =	vld.idx.msk [tilespmem:v33+s2+$0x0], $0xffff  }
0xf9: {  	v24 =	vtrunc.f32 v24;
	v23 =	vadd.s32 $0x540, v23;
	v54 =	vld [tilespmem:$0x1FD80]  }
0xfa: {  	v24 =	vcvt.f32.s32 v24;
	v17 =	vadd.s32 $0x7A0, v17;
	v27 =	vld.idx.msk [tilespmem:v27+s2+$0x0], $0xffff  }
0xfb: {  	v26 =	vadd.s32 s2, v26;
	v13 =	vadd.f32 v14, v13;
	v14 =	vld.idx.msk [tilespmem:v32+s2+$0x0], $0xffff  }
0xfc: {  	v10 =	vadd.f32 v18, v10;
	v24 =	vadd.s32 $0x5E0, v24;
	v20 =	vld.idx.msk [tilespmem:v20+s10+$0x0], $0xffff  }
0xfd: {  	v12 =	vadd.f32 v25, v12;
	v25 =	vadd.s32 s2, v51;
	v18 =	vld.idx.msk [tilespmem:v41+s2+$0x0], $0xffff;
	v16 =	vmul.f32 $3.200000000e+01, v16  }
0xfe: {  	v43 =	vadd.s32 s2, v53;
	v23 =	vld.idx.msk [tilespmem:v23+s10+$0x0], $0xffff;
	v15 =	vmul.f32 $3.200000000e+01, v15;
	v19 =	vmul.f32 $3.200000000e+01, v19  }
0xff: {  	v16 =	vtrunc.f32 v16;
	v17 =	vld.idx.msk [tilespmem:v17+s10+$0x0], $0xffff;
	v27 =	vmul.f32 $3.200000000e+01, v27  }
0x100: {  	v39 =	vadd.s32 s2, v59;
	v26 =	vld.idx.msk [tilespmem:v26+s2+$0x0], $0xffff;
	v15 =	vtrunc.f32 v15;
	v14 =	vmul.f32 $3.200000000e+01, v14  }
0x101: {  	v24 =	vld.idx.msk [tilespmem:v24+s10+$0x0], $0xffff;
	v19 =	vtrunc.f32 v19;
	v16 =	vcvt.f32.s32 v16  }
0x102: {  	v25 =	vld.idx.msk [tilespmem:v25+s2+$0x0], $0xffff;
	v18 =	vmul.f32 $3.200000000e+01, v18;
	v15 =	vcvt.f32.s32 v15  }
0x103: {  	v11 =	vadd.f32 v20, v11;
	v20 =	vld.idx.msk [tilespmem:v43+s2+$0x0], $0xffff;
	v19 =	vcvt.f32.s32 v19;
	v27 =	vtrunc.f32 v27  }
0x104: {  	v43 =	vld [tilespmem:$0x1F670];
	v14 =	vtrunc.f32 v14;
	v16 =	vadd.s32 $0x6C0, v16;
	v18 =	vtrunc.f32 v18  }
0x105: {  	v27 =	vcvt.f32.s32 v27;
	v13 =	vadd.f32 v23, v13;
	v15 =	vadd.s32 $0x600, v15;
	v23 =	vld.idx.msk [tilespmem:v39+s2+$0x0], $0xffff  }
0x106: {  	v14 =	vcvt.f32.s32 v14;
	v19 =	vadd.s32 $0x6E0, v19;
	v18 =	vcvt.f32.s32 v18;
	v39 =	vld [tilespmem:$0x1F730]  }
0x107: {  	v26 =	vmul.f32 $3.200000000e+01, v26;
	v27 =	vadd.s32 $0x660, v27;
	v13 =	vadd.f32 v22, v13;
	v22 =	vld.idx.msk [tilespmem:v42+s2+$0x0], $0xffff  }
0x108: {  	v12 =	vadd.f32 v24, v12;
	v24 =	vadd.s32 s2, v52;
	v25 =	vmul.f32 $3.200000000e+01, v25;
	v42 =	vld [tilespmem:$0x1F6A0]  }
0x109: {  	v14 =	vadd.s32 $0x6A0, v14;
	v20 =	vmul.f32 $3.200000000e+01, v20;
	v26 =	vtrunc.f32 v26;
	v16 =	vld.idx.msk [tilespmem:v16+s10+$0x0], $0xffff  }
0x10a: {  	v18 =	vadd.s32 $0x740, v18;
	v25 =	vtrunc.f32 v25;
	v26 =	vcvt.f32.s32 v26;
	v15 =	vld.idx.msk [tilespmem:v15+s10+$0x0], $0xffff  }
0x10b: {  	v44 =	vadd.s32 s2, v54;
	v25 =	vcvt.f32.s32 v25;
	v19 =	vld.idx.msk [tilespmem:v19+s10+$0x0], $0xffff  }
0x10c: {  	v20 =	vtrunc.f32 v20;
	v26 =	vadd.s32 $0x640, v26;
	v27 =	vld.idx.msk [tilespmem:v27+s10+$0x0], $0xffff  }
0x10d: {  	v20 =	vcvt.f32.s32 v20;
	v24 =	vld.idx.msk [tilespmem:v24+s2+$0x0], $0xffff;
	v25 =	vadd.s32 $0x680, v25  }
0x10e: {  	v45 =	vadd.s32 s2, v37;
	v23 =	vmul.f32 $3.200000000e+01, v23;
	v14 =	vld.idx.msk [tilespmem:v14+s10+$0x0], $0xffff  }
0x10f: {  	v20 =	vadd.s32 $0x7E0, v20;
	v18 =	vld.idx.msk [tilespmem:v18+s10+$0x0], $0xffff  }
0x110: {  	v46 =	vadd.s32 s2, v36;
	v23 =	vtrunc.f32 v23;
	v10 =	vadd.f32 v15, v10;
	v15 =	vld.idx.msk [tilespmem:v44+s2+$0x0], $0xffff  }
0x111: {  	v23 =	vcvt.f32.s32 v23;
	v26 =	vld.idx.msk [tilespmem:v26+s10+$0x0], $0xffff;
	v12 =	vadd.f32 v27, v12;
	v27 =	vadd.s32 s2, v61  }
0x112: {  	v25 =	vld.idx.msk [tilespmem:v25+s10+$0x0], $0xffff  }
0x113: {  	v23 =	vadd.s32 $0x760, v23;
	v11 =	vadd.f32 v14, v11;
	v14 =	vld.idx.msk [tilespmem:v45+s2+$0x0], $0xffff  }
0x114: {  	v33 =	vadd.s32 s2, v35;
	v20 =	vld.idx.msk [tilespmem:v20+s10+$0x0], $0xffff  }
0x115: {  	v12 =	vadd.f32 v19, v12;
	v19 =	vld.idx.msk [tilespmem:v46+s2+$0x0], $0xffff  }
0x116: {  	v50 =	vmovc v36;
	v36 =	vadd.s32 s2, v38;
	v22 =	vmul.f32 $3.200000000e+01, v22;
	v24 =	vmul.f32 $3.200000000e+01, v24;
	v27 =	vld.idx.msk [tilespmem:v27+s2+$0x0], $0xffff  }
0x117: {  	v32 =	vadd.s32 s2, v29;
	v46 =	vld [tilespmem:$0x1F690]  }
0x118: {  	v22 =	vtrunc.f32 v22;
	v24 =	vtrunc.f32 v24;
	v23 =	vld.idx.msk [tilespmem:v23+s10+$0x0], $0xffff  }
0x119: {  	v45 =	vmovc v35;
	v35 =	vadd.s32 s2, v55;
	v11 =	vadd.f32 v21, v11;
	v21 =	vld.idx.msk [tilespmem:v33+s2+$0x0], $0xffff;
	v24 =	vcvt.f32.s32 v24  }
0x11a: {  	v22 =	vcvt.f32.s32 v22;
	v33 =	vld [tilespmem:$0x1F6C0];
	v13 =	vadd.f32 v26, v13;
	v26 =	vadd.s32 s2, v0  }
0x11b: {  	v11 =	vadd.f32 v17, v11;
	v17 =	vld.idx.msk [tilespmem:v36+s2+$0x0], $0xffff;
	v24 =	vadd.s32 $0x700, v24;
	v27 =	vmul.f32 $3.200000000e+01, v27  }
0x11c: {  	v15 =	vmul.f32 $3.200000000e+01, v15;
	v10 =	vadd.f32 v25, v10;
	v13 =	vadd.f32 v16, v13;
	v16 =	vld.idx.msk [tilespmem:v32+s2+$0x0], $0xffff  }
0x11d: {  	v25 =	vadd.s32 s2, v1;
	v12 =	vadd.f32 v23, v12;
	v23 =	vld.idx.msk [tilespmem:v34+s2+$0x0], $0xffff;
	v27 =	vtrunc.f32 v27  }
0x11e: {  	v22 =	vadd.s32 $0x960, v22;
	v13 =	vadd.f32 v18, v13;
	v18 =	vld.idx.msk [tilespmem:v35+s2+$0x0], $0xffff;
	v27 =	vcvt.f32.s32 v27  }
0x11f: {  	v15 =	vtrunc.f32 v15;
	v26 =	vld.idx.msk [tilespmem:v26+s2+$0x0], $0xffff  }
0x120: {  	v15 =	vcvt.f32.s32 v15;
	v24 =	vld.idx.msk [tilespmem:v24+s10+$0x0], $0xffff;
	v27 =	vadd.s32 $0x780, v27  }
0x121: {  	v36 =	vld [tilespmem:$0x1F6D0]  }
0x122: {  	v7 =	vmul.f32 $3.200000000e+01, v7;
	v2 =	vmul.f32 $3.200000000e+01, v2;
	v15 =	vadd.s32 $0x7C0, v15;
	v25 =	vld.idx.msk [tilespmem:v25+s2+$0x0], $0xffff  }
0x123: {  	v49 =	vmovc v37;
	v37 =	vadd.s32 s2, v43;
	v14 =	vmul.f32 $3.200000000e+01, v14;
	v22 =	vld.idx.msk [tilespmem:v22+s10+$0x0], $0xffff;
	v16 =	vmul.f32 $3.200000000e+01, v16  }
0x124: {  	v44 =	vmovc v38;
	v38 =	vadd.s32 s2, v42;
	v32 =	vld [tilespmem:$0x1F720];
	v23 =	vmul.f32 $3.200000000e+01, v23;
	v18 =	vmul.f32 $3.200000000e+01, v18  }
0x125: {  	v16 =	vtrunc.f32 v16;
	v26 =	vmul.f32 $3.200000000e+01, v26;
	v10 =	vadd.f32 v24, v10;
	v27 =	vld.idx.msk [tilespmem:v27+s10+$0x0], $0xffff  }
0x126: {  	v34 =	vld [tilespmem:$0x1F760];
	v24 =	vadd.s32 s2, v63;
	v16 =	vcvt.f32.s32 v16;
	v18 =	vtrunc.f32 v18  }
0x127: {  	v12 =	vadd.f32 v20, v12;
	v15 =	vld.idx.msk [tilespmem:v15+s10+$0x0], $0xffff;
	v25 =	vmul.f32 $3.200000000e+01, v25;
	v18 =	vcvt.f32.s32 v18  }
0x128: {  	v35 =	vld [tilespmem:$0x1F6F0];
	v23 =	vtrunc.f32 v23;
	v26 =	vtrunc.f32 v26;
	v16 =	vadd.s32 $0x860, v16  }
0x129: {  	v20 =	vld.idx.msk [tilespmem:v37+s2+$0x0], $0xffff;
	v23 =	vcvt.f32.s32 v23;
	v26 =	vcvt.f32.s32 v26;
	v18 =	vadd.s32 $0x8E0, v18  }
0x12a: {  	v37 =	vld [tilespmem:$0x1F710];
	v25 =	vtrunc.f32 v25;
	v10 =	vadd.f32 v27, v10;
	v27 =	vadd.s32 s2, v46  }
0x12b: {  	v19 =	vmul.f32 $3.200000000e+01, v19;
	v25 =	vcvt.f32.s32 v25;
	v26 =	vadd.s32 $0x820, v26;
	v24 =	vld.idx.msk [tilespmem:v24+s2+$0x0], $0xffff  }
0x12c: {  	v14 =	vtrunc.f32 v14;
	v13 =	vadd.f32 v15, v13;
	v23 =	vadd.s32 $0x840, v23;
	v15 =	vld.idx.msk [tilespmem:v38+s2+$0x0], $0xffff  }
0x12d: {  	v14 =	vcvt.f32.s32 v14;
	v19 =	vtrunc.f32 v19;
	v25 =	vadd.s32 $0x800, v25;
	v16 =	vld.idx.msk [tilespmem:v16+s10+$0x0], $0xffff  }
0x12e: {  	v19 =	vcvt.f32.s32 v19;
	v18 =	vld.idx.msk [tilespmem:v18+s10+$0x0], $0xffff  }
0x12f: {  	v7 =	vtrunc.f32 v7;
	v2 =	vtrunc.f32 v2;
	v14 =	vadd.s32 $0x880, v14;
	v27 =	vld.idx.msk [tilespmem:v27+s2+$0x0], $0xffff  }
0x130: {  	v7 =	vcvt.f32.s32 v7;
	v19 =	vadd.s32 $0x8A0, v19;
	v26 =	vld.idx.msk [tilespmem:v26+s10+$0x0], $0xffff;
	v24 =	vmul.f32 $3.200000000e+01, v24  }
0x131: {  	v4 =	vmul.f32 $3.200000000e+01, v4;
	v2 =	vcvt.f32.s32 v2;
	v41 =	vadd.s32 s2, v30;
	v23 =	vld.idx.msk [tilespmem:v23+s10+$0x0], $0xffff  }
0x132: {  	v7 =	vadd.s32 $0xB80, v7;
	v25 =	vld.idx.msk [tilespmem:v25+s10+$0x0], $0xffff;
	v24 =	vtrunc.f32 v24;
	v12 =	vadd.f32 v16, v12  }
0x133: {  	v3 =	vmul.f32 $3.200000000e+01, v3;
	v38 =	vld [tilespmem:$0x1F740];
	v16 =	vadd.s32 s2, v33;
	v24 =	vcvt.f32.s32 v24  }
0x134: {  	v14 =	vld.idx.msk [tilespmem:v14+s10+$0x0], $0xffff;
	v12 =	vadd.f32 v18, v12;
	v18 =	vadd.s32 s2, v31;
	v27 =	vmul.f32 $3.200000000e+01, v27  }
0x135: {  	v3 =	vtrunc.f32 v3;
	v19 =	vld.idx.msk [tilespmem:v19+s10+$0x0], $0xffff;
	v11 =	vadd.f32 v26, v11;
	v26 =	vadd.s32 s2, v40  }
0x136: {  	v13 =	vadd.f32 v23, v13;
	v23 =	vld.idx.msk [tilespmem:v41+s2+$0x0], $0xffff;
	v24 =	vadd.s32 $0x8C0, v24;
	v27 =	vtrunc.f32 v27  }
0x137: {  	v41 =	vld [tilespmem:$0x1F750];
	v10 =	vadd.f32 v25, v10;
	v25 =	vadd.s32 s2, v36;
	v27 =	vcvt.f32.s32 v27  }
0x138: {  	v21 =	vmul.f32 $3.200000000e+01, v21;
	v12 =	vadd.f32 v22, v12;
	v22 =	vadd.s32 s2, v38;
	v16 =	vld.idx.msk [tilespmem:v16+s2+$0x0], $0xffff  }
0x139: {  	v8 =	vmul.f32 $3.200000000e+01, v8;
	v3 =	vcvt.f32.s32 v3;
	v18 =	vld.idx.msk [tilespmem:v18+s2+$0x0], $0xffff;
	v27 =	vadd.s32 $0x900, v27  }
0x13a: {  	v21 =	vtrunc.f32 v21;
	v11 =	vadd.f32 v19, v11;
	v19 =	vadd.s32 s2, v35;
	v26 =	vld.idx.msk [tilespmem:v26+s2+$0x0], $0xffff  }
0x13b: {  	v17 =	vmul.f32 $3.200000000e+01, v17;
	v10 =	vadd.f32 v14, v10;
	v14 =	vadd.s32 s2, v37;
	v24 =	vld.idx.msk [tilespmem:v24+s10+$0x0], $0xffff  }
0x13c: {  	v2 =	vadd.s32 $0xBE0, v2;
	v21 =	vcvt.f32.s32 v21;
	v15 =	vmul.f32 $3.200000000e+01, v15;
	v25 =	vld.idx.msk [tilespmem:v25+s2+$0x0], $0xffff  }
0x13d: {  	v23 =	vmul.f32 $3.200000000e+01, v23;
	v9 =	vadd.f32 v9, v11;
	v11 =	vadd.s32 s2, v39;
	v22 =	vld.idx.msk [tilespmem:v22+s2+$0x0], $0xffff  }
0x13e: {  	v17 =	vtrunc.f32 v17;
	v20 =	vmul.f32 $3.200000000e+01, v20;
	v28 =	vadd.s32 s2, v41;
	v27 =	vld.idx.msk [tilespmem:v27+s10+$0x0], $0xffff  }
0x13f: {  	v3 =	vadd.s32 $0xB00, v3;
	v15 =	vtrunc.f32 v15;
	v23 =	vtrunc.f32 v23;
	v19 =	vld.idx.msk [tilespmem:v19+s2+$0x0], $0xffff  }
0x140: {  	[tilespmem:$0x1FA30] =	vst v29;
	v29 =	vadd.s32 s2, v34;
	v15 =	vcvt.f32.s32 v15;
	v23 =	vcvt.f32.s32 v23;
	v14 =	vld.idx.msk [tilespmem:v14+s2+$0x0], $0xffff  }
0x141: {  	[tilespmem:$0x1FA10] =	vst v0;
	v0 =	vld [tilespmem:$0x1F680];
	v16 =	vmul.f32 $3.200000000e+01, v16;
	v18 =	vmul.f32 $3.200000000e+01, v18;
	v13 =	vadd.f32 v24, v13  }
0x142: {  	v11 =	vld.idx.msk [tilespmem:v11+s2+$0x0], $0xffff;
	v24 =	vadd.s32 s2, v32;
	v26 =	vmul.f32 $3.200000000e+01, v26;
	v25 =	vmul.f32 $3.200000000e+01, v25  }
0x143: {  	v22 =	vmul.f32 $3.200000000e+01, v22;
	v18 =	vtrunc.f32 v18;
	v10 =	vadd.f32 v27, v10;
	v27 =	vld.idx.msk [tilespmem:v28+s2+$0x0], $0xffff  }
0x144: {  	v7 =	vld.idx.msk [tilespmem:v7+s10+$0x0], $0xffff;
	v25 =	vtrunc.f32 v25;
	v19 =	vmul.f32 $3.200000000e+01, v19  }
0x145: {  	v14 =	vmul.f32 $3.200000000e+01, v14;
	v18 =	vcvt.f32.s32 v18;
	v28 =	vld.idx.msk [tilespmem:v29+s2+$0x0], $0xffff  }
0x146: {  	v2 =	vld.idx.msk [tilespmem:v2+s10+$0x0], $0xffff;
	v21 =	vadd.s32 $0xB20, v21;
	v25 =	vcvt.f32.s32 v25;
	v22 =	vtrunc.f32 v22  }
0x147: {  	v15 =	vadd.s32 $0xA80, v15;
	v14 =	vtrunc.f32 v14;
	v11 =	vmul.f32 $3.200000000e+01, v11;
	v24 =	vld.idx.msk [tilespmem:v24+s2+$0x0], $0xffff  }
0x148: {  	v3 =	vld.idx.msk [tilespmem:v3+s10+$0x0], $0xffff;
	v23 =	vadd.s32 $0xAE0, v23;
	v22 =	vcvt.f32.s32 v22;
	v27 =	vmul.f32 $3.200000000e+01, v27  }
0x149: {  	v1 =	vld.idx.msk [tilespmem:v0+s2+$0x0], $0xffff;
	v18 =	vadd.s32 $0xA40, v18;
	v14 =	vcvt.f32.s32 v14;
	v11 =	vtrunc.f32 v11  }
0x14a: {  	v0 =	vld [tilespmem:$0x1F770];
	v25 =	vadd.s32 $0xA00, v25;
	v28 =	vmul.f32 $3.200000000e+01, v28;
	v27 =	vtrunc.f32 v27  }
0x14b: {  	v21 =	vld.idx.msk [tilespmem:v21+s10+$0x0], $0xffff;
	v22 =	vadd.s32 $0x9C0, v22;
	v11 =	vcvt.f32.s32 v11;
	v27 =	vcvt.f32.s32 v27  }
0x14c: {  	v15 =	vld.idx.msk [tilespmem:v15+s10+$0x0], $0xffff;
	v14 =	vadd.s32 $0x980, v14;
	v24 =	vmul.f32 $3.200000000e+01, v24;
	v28 =	vtrunc.f32 v28  }
0x14d: {  	v23 =	vld.idx.msk [tilespmem:v23+s10+$0x0], $0xffff;
	v19 =	vtrunc.f32 v19;
	v28 =	vcvt.f32.s32 v28;
	v27 =	vadd.s32 $0x940, v27  }
0x14e: {  	v19 =	vcvt.f32.s32 v19;
	v11 =	vadd.s32 $0x9A0, v11;
	v18 =	vld.idx.msk [tilespmem:v18+s10+$0x0], $0xffff;
	v24 =	vtrunc.f32 v24  }
0x14f: {  	v26 =	vtrunc.f32 v26;
	v25 =	vld.idx.msk [tilespmem:v25+s10+$0x0], $0xffff;
	v24 =	vcvt.f32.s32 v24;
	v28 =	vadd.s32 $0x9E0, v28  }
0x150: {  	v16 =	vtrunc.f32 v16;
	v26 =	vcvt.f32.s32 v26;
	v19 =	vadd.s32 $0xA20, v19;
	v22 =	vld.idx.msk [tilespmem:v22+s10+$0x0], $0xffff  }
0x151: {  	v20 =	vtrunc.f32 v20;
	v16 =	vcvt.f32.s32 v16;
	v14 =	vld.idx.msk [tilespmem:v14+s10+$0x0], $0xffff;
	v24 =	vadd.s32 $0xA60, v24  }
0x152: {  	v1 =	vmul.f32 $3.200000000e+01, v1;
	v20 =	vcvt.f32.s32 v20;
	v26 =	vadd.s32 $0xAA0, v26;
	v27 =	vld.idx.msk [tilespmem:v27+s10+$0x0], $0xffff  }
0x153: {  	v8 =	vtrunc.f32 v8;
	v17 =	vcvt.f32.s32 v17;
	v16 =	vadd.s32 $0xAC0, v16;
	v11 =	vld.idx.msk [tilespmem:v11+s10+$0x0], $0xffff  }
0x154: {  	v8 =	vcvt.f32.s32 v8;
	v1 =	vtrunc.f32 v1;
	v20 =	vadd.s32 $0xB60, v20;
	v28 =	vld.idx.msk [tilespmem:v28+s10+$0x0], $0xffff  }
0x155: {  	v17 =	vadd.s32 $0xB40, v17;
	v1 =	vcvt.f32.s32 v1;
	v19 =	vld.idx.msk [tilespmem:v19+s10+$0x0], $0xffff  }
0x156: {  	v4 =	vtrunc.f32 v4;
	v8 =	vadd.s32 $0xBA0, v8;
	v24 =	vld.idx.msk [tilespmem:v24+s10+$0x0], $0xffff  }
0x157: {  	v4 =	vcvt.f32.s32 v4;
	v1 =	vadd.s32 $0xBC0, v1;
	v26 =	vld.idx.msk [tilespmem:v26+s10+$0x0], $0xffff;
	v13 =	vadd.f32 v27, v13  }
0x158: {  	v0 =	vadd.s32 $0xC00, v0;
	v16 =	vld.idx.msk [tilespmem:v16+s10+$0x0], $0xffff;
	v10 =	vadd.f32 v14, v10;
	v9 =	vadd.f32 v11, v9  }
0x159: {  	v4 =	vadd.s32 $0xC40, v4;
	v20 =	vld.idx.msk [tilespmem:v20+s10+$0x0], $0xffff;
	v11 =	vadd.f32 v28, v12;
	v13 =	vadd.f32 v22, v13  }
0x15a: {  	v10 =	vadd.f32 v25, v10;
	v9 =	vadd.f32 v19, v9;
	v22 =	vld.idx.msk [tilespmem:v17+s10+$0x0], $0xffff  }
0x15b: {  	v8 =	vld.idx.msk [tilespmem:v8+s10+$0x0], $0xffff;
	v11 =	vadd.f32 v24, v11;
	v13 =	vadd.f32 v18, v13  }
0x15c: {  	v1 =	vld.idx.msk [tilespmem:v1+s10+$0x0], $0xffff;
	v10 =	vadd.f32 v15, v10;
	v9 =	vadd.f32 v26, v9  }
0x15d: {  	v0 =	vld.idx.msk [tilespmem:v0+s10+$0x0], $0xffff;
	v11 =	vadd.f32 v23, v11;
	v13 =	vadd.f32 v16, v13  }
0x15e: {  	v4 =	vld.idx.msk [tilespmem:v4+s10+$0x0], $0xffff;
	v3 =	vadd.f32 v3, v10;
	v9 =	vadd.f32 v21, v9  }
0x15f: {  	v11 =	vadd.f32 v20, v11;
	v16 =	vadd.f32 v22, v13  }
0x160: {  	v3 =	vadd.f32 v7, v3;
	v8 =	vadd.f32 v8, v9  }
0x161: {  	v2 =	vadd.f32 v2, v11;
	v1 =	vadd.f32 v1, v16  }
0x162: {  	v0 =	vadd.f32 v0, v3;
	v6 =	vadd.f32 v6, v8  }
0x163: {  	v3 =	vld [tilespmem:$0x1F780];
	v2 =	vadd.f32 v5, v2;
	v1 =	vadd.f32 v4, v1;
	_ =	sdelay $0x1  }
0x164: {  	v0 =	vadd.f32 v6, v0;
	v1 =	vadd.f32 v2, v1;
	_ =	sdelay $0x1  }
0x165: {  	s15 =	simm.s32 $0x640;
	v0 =	vadd.f32 v1, v0;
	v1 =	vld [tilespmem:$0x1F790]  }
0x166: {  	v3 =	vadd.s32 s15, v3;
	v2 =	vld [tilespmem:$0x1F7A0];
	_ =	sdelay $0x2  }
0x167: {  	v4 =	vld [tilespmem:$0x1F7C0]  }
0x168: {  	[tilespmem:s13+$0x0] =	vst v0;
	v0 =	vld [tilespmem:$0x1F7B0];
	v1 =	vadd.s32 s15, v1  }
0x169: {  	v2 =	vadd.s32 s15, v2;
	v3 =	vld.idx.msk [tilespmem:v3+s2+$0x0], $0xffff;
	_ =	sdelay $0x1  }
0x16a: {  	v7 =	vld [tilespmem:$0x1F7F0]  }
0x16b: {  	v5 =	vld [tilespmem:$0x1F7D0];
	v4 =	vadd.s32 s15, v4  }
0x16c: {  	v0 =	vadd.s32 s15, v0;
	v1 =	vld.idx.msk [tilespmem:v1+s2+$0x0], $0xffff  }
0x16d: {  	v2 =	vld.idx.msk [tilespmem:v2+s2+$0x0], $0xffff;
	v3 =	vmul.f32 $3.200000000e+01, v3  }
0x16e: {  	v6 =	vld [tilespmem:$0x1F7E0]  }
0x16f: {  	v17 =	vld [tilespmem:$0x1F800];
	v3 =	vtrunc.f32 v3  }
0x170: {  	v5 =	vadd.s32 s15, v5;
	v4 =	vld.idx.msk [tilespmem:v4+s2+$0x0], $0xffff;
	v3 =	vcvt.f32.s32 v3  }
0x171: {  	v0 =	vld.idx.msk [tilespmem:v0+s2+$0x0], $0xffff;
	v1 =	vmul.f32 $3.200000000e+01, v1  }
0x172: {  	v2 =	vmul.f32 $3.200000000e+01, v2;
	v3 =	vadd.s32 $0xC00, v3  }
0x173: {  	v6 =	vadd.s32 s15, v6;
	v1 =	vtrunc.f32 v1  }
0x174: {  	v8 =	vadd.s32 s15, v17;
	v2 =	vtrunc.f32 v2;
	v1 =	vcvt.f32.s32 v1  }
0x175: {  	v7 =	vadd.s32 s15, v7;
	v5 =	vld.idx.msk [tilespmem:v5+s2+$0x0], $0xffff;
	v4 =	vmul.f32 $3.200000000e+01, v4;
	v2 =	vcvt.f32.s32 v2  }
0x176: {  	v0 =	vmul.f32 $3.200000000e+01, v0;
	v1 =	vadd.s32 $0xC20, v1  }
0x177: {  	v4 =	vtrunc.f32 v4;
	[tilespmem:$0x1F830] =	vst v2;
	v2 =	vld.idx.msk [tilespmem:v3+s10+$0x0], $0xffff  }
0x178: {  	v18 =	vadd.s32 s15, v45;
	v6 =	vld.idx.msk [tilespmem:v6+s2+$0x0], $0xffff;
	v4 =	vcvt.f32.s32 v4;
	v0 =	vtrunc.f32 v0  }
0x179: {  	v8 =	vld.idx.msk [tilespmem:v8+s2+$0x0], $0xffff;
	v0 =	vcvt.f32.s32 v0  }
0x17a: {  	v7 =	vld.idx.msk [tilespmem:v7+s2+$0x0], $0xffff;
	v5 =	vmul.f32 $3.200000000e+01, v5;
	v4 =	vadd.s32 $0xB80, v4  }
0x17b: {  	[tilespmem:$0x1F840] =	vst v0;
	v1 =	vld.idx.msk [tilespmem:v1+s10+$0x0], $0xffff  }
0x17c: {  	v0 =	vadd.s32 s15, v40;
	[tilespmem:$0x1F850] =	vst v2;
	v2 =	vtrunc.f32 v5  }
0x17d: {  	v21 =	vadd.s32 s15, v42;
	v9 =	vld.idx.msk [tilespmem:v18+s2+$0x0], $0xffff;
	v3 =	vmul.f32 $3.200000000e+01, v6;
	v2 =	vcvt.f32.s32 v2  }
0x17e: {  	v19 =	vadd.s32 s15, v44;
	v8 =	vmul.f32 $3.200000000e+01, v8  }
0x17f: {  	v6 =	vmul.f32 $3.200000000e+01, v7;
	v3 =	vtrunc.f32 v3;
	v4 =	vld.idx.msk [tilespmem:v4+s10+$0x0], $0xffff;
	v2 =	vadd.s32 $0xBA0, v2  }
0x180: {  	v7 =	vadd.s32 s15, v33;
	v3 =	vcvt.f32.s32 v3;
	[tilespmem:$0x1F870] =	vst v1;
	v1 =	vtrunc.f32 v8  }
0x181: {  	v20 =	vadd.s32 s15, v43;
	v33 =	vadd.s32 s15, v30;
	v0 =	vld.idx.msk [tilespmem:v0+s2+$0x0], $0xffff;
	v1 =	vcvt.f32.s32 v1  }
0x182: {  	v23 =	vld.idx.msk [tilespmem:v21+s2+$0x0], $0xffff;
	[tilespmem:$0x1F860] =	vst v3;
	v3 =	vtrunc.f32 v6;
	v6 =	vadd.s32 s15, v36;
	v36 =	vmul.f32 $3.200000000e+01, v9  }
0x183: {  	v5 =	vld.idx.msk [tilespmem:v19+s2+$0x0], $0xffff;
	v1 =	vadd.s32 $0xB00, v1  }
0x184: {  	v3 =	vcvt.f32.s32 v3;
	[tilespmem:$0x1F890] =	vst v4;
	v4 =	vtrunc.f32 v36;
	v2 =	vld.idx.msk [tilespmem:v2+s10+$0x0], $0xffff  }
0x185: {  	v7 =	vld.idx.msk [tilespmem:v7+s2+$0x0], $0xffff;
	v4 =	vcvt.f32.s32 v4  }
0x186: {  	v22 =	vld.idx.msk [tilespmem:v20+s2+$0x0], $0xffff;
	[tilespmem:$0x1F880] =	vst v3;
	v3 =	vadd.s32 s15, v35;
	v0 =	vmul.f32 $3.200000000e+01, v0  }
0x187: {  	v11 =	vmul.f32 $3.200000000e+01, v23;
	v12 =	vld.idx.msk [tilespmem:v33+s2+$0x0], $0xffff;
	v4 =	vadd.s32 $0xB20, v4  }
0x188: {  	v5 =	vmul.f32 $3.200000000e+01, v5;
	v0 =	vtrunc.f32 v0;
	v1 =	vld.idx.msk [tilespmem:v1+s10+$0x0], $0xffff  }
0x189: {  	v0 =	vcvt.f32.s32 v0;
	[tilespmem:$0x1F8B0] =	vst v2;
	v2 =	vtrunc.f32 v11  }
0x18a: {  	[tilespmem:$0x1F820] =	vst v44;
	v44 =	vadd.s32 s15, v37;
	v6 =	vld.idx.msk [tilespmem:v6+s2+$0x0], $0xffff;
	v7 =	vmul.f32 $3.200000000e+01, v7;
	v2 =	vcvt.f32.s32 v2  }
0x18b: {  	v42 =	vmul.f32 $3.200000000e+01, v22;
	v5 =	vtrunc.f32 v5;
	v3 =	vld.idx.msk [tilespmem:v3+s2+$0x0], $0xffff;
	v0 =	vadd.s32 $0xAA0, v0  }
0x18c: {  	v7 =	vtrunc.f32 v7;
	v5 =	vcvt.f32.s32 v5;
	v4 =	vld.idx.msk [tilespmem:v4+s10+$0x0], $0xffff;
	v2 =	vadd.s32 $0xA80, v2  }
0x18d: {  	v16 =	vmul.f32 $3.200000000e+01, v12;
	[tilespmem:$0x1F8D0] =	vst v1;
	v1 =	vcvt.f32.s32 v7  }
0x18e: {  	[tilespmem:$0x1F8A0] =	vst v5;
	v5 =	vtrunc.f32 v42  }
0x18f: {  	v17 =	vld.idx.msk [tilespmem:v44+s2+$0x0], $0xffff;
	v6 =	vmul.f32 $3.200000000e+01, v6;
	[tilespmem:$0x1F8E0] =	vst v1;
	v1 =	vtrunc.f32 v16  }
0x190: {  	v43 =	vadd.s32 s15, v32;
	v3 =	vmul.f32 $3.200000000e+01, v3;
	v0 =	vld.idx.msk [tilespmem:v0+s10+$0x0], $0xffff;
	v1 =	vcvt.f32.s32 v1  }
0x191: {  	v40 =	vadd.s32 s15, v31;
	v5 =	vcvt.f32.s32 v5;
	[tilespmem:$0x1F8F0] =	vst v4;
	v4 =	vtrunc.f32 v6;
	v2 =	vld.idx.msk [tilespmem:v2+s10+$0x0], $0xffff  }
0x192: {  	v19 =	vadd.s32 s15, v46;
	v3 =	vtrunc.f32 v3;
	v4 =	vcvt.f32.s32 v4;
	[tilespmem:$0x1F900] =	vst v1;
	v1 =	vld [tilespmem:$0x1F910]  }
0x193: {  	[tilespmem:$0x1F8C0] =	vst v5;
	v5 =	vadd.s32 s15, v39;
	v3 =	vcvt.f32.s32 v3  }
0x194: {  	v32 =	vld [tilespmem:$0x1F920];
	v22 =	vmul.f32 $3.200000000e+01, v17;
	v4 =	vadd.s32 $0xA00, v4  }
0x195: {  	[tilespmem:$0x1F810] =	vst v45;
	v10 =	vld.idx.msk [tilespmem:v43+s2+$0x0], $0xffff;
	v3 =	vadd.s32 $0xA20, v3  }
0x196: {  	v45 =	vadd.s32 s15, v38;
	v8 =	vld.idx.msk [tilespmem:v40+s2+$0x0], $0xffff;
	[tilespmem:$0x1F930] =	vst v2;
	v2 =	vtrunc.f32 v22  }
0x197: {  	v23 =	vld.idx.msk [tilespmem:v19+s2+$0x0], $0xffff;
	[tilespmem:$0x1F950] =	vst v0;
	v0 =	vcvt.f32.s32 v2;
	v1 =	vadd.s32 s15, v1  }
0x198: {  	v18 =	vadd.s32 s15, v34;
	v5 =	vld.idx.msk [tilespmem:v5+s2+$0x0], $0xffff  }
0x199: {  	v4 =	vld.idx.msk [tilespmem:v4+s10+$0x0], $0xffff;
	v0 =	vadd.s32 $0x980, v0  }
0x19a: {  	v3 =	vld.idx.msk [tilespmem:v3+s10+$0x0], $0xffff  }
0x19b: {  	v6 =	vld.idx.msk [tilespmem:v45+s2+$0x0], $0xffff;
	v7 =	vmul.f32 $3.200000000e+01, v8  }
0x19c: {  	v10 =	vmul.f32 $3.200000000e+01, v10;
	v35 =	vmul.f32 $3.200000000e+01, v23;
	v1 =	vld.idx.msk [tilespmem:v1+s2+$0x0], $0xffff  }
0x19d: {  	v20 =	vadd.s32 s15, v41;
	v21 =	vld.idx.msk [tilespmem:v18+s2+$0x0], $0xffff;
	v7 =	vtrunc.f32 v7;
	v2 =	vmul.f32 $3.200000000e+01, v5  }
0x19e: {  	v5 =	vcvt.f32.s32 v7;
	[tilespmem:$0x1F9A0] =	vst v4;
	v4 =	vtrunc.f32 v35;
	v0 =	vld.idx.msk [tilespmem:v0+s10+$0x0], $0xffff  }
0x19f: {  	v13 =	vadd.s32 s15, v32;
	v10 =	vtrunc.f32 v10;
	[tilespmem:$0x1F9C0] =	vst v3;
	v3 =	vcvt.f32.s32 v4;
	v4 =	vld [tilespmem:$0x1F9D0]  }
0x1a0: {  	[tilespmem:$0x1F960] =	vst v5;
	v5 =	vcvt.f32.s32 v10  }
0x1a1: {  	v33 =	vadd.s32 s15, v49;
	v6 =	vmul.f32 $3.200000000e+01, v6;
	v1 =	vmul.f32 $3.200000000e+01, v1  }
0x1a2: {  	v9 =	vmul.f32 $3.200000000e+01, v21;
	[tilespmem:$0x1F970] =	vst v5;
	v5 =	vld.idx.msk [tilespmem:v20+s2+$0x0], $0xffff  }
0x1a3: {  	v36 =	vadd.s32 s15, v63;
	v6 =	vtrunc.f32 v6;
	[tilespmem:$0x1FA00] =	vst v0;
	v0 =	vtrunc.f32 v1  }
0x1a4: {  	v34 =	vld.idx.msk [tilespmem:v13+s2+$0x0], $0xffff;
	v6 =	vcvt.f32.s32 v6;
	v4 =	vadd.s32 s15, v4;
	v0 =	vcvt.f32.s32 v0  }
0x1a5: {  	v9 =	vtrunc.f32 v9;
	v7 =	vadd.s32 s15, v50  }
0x1a6: {  	v11 =	vld.idx.msk [tilespmem:v33+s2+$0x0], $0xffff;
	[tilespmem:$0x1F9E0] =	vst v6;
	v6 =	vcvt.f32.s32 v9;
	v0 =	vadd.s32 $0x920, v0  }
0x1a7: {  	v39 =	vld [tilespmem:$0x1FA20];
	v1 =	vmul.f32 $3.200000000e+01, v5  }
0x1a8: {  	[tilespmem:$0x1F9F0] =	vst v6;
	v6 =	vld.idx.msk [tilespmem:v36+s2+$0x0], $0xffff  }
0x1a9: {  	v8 =	vmul.f32 $3.200000000e+01, v34;
	v3 =	vadd.s32 $0x900, v3;
	v4 =	vld.idx.msk [tilespmem:v4+s2+$0x0], $0xffff;
	v1 =	vtrunc.f32 v1  }
0x1aa: {  	v7 =	vld.idx.msk [tilespmem:v7+s2+$0x0], $0xffff;
	v1 =	vcvt.f32.s32 v1  }
0x1ab: {  	v8 =	vtrunc.f32 v8;
	v0 =	vld.idx.msk [tilespmem:v0+s10+$0x0], $0xffff  }
0x1ac: {  	v5 =	vld [tilespmem:$0x1FA10];
	[tilespmem:$0x1FA50] =	vst v1;
	v1 =	vcvt.f32.s32 v8;
	_ =	sdelay $0x1  }
0x1ad: {  	v38 =	vmul.f32 $3.200000000e+01, v11;
	v11 =	vadd.s32 s15, v39;
	v4 =	vmul.f32 $3.200000000e+01, v4;
	[tilespmem:$0x1FA60] =	vst v1;
	v1 =	vld.idx.msk [tilespmem:v3+s10+$0x0], $0xffff  }
0x1ae: {  	v3 =	vmul.f32 $3.200000000e+01, v6;
	v6 =	vadd.s32 s15, v47  }
0x1af: {  	v44 =	vadd.s32 s15, v54;
	[tilespmem:$0x1FA90] =	vst v0;
	v0 =	vtrunc.f32 v4  }
0x1b0: {  	v7 =	vmul.f32 $3.200000000e+01, v7;
	v5 =	vadd.s32 s15, v5;
	v0 =	vcvt.f32.s32 v0  }
0x1b1: {  	v45 =	vadd.s32 s15, v53  }
0x1b2: {  	[tilespmem:$0x1FA70] =	vst v1;
	v1 =	vtrunc.f32 v7;
	v7 =	vld.idx.msk [tilespmem:v11+s2+$0x0], $0xffff;
	v0 =	vadd.s32 $0x800, v0  }
0x1b3: {  	v6 =	vld.idx.msk [tilespmem:v6+s2+$0x0], $0xffff  }
0x1b4: {  	v11 =	vld.idx.msk [tilespmem:v44+s2+$0x0], $0xffff  }
0x1b5: {  	v5 =	vld.idx.msk [tilespmem:v5+s2+$0x0], $0xffff  }
0x1b6: {  	v47 =	vld.idx.msk [tilespmem:v45+s2+$0x0], $0xffff  }
0x1b7: {  	v0 =	vld.idx.msk [tilespmem:v0+s10+$0x0], $0xffff  }
0x1b8: {  	v6 =	vmul.f32 $3.200000000e+01, v6  }
0x1b9: {  	v11 =	vmul.f32 $3.200000000e+01, v11  }
0x1ba: {  	v4 =	vmul.f32 $3.200000000e+01, v5;
	v6 =	vtrunc.f32 v6  }
0x1bb: {  	v5 =	vadd.s32 s15, v52;
	v11 =	vtrunc.f32 v11;
	v52 =	vcvt.f32.s32 v6  }
0x1bc: {  	v6 =	vmul.f32 $3.200000000e+01, v47;
	[tilespmem:$0x1FAF0] =	vst v0;
	v0 =	vcvt.f32.s32 v11;
	_ =	sdelay $0x1  }
0x1bd: {  	[tilespmem:$0x1FB00] =	vst v0;
	v0 =	vtrunc.f32 v6;
	v6 =	vld [tilespmem:$0x1FCB0];
	_ =	sdelay $0x3  }
0x1be: {  	v2 =	vtrunc.f32 v2  }
0x1bf: {  	v53 =	vadd.s32 s15, v56;
	v2 =	vcvt.f32.s32 v2;
	v56 =	vadd.s32 s15, v6;
	v6 =	vld [tilespmem:$0x1FCC0];
	_ =	sdelay $0x1  }
0x1c0: {  	v2 =	vadd.s32 $0x9A0, v2;
	_ =	sdelay $0x2  }
0x1c1: {  	[tilespmem:$0x1F980] =	vst v50;
	v50 =	vadd.s32 s15, v51;
	v51 =	vadd.s32 s15, v58;
	v58 =	vadd.s32 s15, v6;
	v6 =	vld [tilespmem:$0x1FCD0];
	_ =	sdelay $0x1  }
0x1c2: {  	v2 =	vld.idx.msk [tilespmem:v2+s10+$0x0], $0xffff;
	_ =	sdelay $0x1  }
0x1c3: {  	v37 =	vadd.s32 s15, v55  }
0x1c4: {  	[tilespmem:$0x1F9B0] =	vst v55;
	v55 =	vadd.s32 s15, v60;
	v14 =	vadd.s32 $0x7A0, v52;
	v60 =	vadd.s32 s15, v6;
	v6 =	vld [tilespmem:$0x1FC60]  }
0x1c5: {  	v9 =	vtrunc.f32 v38  }
0x1c6: {  	v40 =	vld [tilespmem:$0x1FA30];
	[tilespmem:$0x1FA40] =	vst v2;
	v2 =	vcvt.f32.s32 v9  }
0x1c7: {  	v41 =	vadd.s32 s15, v61  }
0x1c8: {  	v2 =	vadd.s32 $0x880, v2  }
0x1c9: {  	v61 =	vadd.s32 s15, v6;
	v6 =	vld.idx.msk [tilespmem:v14+s10+$0x0], $0xffff  }
0x1ca: {  	v10 =	vld.idx.msk [tilespmem:v37+s2+$0x0], $0xffff;
	v1 =	vcvt.f32.s32 v1  }
0x1cb: {  	v12 =	vadd.s32 s15, v40  }
0x1cc: {  	v9 =	vld.idx.msk [tilespmem:v41+s2+$0x0], $0xffff;
	v1 =	vadd.s32 $0x8A0, v1  }
0x1cd: {  	v2 =	vld.idx.msk [tilespmem:v2+s10+$0x0], $0xffff  }
0x1ce: {  	v3 =	vtrunc.f32 v3;
	[tilespmem:$0x1FB40] =	vst v6;
	v6 =	vld [tilespmem:$0x1FC70]  }
0x1cf: {  	v42 =	vmul.f32 $3.200000000e+01, v10;
	v3 =	vcvt.f32.s32 v3  }
0x1d0: {  	v43 =	vld.idx.msk [tilespmem:v12+s2+$0x0], $0xffff  }
0x1d1: {  	v54 =	vadd.s32 s15, v57;
	[tilespmem:$0x1FA80] =	vst v3;
	v3 =	vtrunc.f32 v42;
	v1 =	vld.idx.msk [tilespmem:v1+s10+$0x0], $0xffff  }
0x1d2: {  	[tilespmem:$0x1FAB0] =	vst v2;
	v3 =	vcvt.f32.s32 v3;
	v2 =	vtrunc.f32 v4;
	v4 =	vadd.s32 s15, v62  }
0x1d3: {  	[tilespmem:$0x1F990] =	vst v63;
	v46 =	vadd.s32 s15, v48;
	v48 =	vmul.f32 $3.200000000e+01, v9;
	v63 =	vadd.s32 s15, v6;
	v6 =	vld [tilespmem:$0x1FC80]  }
0x1d4: {  	[tilespmem:$0x1FAA0] =	vst v3;
	v3 =	vmul.f32 $3.200000000e+01, v7;
	v2 =	vcvt.f32.s32 v2  }
0x1d5: {  	v10 =	vmul.f32 $3.200000000e+01, v43  }
0x1d6: {  	v15 =	vld.idx.msk [tilespmem:v54+s2+$0x0], $0xffff;
	v3 =	vtrunc.f32 v3;
	v2 =	vadd.s32 $0x820, v2;
	[tilespmem:$0x1FAD0] =	vst v1;
	v1 =	vtrunc.f32 v48  }
0x1d7: {  	v3 =	vcvt.f32.s32 v3;
	v4 =	vld.idx.msk [tilespmem:v4+s2+$0x0], $0xffff;
	v1 =	vcvt.f32.s32 v1  }
0x1d8: {  	v24 =	vadd.s32 s15, v6;
	v6 =	vld [tilespmem:$0x1FC90]  }
0x1d9: {  	v5 =	vld.idx.msk [tilespmem:v5+s2+$0x0], $0xffff;
	[tilespmem:$0x1FAC0] =	vst v3;
	v3 =	vtrunc.f32 v10;
	v1 =	vadd.s32 $0x780, v1  }
0x1da: {  	v10 =	vld.idx.msk [tilespmem:v50+s2+$0x0], $0xffff;
	v3 =	vcvt.f32.s32 v3  }
0x1db: {  	[tilespmem:$0x1F940] =	vst v49;
	v49 =	vadd.s32 s15, v59;
	v2 =	vld.idx.msk [tilespmem:v2+s10+$0x0], $0xffff  }
0x1dc: {  	[tilespmem:$0x1FAE0] =	vst v3;
	v3 =	vld.idx.msk [tilespmem:v46+s2+$0x0], $0xffff;
	v4 =	vmul.f32 $3.200000000e+01, v4  }
0x1dd: {  	v0 =	vcvt.f32.s32 v0;
	v25 =	vadd.s32 s15, v6;
	v6 =	vld [tilespmem:$0x1FFC0]  }
0x1de: {  	v5 =	vmul.f32 $3.200000000e+01, v5;
	v4 =	vtrunc.f32 v4;
	v1 =	vld.idx.msk [tilespmem:v1+s10+$0x0], $0xffff  }
0x1df: {  	v15 =	vmul.f32 $3.200000000e+01, v15;
	v4 =	vcvt.f32.s32 v4;
	[tilespmem:$0x1FB20] =	vst v0;
	v0 =	vld.idx.msk [tilespmem:v53+s2+$0x0], $0xffff  }
0x1e0: {  	v9 =	vld.idx.msk [tilespmem:v49+s2+$0x0], $0xffff;
	v10 =	vmul.f32 $3.200000000e+01, v10;
	[tilespmem:$0x1FB10] =	vst v2;
	v2 =	vtrunc.f32 v5  }
0x1e1: {  	v5 =	vld.idx.msk [tilespmem:v51+s2+$0x0], $0xffff;
	v3 =	vmul.f32 $3.200000000e+01, v3;
	v2 =	vcvt.f32.s32 v2;
	v4 =	vadd.s32 $0x720, v4  }
0x1e2: {  	v15 =	vtrunc.f32 v15;
	v12 =	vadd.s32 s15, v6;
	v6 =	vld [tilespmem:$0x1FC40]  }
0x1e3: {  	v3 =	vtrunc.f32 v3;
	v2 =	vadd.s32 $0x700, v2;
	[tilespmem:$0x1FB30] =	vst v1;
	v1 =	vtrunc.f32 v10  }
0x1e4: {  	v0 =	vmul.f32 $3.200000000e+01, v0;
	v1 =	vcvt.f32.s32 v1  }
0x1e5: {  	v59 =	vld.idx.msk [tilespmem:v55+s2+$0x0], $0xffff;
	v57 =	vmul.f32 $3.200000000e+01, v9;
	v3 =	vcvt.f32.s32 v3  }
0x1e6: {  	v5 =	vmul.f32 $3.200000000e+01, v5;
	v4 =	vld.idx.msk [tilespmem:v4+s10+$0x0], $0xffff;
	v0 =	vtrunc.f32 v0;
	v1 =	vadd.s32 $0x680, v1  }
0x1e7: {  	v17 =	vtrunc.f32 v57;
	v0 =	vcvt.f32.s32 v0;
	v27 =	vadd.s32 s15, v6;
	v6 =	vld [tilespmem:$0x1FC50]  }
0x1e8: {  	[tilespmem:$0x1FB50] =	vst v3;
	v3 =	vcvt.f32.s32 v17;
	v5 =	vtrunc.f32 v5;
	v2 =	vld.idx.msk [tilespmem:v2+s10+$0x0], $0xffff  }
0x1e9: {  	v62 =	vld.idx.msk [tilespmem:v56+s2+$0x0], $0xffff;
	v5 =	vcvt.f32.s32 v5;
	[tilespmem:$0x1FB90] =	vst v0;
	v0 =	vcvt.f32.s32 v15  }
0x1ea: {  	[tilespmem:$0x1FB60] =	vst v3;
	v3 =	vld.idx.msk [tilespmem:v58+s2+$0x0], $0xffff  }
0x1eb: {  	v10 =	vmul.f32 $3.200000000e+01, v59;
	v5 =	vadd.s32 $0x6A0, v5;
	[tilespmem:$0x1FBA0] =	vst v0;
	v0 =	vld.idx.msk [tilespmem:v1+s10+$0x0], $0xffff  }
0x1ec: {  	v28 =	vadd.s32 s15, v6;
	v6 =	vld [tilespmem:$0x1FDF0]  }
0x1ed: {  	[tilespmem:$0x1FB70] =	vst v2;
	v2 =	vtrunc.f32 v10;
	v11 =	vld.idx.msk [tilespmem:v61+s2+$0x0], $0xffff  }
0x1ee: {  	v2 =	vcvt.f32.s32 v2  }
0x1ef: {  	v1 =	vmul.f32 $3.200000000e+01, v3;
	v3 =	vld [tilespmem:$0x1FC30]  }
0x1f0: {  	[tilespmem:$0x1FB80] =	vst v4;
	v4 =	vmul.f32 $3.200000000e+01, v62;
	v5 =	vld.idx.msk [tilespmem:v5+s10+$0x0], $0xffff;
	v2 =	vadd.s32 $0x600, v2  }
0x1f1: {  	v29 =	vadd.s32 s15, v6;
	v6 =	vld [tilespmem:$0x1FE10]  }
0x1f2: {  	v9 =	vld.idx.msk [tilespmem:v60+s2+$0x0], $0xffff;
	[tilespmem:$0x1FBB0] =	vst v0;
	v0 =	vtrunc.f32 v4;
	v13 =	vmul.f32 $3.200000000e+01, v11  }
0x1f3: {  	v0 =	vcvt.f32.s32 v0;
	v26 =	vld.idx.msk [tilespmem:v63+s2+$0x0], $0xffff  }
0x1f4: {  	v1 =	vtrunc.f32 v1;
	v3 =	vadd.s32 s15, v3;
	v4 =	vld.idx.msk [tilespmem:v24+s2+$0x0], $0xffff;
	v24 =	vtrunc.f32 v13  }
0x1f5: {  	[tilespmem:$0x1FBC0] =	vst v5;
	v0 =	vadd.s32 $0x620, v0;
	v5 =	vcvt.f32.s32 v24;
	v24 =	vcvt.f32.s32 v1;
	v1 =	vld.idx.msk [tilespmem:v2+s10+$0x0], $0xffff  }
0x1f6: {  	v31 =	vadd.s32 s15, v6;
	v6 =	vld [tilespmem:$0x1FF90]  }
0x1f7: {  	v15 =	vld.idx.msk [tilespmem:v25+s2+$0x0], $0xffff  }
0x1f8: {  	v14 =	vmul.f32 $3.200000000e+01, v9;
	v22 =	vld.idx.msk [tilespmem:v12+s2+$0x0], $0xffff  }
0x1f9: {  	v3 =	vld.idx.msk [tilespmem:v3+s2+$0x0], $0xffff  }
0x1fa: {  	v19 =	vtrunc.f32 v14;
	v0 =	vld.idx.msk [tilespmem:v0+s10+$0x0], $0xffff;
	v26 =	vmul.f32 $3.200000000e+01, v26;
	v5 =	vadd.s32 $0x580, v5  }
0x1fb: {  	v25 =	vcvt.f32.s32 v19;
	v2 =	vmul.f32 $3.200000000e+01, v4;
	v19 =	vadd.s32 s15, v6;
	v6 =	vld [tilespmem:$0x1FE20]  }
0x1fc: {  	[tilespmem:$0x1FBD0] =	vst v1;
	v1 =	vtrunc.f32 v26;
	v23 =	vmul.f32 $3.200000000e+01, v15;
	v26 =	vld.idx.msk [tilespmem:v27+s2+$0x0], $0xffff  }
0x1fd: {  	v2 =	vtrunc.f32 v2;
	v30 =	vmul.f32 $3.200000000e+01, v22;
	v28 =	vld.idx.msk [tilespmem:v28+s2+$0x0], $0xffff  }
0x1fe: {  	v27 =	vcvt.f32.s32 v2;
	v2 =	vtrunc.f32 v23;
	v18 =	vld.idx.msk [tilespmem:v29+s2+$0x0], $0xffff  }
0x1ff: {  	v29 =	vcvt.f32.s32 v2;
	v2 =	vld.idx.msk [tilespmem:v5+s10+$0x0], $0xffff  }
0x200: {  	[tilespmem:$0x1FBE0] =	vst v0;
	v0 =	vtrunc.f32 v30;
	v30 =	vadd.s32 s15, v6;
	v6 =	vld [tilespmem:$0x1FE40];
	_ =	sdelay $0x1  }
0x201: {  	v3 =	vmul.f32 $3.200000000e+01, v3;
	_ =	sdelay $0x1  }
0x202: {  	[tilespmem:$0x1FBF0] =	vst v2;
	v2 =	vtrunc.f32 v3  }
0x203: {  	v3 =	vmul.f32 $3.200000000e+01, v26;
	v26 =	vmul.f32 $3.200000000e+01, v28;
	v28 =	vadd.s32 s15, v6;
	v6 =	vld [tilespmem:$0x1FF60];
	_ =	sdelay $0x4  }
0x204: {  	v22 =	vadd.s32 s15, v6;
	v6 =	vld [tilespmem:$0x1FE60];
	_ =	sdelay $0x4  }
0x205: {  	v43 =	vadd.s32 s15, v6;
	v6 =	vld [tilespmem:$0x1FE70]  }
0x206: {  	v4 =	vld [tilespmem:$0x1FE00];
	_ =	sdelay $0x3  }
0x207: {  	v44 =	vadd.s32 s15, v6;
	v6 =	vld [tilespmem:$0x1FE90]  }
0x208: {  	v4 =	vadd.s32 s15, v4;
	_ =	sdelay $0x3  }
0x209: {  	v49 =	vadd.s32 s15, v6;
	v6 =	vld [tilespmem:$0x1FEB0]  }
0x20a: {  	v4 =	vld.idx.msk [tilespmem:v4+s2+$0x0], $0xffff  }
0x20b: {  	v0 =	vcvt.f32.s32 v0;
	_ =	sdelay $0x1  }
0x20c: {  	v0 =	vadd.s32 $0x500, v0;
	v2 =	vcvt.f32.s32 v2;
	v21 =	vld.idx.msk [tilespmem:v19+s2+$0x0], $0xffff  }
0x20d: {  	v50 =	vadd.s32 s15, v6;
	v6 =	vld [tilespmem:$0x1FED0]  }
0x20e: {  	v4 =	vmul.f32 $3.200000000e+01, v4;
	v2 =	vadd.s32 $0x520, v2;
	v30 =	vld.idx.msk [tilespmem:v30+s2+$0x0], $0xffff;
	_ =	sdelay $0x1  }
0x20f: {  	v4 =	vtrunc.f32 v4;
	v23 =	vld.idx.msk [tilespmem:v28+s2+$0x0], $0xffff  }
0x210: {  	v28 =	vld.idx.msk [tilespmem:v0+s10+$0x0], $0xffff;
	v0 =	vcvt.f32.s32 v4;
	v4 =	vmul.f32 $3.200000000e+01, v21  }
0x211: {  	v53 =	vadd.s32 s15, v6;
	v6 =	vld [tilespmem:$0x1FEE0]  }
0x212: {  	v45 =	vmul.f32 $3.200000000e+01, v30;
	v30 =	vld.idx.msk [tilespmem:v2+s10+$0x0], $0xffff;
	v2 =	vtrunc.f32 v4  }
0x213: {  	v1 =	vcvt.f32.s32 v1;
	v37 =	vcvt.f32.s32 v2;
	v2 =	vld [tilespmem:$0x1FEA0];
	_ =	sdelay $0x1  }
0x214: {  	v1 =	vadd.s32 $0x5A0, v1  }
0x215: {  	v56 =	vadd.s32 s15, v6;
	v6 =	vld [tilespmem:$0x1FEF0];
	_ =	sdelay $0x1  }
0x216: {  	v5 =	vld [tilespmem:$0x1FE30];
	v2 =	vadd.s32 s15, v2  }
0x217: {  	v20 =	vld.idx.msk [tilespmem:v31+s2+$0x0], $0xffff;
	v32 =	vmul.f32 $3.200000000e+01, v18;
	v3 =	vtrunc.f32 v3  }
0x218: {  	v31 =	vcvt.f32.s32 v3;
	v3 =	vtrunc.f32 v26;
	v26 =	vld.idx.msk [tilespmem:v1+s10+$0x0], $0xffff  }
0x219: {  	v1 =	vtrunc.f32 v32;
	v58 =	vadd.s32 s15, v6;
	v6 =	vld [tilespmem:$0x1FF10]  }
0x21a: {  	v1 =	vcvt.f32.s32 v1;
	v33 =	vcvt.f32.s32 v3;
	v3 =	vld [tilespmem:$0x1FE50]  }
0x21b: {  	v2 =	vld.idx.msk [tilespmem:v2+s2+$0x0], $0xffff  }
0x21c: {  	v1 =	vadd.s32 $0x480, v1;
	v36 =	vld.idx.msk [tilespmem:v22+s2+$0x0], $0xffff  }
0x21d: {  	v5 =	vadd.s32 s15, v5  }
0x21e: {  	v59 =	vadd.s32 s15, v6;
	v6 =	vld [tilespmem:$0x1FF20]  }
0x21f: {  	v48 =	vmul.f32 $3.200000000e+01, v23  }
0x220: {  	v3 =	vadd.s32 s15, v3;
	v2 =	vmul.f32 $3.200000000e+01, v2  }
0x221: {  	v32 =	vld.idx.msk [tilespmem:v1+s10+$0x0], $0xffff;
	v1 =	vtrunc.f32 v48;
	v36 =	vmul.f32 $3.200000000e+01, v36  }
0x222: {  	v5 =	vld.idx.msk [tilespmem:v5+s2+$0x0], $0xffff;
	v39 =	vcvt.f32.s32 v1;
	v2 =	vtrunc.f32 v2  }
0x223: {  	v1 =	vtrunc.f32 v36;
	v63 =	vadd.s32 s15, v6;
	v6 =	vcvt.f32.s32 v2;
	v2 =	vld [tilespmem:$0x1FF40]  }
0x224: {  	v34 =	vmul.f32 $3.200000000e+01, v20;
	v40 =	vcvt.f32.s32 v1;
	v1 =	vld [tilespmem:$0x1FEC0]  }
0x225: {  	v3 =	vld.idx.msk [tilespmem:v3+s2+$0x0], $0xffff;
	v0 =	vadd.s32 $0x4A0, v0  }
0x226: {  	v34 =	vtrunc.f32 v34;
	v4 =	vld [tilespmem:$0x1FE80]  }
0x227: {  	v5 =	vmul.f32 $3.200000000e+01, v5;
	v46 =	vtrunc.f32 v45  }
0x228: {  	v35 =	vcvt.f32.s32 v34;
	v34 =	vcvt.f32.s32 v46;
	v11 =	vadd.s32 s15, v2;
	v2 =	vld [tilespmem:$0x1FF50]  }
0x229: {  	v5 =	vtrunc.f32 v5;
	v38 =	vld.idx.msk [tilespmem:v44+s2+$0x0], $0xffff;
	v1 =	vadd.s32 s15, v1  }
0x22a: {  	v5 =	vcvt.f32.s32 v5;
	v51 =	vadd.s32 $0x400, v34;
	v34 =	vld.idx.msk [tilespmem:v0+s10+$0x0], $0xffff;
	v0 =	vmul.f32 $3.200000000e+01, v3  }
0x22b: {  	v4 =	vadd.s32 s15, v4;
	v41 =	vld.idx.msk [tilespmem:v49+s2+$0x0], $0xffff  }
0x22c: {  	v5 =	vadd.s32 $0x420, v5;
	v0 =	vtrunc.f32 v0;
	v54 =	vld.idx.msk [tilespmem:v50+s2+$0x0], $0xffff  }
0x22d: {  	v0 =	vcvt.f32.s32 v0;
	v12 =	vadd.s32 s15, v2;
	v2 =	vld [tilespmem:$0x1FF80]  }
0x22e: {  	v38 =	vmul.f32 $3.200000000e+01, v38;
	v1 =	vld.idx.msk [tilespmem:v1+s2+$0x0], $0xffff  }
0x22f: {  	v3 =	vld [tilespmem:$0x1FF00];
	v0 =	vadd.s32 $0x380, v0  }
0x230: {  	v4 =	vld.idx.msk [tilespmem:v4+s2+$0x0], $0xffff;
	v38 =	vtrunc.f32 v38;
	v41 =	vmul.f32 $3.200000000e+01, v41  }
0x231: {  	v42 =	vcvt.f32.s32 v38;
	v38 =	vld.idx.msk [tilespmem:v5+s10+$0x0], $0xffff;
	v61 =	vmul.f32 $3.200000000e+01, v54  }
0x232: {  	v5 =	vtrunc.f32 v41;
	v14 =	vadd.s32 s15, v2;
	v2 =	vld [tilespmem:$0x1FFB0]  }
0x233: {  	v1 =	vmul.f32 $3.200000000e+01, v1;
	v60 =	vld.idx.msk [tilespmem:v53+s2+$0x0], $0xffff;
	v41 =	vtrunc.f32 v61  }
0x234: {  	v46 =	vcvt.f32.s32 v41;
	v41 =	vld.idx.msk [tilespmem:v0+s10+$0x0], $0xffff  }
0x235: {  	v0 =	vtrunc.f32 v1;
	v1 =	vld [tilespmem:$0x1FF70]  }
0x236: {  	v62 =	vld.idx.msk [tilespmem:v56+s2+$0x0], $0xffff  }
0x237: {  	v15 =	vadd.s32 s15, v2;
	v2 =	vld [tilespmem:$0x1FFA0]  }
0x238: {  	v4 =	vmul.f32 $3.200000000e+01, v4;
	v48 =	vld.idx.msk [tilespmem:v59+s2+$0x0], $0xffff  }
0x239: {  	v3 =	vadd.s32 s15, v3;
	v49 =	vmul.f32 $3.200000000e+01, v60;
	v9 =	vld.idx.msk [tilespmem:v58+s2+$0x0], $0xffff  }
0x23a: {  	v4 =	vtrunc.f32 v4;
	v1 =	vadd.s32 s15, v1  }
0x23b: {  	v13 =	vcvt.f32.s32 v0;
	v0 =	vtrunc.f32 v49  }
0x23c: {  	v44 =	vcvt.f32.s32 v4;
	v58 =	vcvt.f32.s32 v0;
	v17 =	vadd.s32 s15, v2;
	v2 =	vld [tilespmem:$0x1FFD0]  }
0x23d: {  	v4 =	vld [tilespmem:$0x1FF30];
	v0 =	vmul.f32 $3.200000000e+01, v62;
	v16 =	vmul.f32 $3.200000000e+01, v48  }
0x23e: {  	v3 =	vld.idx.msk [tilespmem:v3+s2+$0x0], $0xffff;
	v50 =	vmul.f32 $3.200000000e+01, v9  }
0x23f: {  	v48 =	vtrunc.f32 v0;
	v0 =	vld.idx.msk [tilespmem:v1+s2+$0x0], $0xffff;
	v1 =	vtrunc.f32 v16  }
0x240: {  	v49 =	vtrunc.f32 v50;
	v50 =	vcvt.f32.s32 v1;
	v1 =	vld [tilespmem:$0x1FDE0]  }
0x241: {  	v19 =	vadd.s32 s15, v2;
	v2 =	vld [tilespmem:$0x1FFE0]  }
0x242: {  	v47 =	vld.idx.msk [tilespmem:v43+s2+$0x0], $0xffff;
	v4 =	vadd.s32 s15, v4;
	_ =	sdelay $0x3  }
0x243: {  	v3 =	vmul.f32 $3.200000000e+01, v3;
	v21 =	vadd.s32 s15, v2;
	v2 =	vadd.s32 s15, v1;
	v1 =	vld [tilespmem:$0x1FFF0]  }
0x244: {  	v52 =	vmul.f32 $3.200000000e+01, v47;
	v4 =	vld.idx.msk [tilespmem:v4+s2+$0x0], $0xffff  }
0x245: {  	v47 =	vtrunc.f32 v3;
	v5 =	vcvt.f32.s32 v5;
	v3 =	vld.idx.msk [tilespmem:v63+s2+$0x0], $0xffff  }
0x246: {  	v55 =	vtrunc.f32 v52;
	v52 =	vld.idx.msk [tilespmem:v11+s2+$0x0], $0xffff  }
0x247: {  	v5 =	vadd.s32 $0x300, v5;
	v20 =	vld.idx.msk [tilespmem:v14+s2+$0x0], $0xffff  }
0x248: {  	v23 =	vadd.s32 s15, v1;
	v1 =	vld [tilespmem:$0x1FDD0];
	_ =	sdelay $0x1  }
0x249: {  	v3 =	vmul.f32 $3.200000000e+01, v3  }
0x24a: {  	v36 =	vld.idx.msk [tilespmem:v51+s10+$0x0], $0xffff;
	v57 =	vcvt.f32.s32 v55;
	v4 =	vmul.f32 $3.200000000e+01, v4  }
0x24b: {  	v45 =	vld.idx.msk [tilespmem:v5+s10+$0x0], $0xffff;
	v3 =	vtrunc.f32 v3;
	v52 =	vmul.f32 $3.200000000e+01, v52  }
0x24c: {  	v53 =	vcvt.f32.s32 v3;
	v18 =	vld.idx.msk [tilespmem:v12+s2+$0x0], $0xffff;
	v3 =	vadd.s32 s15, v1;
	v1 =	vmul.f32 $3.200000000e+01, v20  }
0x24d: {  	v4 =	vtrunc.f32 v4;
	v5 =	vtrunc.f32 v52;
	v22 =	vld.idx.msk [tilespmem:v15+s2+$0x0], $0xffff  }
0x24e: {  	v52 =	vcvt.f32.s32 v5;
	v5 =	vtrunc.f32 v1;
	v1 =	vld [tilespmem:$0x1FDB0]  }
0x24f: {  	v51 =	vcvt.f32.s32 v4;
	v4 =	vld.idx.msk [tilespmem:v17+s2+$0x0], $0xffff  }
0x250: {  	v10 =	vadd.s32 $0x3A0, v57;
	v60 =	vld.idx.msk [tilespmem:v2+s2+$0x0], $0xffff  }
0x251: {  	v2 =	vld [tilespmem:$0x1FDA0]  }
0x252: {  	v62 =	vld.idx.msk [tilespmem:v3+s2+$0x0], $0xffff  }
0x253: {  	v3 =	vadd.s32 s15, v1;
	v1 =	vld [tilespmem:$0x1FDC0]  }
0x254: {  	v0 =	vmul.f32 $3.200000000e+01, v0  }
0x255: {  	v43 =	vld.idx.msk [tilespmem:v10+s10+$0x0], $0xffff;
	v56 =	vadd.s32 $0x320, v6  }
0x256: {  	v0 =	vtrunc.f32 v0;
	v59 =	vld.idx.msk [tilespmem:v19+s2+$0x0], $0xffff  }
0x257: {  	v57 =	vadd.s32 $0x280, v13;
	v54 =	vmul.f32 $3.200000000e+01, v18;
	v55 =	vmul.f32 $3.200000000e+01, v22;
	v61 =	vld.idx.msk [tilespmem:v21+s2+$0x0], $0xffff  }
0x258: {  	s17 =	simm.s32 $0xC80;
	s16 =	simm.s32 $0xFD00;
	v4 =	vmul.f32 $3.200000000e+01, v4;
	v63 =	vld.idx.msk [tilespmem:v23+s2+$0x0], $0xffff;
	v2 =	vadd.s32 s15, v2;
	v1 =	vadd.s32 s15, v1  }
.LBB2_2:
0x259: {  	v6 =	vld [tilespmem:$0x1FC00]  }
0x25a: {  	v56 =	vld.idx.msk [tilespmem:v56+s10+$0x0], $0xffff  }
0x25b: {  	v3 =	vld.idx.msk [tilespmem:v3+s2+$0x0], $0xffff  }
0x25c: {  	v5 =	vcvt.f32.s32 v5;
	v0 =	vcvt.f32.s32 v0;
	v7 =	vld [tilespmem:$0x1FC10]  }
0x25d: {  	v57 =	vld.idx.msk [tilespmem:v57+s10+$0x0], $0xffff;
	v11 =	vadd.s32 $0x1E0, v53;
	v22 =	vadd.s32 $0x200, v52;
	v4 =	vtrunc.f32 v4  }
0x25e: {  	v2 =	vld.idx.msk [tilespmem:v2+s2+$0x0], $0xffff;
	v58 =	vadd.s32 $0x2A0, v58;
	v16 =	vadd.s32 $0x1C0, v0;
	v0 =	vshll.u32 v0, $0x5  }
0x25f: {  	v1 =	vld.idx.msk [tilespmem:v1+s2+$0x0], $0xffff;
	v4 =	vcvt.f32.s32 v4;
	v0 =	vadd.s32 v53, v0;
	v53 =	vcvt.f32.s32 v49  }
0x260: {  	v9 =	vld [tilespmem:$0x1FC20];
	v21 =	vadd.s32 $0x240, v51;
	v49 =	vcvt.f32.s32 v47;
	v59 =	vmul.f32 $3.200000000e+01, v59  }
0x261: {  	v12 =	vld [tilespmem:$0xFC80];
	v8 =	vmul.f32 $3.200000000e+01, v61;
	v60 =	vmul.f32 $3.200000000e+01, v60  }
0x262: {  	v17 =	vadd.s32 $0x160, v5;
	v63 =	vmul.f32 $3.200000000e+01, v63;
	v19 =	vmul.f32 $3.200000000e+01, v62;
	v61 =	vld.idx.msk [tilespmem:v11+s10+$0x0], $0xffff  }
0x263: {  	v6 =	vadd.s32 s15, v6;
	v3 =	vmul.f32 $3.200000000e+01, v3;
	v2 =	vmul.f32 $3.200000000e+01, v2;
	v62 =	vld.idx.msk [tilespmem:v22+s10+$0x0], $0xffff  }
0x264: {  	v7 =	vadd.s32 s15, v7;
	v59 =	vtrunc.f32 v59;
	v60 =	vtrunc.f32 v60;
	v58 =	vld.idx.msk [tilespmem:v58+s10+$0x0], $0xffff  }
0x265: {  	v18 =	vadd.s32 s15, v9;
	v63 =	vtrunc.f32 v63;
	v10 =	vcvt.f32.s32 v60;
	v60 =	vld.idx.msk [tilespmem:v21+s10+$0x0], $0xffff  }
0x266: {  	v20 =	vadd.s32 $0x260, v50;
	v9 =	vcvt.f32.s32 v59;
	v13 =	vcvt.f32.s32 v63;
	v63 =	vld.idx.msk [tilespmem:v16+s10+$0x0], $0xffff  }
0x267: {  	v0 =	vadd.s32 $0x1C00, v0;
	v1 =	vmul.f32 $3.200000000e+01, v1;
	v8 =	vtrunc.f32 v8;
	v17 =	vld.idx.msk [tilespmem:v17+s10+$0x0], $0xffff  }
0x268: {  	v59 =	vtrunc.f32 v19;
	v2 =	vtrunc.f32 v2;
	v19 =	vadd.s32 $0xE0, v9;
	v6 =	vld.idx.msk [tilespmem:v6+s2+$0x0], $0xffff  }
0x269: {  	v3 =	vtrunc.f32 v3;
	v2 =	vcvt.f32.s32 v2;
	v11 =	vadd.s32 $0x140, v10;
	v7 =	vld.idx.msk [tilespmem:v7+s2+$0x0], $0xffff  }
0x26a: {  	v1 =	vtrunc.f32 v1;
	v14 =	vcvt.f32.s32 v59;
	v15 =	vld.idx.msk [tilespmem:v18+s2+$0x0], $0xffff  }
0x26b: {  	v8 =	vcvt.f32.s32 v8;
	v59 =	vld.idx.msk [tilespmem:v20+s10+$0x0], $0xffff;
	v1 =	vcvt.f32.s32 v1;
	v18 =	vadd.s32 $0x180, v4  }
0x26c: {  	v10 =	vshll.u32 v10, $0x5;
	v0 =	vld.idx.msk [tilespmem:v0+s11+$0x0], $0xffff;
	v20 =	vadd.s32 $0x100, v14;
	v23 =	vshll.u32 v2, $0x5  }
0x26d: {  	v14 =	vshll.u32 v14, $0x5;
	v5 =	vadd.s32 v5, v10;
	v16 =	vadd.s32 v1, v23;
	v19 =	vld.idx.msk [tilespmem:v19+s10+$0x0], $0xffff  }
0x26e: {  	v1 =	vadd.s32 $0x20, v1;
	v11 =	vld.idx.msk [tilespmem:v11+s10+$0x0], $0xffff;
	v6 =	vmul.f32 $3.200000000e+01, v6;
	v7 =	vmul.f32 $3.200000000e+01, v7  }
0x26f: {  	v14 =	vadd.s32 v8, v14;
	v5 =	vadd.s32 $0x1400, v5;
	v2 =	vld.idx.msk [tilespmem:v2+s10+$0x0], $0xffff;
	v15 =	vmul.f32 $3.200000000e+01, v15  }
0x270: {  	v8 =	vadd.s32 $0x120, v8;
	v18 =	vld.idx.msk [tilespmem:v18+s10+$0x0], $0xffff;
	v6 =	vtrunc.f32 v6;
	v7 =	vtrunc.f32 v7  }
0x271: {  	v14 =	vadd.s32 $0x1000, v14;
	v20 =	vld.idx.msk [tilespmem:v20+s10+$0x0], $0xffff;
	v15 =	vtrunc.f32 v15;
	v6 =	vcvt.f32.s32 v6  }
0x272: {  	v16 =	vld.idx.msk [tilespmem:v16+s11+$0x0], $0xffff;
	v7 =	vcvt.f32.s32 v7;
	v15 =	vcvt.f32.s32 v15  }
0x273: {  	v3 =	vcvt.f32.s32 v3;
	v1 =	vld.idx.msk [tilespmem:v1+s10+$0x0], $0xffff;
	v21 =	vshll.u32 v6, $0x5;
	v6 =	vadd.s32 $0x40, v6  }
0x274: {  	v5 =	vld.idx.msk [tilespmem:v5+s11+$0x0], $0xffff;
	v22 =	vshll.u32 v7, $0x5;
	v7 =	vadd.s32 $0x80, v7;
	v23 =	vshll.u32 v15, $0x5  }
0x275: {  	v8 =	vld.idx.msk [tilespmem:v8+s10+$0x0], $0xffff;
	v15 =	vadd.s32 $0xC0, v15;
	v21 =	vadd.s32 v3, v21;
	v9 =	vadd.s32 v9, v23  }
0x276: {  	v14 =	vld.idx.msk [tilespmem:v14+s11+$0x0], $0xffff;
	v23 =	vtrunc.f32 v54;
	v54 =	vtrunc.f32 v55;
	v3 =	vadd.s32 $0x60, v3  }
0x277: {  	v55 =	vshll.u32 v52, $0x5;
	v52 =	vshll.u32 v51, $0x5;
	v51 =	vadd.s32 $0x360, v49;
	v49 =	vld [tilespmem:$0x1FAE0]  }
0x278: {  	v22 =	vadd.s32 v13, v22;
	v13 =	vadd.s32 $0xA0, v13;
	v6 =	vld.idx.msk [tilespmem:v6+s10+$0x0], $0xffff  }
0x279: {  	v21 =	vadd.s32 $0x400, v21;
	v7 =	vld.idx.msk [tilespmem:v7+s10+$0x0], $0xffff  }
0x27a: {  	v22 =	vadd.s32 $0x800, v22;
	v54 =	vcvt.f32.s32 v54;
	v10 =	vld.idx.msk [tilespmem:v15+s10+$0x0], $0xffff  }
0x27b: {  	v4 =	vshll.u32 v4, $0x5;
	v15 =	vadd.s32 v50, v52;
	v52 =	vadd.s32 $0x340, v46;
	v46 =	vld [tilespmem:$0x1FB20]  }
0x27c: {  	v9 =	vadd.s32 $0xC00, v9;
	v4 =	vadd.s32 v54, v4;
	v3 =	vld.idx.msk [tilespmem:v3+s10+$0x0], $0xffff  }
0x27d: {  	v4 =	vadd.s32 $0x1800, v4;
	v13 =	vld.idx.msk [tilespmem:v13+s10+$0x0], $0xffff  }
0x27e: {  	v21 =	vld.idx.msk [tilespmem:v21+s11+$0x0], $0xffff  }
0x27f: {  	v2 =	vadd.f32 v2, v12;
	v12 =	vadd.f32 $0.0e+00, v16;
	v16 =	vadd.s32 $0x460, v40;
	v22 =	vld.idx.msk [tilespmem:v22+s11+$0x0], $0xffff  }
0x280: {  	v1 =	vadd.f32 $0.0e+00, v1;
	v50 =	vadd.s32 $0x2E0, v53;
	v53 =	vadd.s32 $0x3E0, v44;
	v44 =	vld [tilespmem:$0x1FB60]  }
0x281: {  	v23 =	vcvt.f32.s32 v23;
	v9 =	vld.idx.msk [tilespmem:v9+s11+$0x0], $0xffff;
	v6 =	vadd.f32 v6, v12  }
0x282: {  	v48 =	vcvt.f32.s32 v48;
	v4 =	vld.idx.msk [tilespmem:v4+s11+$0x0], $0xffff;
	v3 =	vadd.f32 $0.0e+00, v3;
	v1 =	vadd.f32 v13, v1  }
0x283: {  	v13 =	vadd.s32 $0x7E0, v46;
	v46 =	vld [tilespmem:$0x1FA70];
	v2 =	vadd.f32 v21, v2;
	v21 =	vadd.s32 v23, v55  }
0x284: {  	v6 =	vadd.f32 v22, v6;
	v55 =	vadd.s32 $0x2400, v15;
	v15 =	vadd.s32 $0x2C0, v48;
	v22 =	vld.idx.msk [tilespmem:v16+s10+$0x0], $0xffff  }
0x285: {  	v48 =	vld [tilespmem:$0x1FB00];
	v12 =	vadd.s32 $0x2000, v21;
	v3 =	vadd.f32 v19, v3;
	v21 =	vadd.s32 $0x560, v33  }
0x286: {  	v16 =	vld [tilespmem:$0x1F6B0]  }
0x287: {  	v19 =	vld.idx.msk [tilespmem:v53+s10+$0x0], $0xffff;
	v2 =	vadd.f32 v7, v2;
	v7 =	vadd.s32 $0x1A0, v54;
	v3 =	vadd.f32 v17, v3  }
0x288: {  	v53 =	vld [tilespmem:$0x1FAA0];
	v54 =	vadd.s32 $0x220, v23  }
0x289: {  	v3 =	vadd.f32 v61, v3;
	v61 =	vld [tilespmem:$0x1FBB0]  }
0x28a: {  	v6 =	vadd.f32 v10, v6;
	v17 =	vadd.s32 $0x440, v39;
	v39 =	vld.idx.msk [tilespmem:v21+s10+$0x0], $0xffff  }
0x28b: {  	v2 =	vadd.f32 v9, v2;
	v21 =	vld [tilespmem:$0x1F970]  }
0x28c: {  	v33 =	vadd.s32 $0x5E0, v29;
	v6 =	vadd.f32 v14, v6;
	v7 =	vld.idx.msk [tilespmem:v7+s10+$0x0], $0xffff  }
0x28d: {  	v2 =	vadd.f32 v20, v2;
	v9 =	vld.idx.msk [tilespmem:v54+s10+$0x0], $0xffff  }
0x28e: {  	v6 =	vadd.f32 v11, v6;
	v54 =	vld.idx.msk [tilespmem:v50+s10+$0x0], $0xffff  }
0x28f: {  	v2 =	vadd.f32 v5, v2;
	v5 =	vld.idx.msk [tilespmem:v12+s11+$0x0], $0xffff  }
0x290: {  	v4 =	vadd.f32 v4, v6;
	v6 =	vld.idx.msk [tilespmem:v55+s11+$0x0], $0xffff  }
0x291: {  	v55 =	vadd.s32 $0x3C0, v42;
	v42 =	vld.idx.msk [tilespmem:v33+s10+$0x0], $0xffff  }
0x292: {  	v33 =	vld [tilespmem:$0x1F900]  }
0x293: {  	v12 =	vadd.s32 $0x760, v44;
	v44 =	vld [tilespmem:$0x1FA90];
	v2 =	vadd.f32 v18, v2  }
0x294: {  	v1 =	vadd.f32 v8, v1;
	v4 =	vadd.f32 v63, v4;
	v63 =	vld [tilespmem:$0x1FB80]  }
0x295: {  	v0 =	vadd.f32 v0, v2;
	v2 =	vld.idx.msk [tilespmem:v15+s10+$0x0], $0xffff  }
0x296: {  	v3 =	vadd.f32 v59, v3;
	v1 =	vadd.f32 v7, v1;
	v7 =	vld.idx.msk [tilespmem:v51+s10+$0x0], $0xffff  }
0x297: {  	v51 =	vld [tilespmem:$0x1FAC0]  }
0x298: {  	v3 =	vadd.f32 v54, v3;
	v54 =	vld [tilespmem:$0x1FBE0]  }
0x299: {  	v15 =	vld [tilespmem:$0x1FCB0]  }
0x29a: {  	v4 =	vadd.f32 v5, v4;
	v5 =	vld.idx.msk [tilespmem:v52+s10+$0x0], $0xffff  }
0x29b: {  	v50 =	vld.idx.msk [tilespmem:v12+s10+$0x0], $0xffff  }
0x29c: {  	v52 =	vld [tilespmem:$0x1FBF0]  }
0x29d: {  	v0 =	vadd.f32 v62, v0;
	v62 =	vld [tilespmem:$0x1F9F0]  }
0x29e: {  	v18 =	vadd.s32 $0x4E0, v37;
	v4 =	vadd.f32 v60, v4;
	v60 =	vld [tilespmem:$0x1FA50]  }
0x29f: {  	v1 =	vadd.f32 v9, v1;
	v0 =	vadd.f32 v6, v0;
	v6 =	vld.idx.msk [tilespmem:v55+s10+$0x0], $0xffff  }
0x2a0: {  	v55 =	vld [tilespmem:$0x1FA80]  }
0x2a1: {  	v1 =	vadd.f32 v58, v1;
	v58 =	vld [tilespmem:$0x1FBC0]  }
0x2a2: {  	v20 =	vadd.s32 $0x4C0, v35;
	v2 =	vadd.f32 v2, v4;
	v4 =	vld.idx.msk [tilespmem:v17+s10+$0x0], $0xffff  }
0x2a3: {  	v3 =	vadd.f32 v7, v3;
	v7 =	vld.idx.msk [tilespmem:v18+s10+$0x0], $0xffff  }
0x2a4: {  	v12 =	vadd.s32 $0x840, v51;
	v51 =	vld [tilespmem:$0x1FA00]  }
0x2a5: {  	v1 =	vadd.f32 v56, v1;
	v56 =	vld [tilespmem:$0x1FBD0]  }
0x2a6: {  	v0 =	vadd.f32 v57, v0;
	v57 =	vld [tilespmem:$0x1FA60]  }
0x2a7: {  	v23 =	vadd.s32 $0x540, v31;
	v2 =	vadd.f32 v5, v2;
	v5 =	vld.idx.msk [tilespmem:v20+s10+$0x0], $0xffff  }
0x2a8: {  	v3 =	vadd.f32 v19, v3;
	v19 =	vld [tilespmem:$0x1F9E0]  }
0x2a9: {  	v20 =	vld [tilespmem:$0x1FB70]  }
0x2aa: {  	v1 =	vadd.f32 v43, v1;
	v43 =	vld [tilespmem:$0x1FB90]  }
0x2ab: {  	v0 =	vadd.f32 v45, v0;
	v45 =	vld [tilespmem:$0x1FB50]  }
0x2ac: {  	v35 =	vadd.s32 $0x5C0, v27;
	v2 =	vadd.f32 v6, v2;
	v6 =	vld.idx.msk [tilespmem:v23+s10+$0x0], $0xffff  }
0x2ad: {  	v37 =	vadd.s32 $0x660, v25;
	v3 =	vadd.f32 v22, v3;
	v22 =	vld [tilespmem:$0x1FB40]  }
0x2ae: {  	v23 =	vld [tilespmem:$0x1F960]  }
0x2af: {  	v0 =	vadd.f32 v41, v0;
	v41 =	vld [tilespmem:$0x1FBA0]  }
0x2b0: {  	v1 =	vadd.f32 v38, v1;
	v38 =	vld [tilespmem:$0x1F8C0]  }
0x2b1: {  	v40 =	vadd.s32 $0x640, v24;
	v2 =	vadd.f32 v4, v2;
	v4 =	vld.idx.msk [tilespmem:v35+s10+$0x0], $0xffff  }
0x2b2: {  	v3 =	vadd.f32 v7, v3;
	v7 =	vld.idx.msk [tilespmem:v37+s10+$0x0], $0xffff  }
0x2b3: {  	v37 =	vld [tilespmem:$0x1FAF0]  }
0x2b4: {  	v1 =	vadd.f32 v34, v1;
	v34 =	vld [tilespmem:$0x1FB10]  }
0x2b5: {  	v0 =	vadd.f32 v36, v0;
	v36 =	vld [tilespmem:$0x1F8E0]  }
0x2b6: {  	v2 =	vadd.f32 v5, v2;
	v5 =	vld.idx.msk [tilespmem:v40+s10+$0x0], $0xffff  }
0x2b7: {  	v3 =	vadd.f32 v39, v3;
	v39 =	vld [tilespmem:$0x1FAD0]  }
0x2b8: {  	v11 =	vadd.s32 $0x6C0, v43;
	v43 =	vld [tilespmem:$0x1F880]  }
0x2b9: {  	v10 =	vadd.s32 $0x740, v45;
	v45 =	vld [tilespmem:$0x1F860]  }
0x2ba: {  	v0 =	vadd.f32 v32, v0;
	v32 =	vld [tilespmem:$0x1FB30]  }
0x2bb: {  	v14 =	vadd.s32 $0x6E0, v41;
	v3 =	vadd.f32 v42, v3;
	v41 =	vld [tilespmem:$0x1F8A0]  }
0x2bc: {  	v42 =	vld [tilespmem:$0x1FAB0]  }
0x2bd: {  	v3 =	vadd.f32 v7, v3;
	v7 =	vld.idx.msk [tilespmem:v13+s10+$0x0], $0xffff  }
0x2be: {  	v1 =	vadd.f32 v30, v1;
	v2 =	vadd.f32 v6, v2;
	v13 =	vadd.s32 $0x8C0, v55;
	v55 =	vld [tilespmem:$0x1F950]  }
0x2bf: {  	v0 =	vadd.f32 v28, v0;
	v6 =	vld.idx.msk [tilespmem:v11+s10+$0x0], $0xffff  }
0x2c0: {  	v1 =	vadd.f32 v26, v1;
	v2 =	vadd.f32 v4, v2;
	v4 =	vld.idx.msk [tilespmem:v10+s10+$0x0], $0xffff  }
0x2c1: {  	v0 =	vadd.f32 v52, v0;
	v52 =	vld [tilespmem:$0x1F9C0]  }
0x2c2: {  	v1 =	vadd.f32 v54, v1;
	v54 =	vld [tilespmem:$0x1F9A0]  }
0x2c3: {  	v47 =	vld.idx.msk [tilespmem:v14+s10+$0x0], $0xffff  }
0x2c4: {  	v11 =	vadd.s32 $0x860, v49;
	v14 =	vadd.s32 $0x7C0, v48;
	v48 =	vld [tilespmem:$0x1FA40]  }
0x2c5: {  	v0 =	vadd.f32 v56, v0;
	v56 =	vld [tilespmem:$0x1F930]  }
0x2c6: {  	v10 =	vadd.s32 $0x8E0, v53;
	v1 =	vadd.f32 v58, v1;
	v58 =	vld [tilespmem:$0x1F8D0]  }
0x2c7: {  	v0 =	vadd.f32 v61, v0;
	v61 =	vld [tilespmem:$0x1F820]  }
0x2c8: {  	v2 =	vadd.f32 v5, v2;
	v1 =	vadd.f32 v63, v1;
	v63 =	vld [tilespmem:$0x1F6A0]  }
0x2c9: {  	v59 =	vld.idx.msk [tilespmem:v11+s10+$0x0], $0xffff  }
0x2ca: {  	v2 =	vadd.f32 v6, v2;
	v6 =	vld.idx.msk [tilespmem:v12+s10+$0x0], $0xffff  }
0x2cb: {  	v18 =	vld.idx.msk [tilespmem:v10+s10+$0x0], $0xffff  }
0x2cc: {  	v11 =	vadd.s32 $0x940, v60;
	v60 =	vld [tilespmem:$0x1F810]  }
0x2cd: {  	v12 =	vadd.s32 $0x9E0, v62;
	v62 =	vld [tilespmem:$0x1F670]  }
0x2ce: {  	v10 =	vadd.s32 $0x9C0, v19;
	v19 =	vld [tilespmem:$0x1F6D0]  }
0x2cf: {  	v1 =	vadd.f32 v22, v1;
	v22 =	vld [tilespmem:$0x1F720]  }
0x2d0: {  	v5 =	vld.idx.msk [tilespmem:v14+s10+$0x0], $0xffff  }
0x2d1: {  	v2 =	vadd.f32 v4, v2;
	v4 =	vld.idx.msk [tilespmem:v13+s10+$0x0], $0xffff  }
0x2d2: {  	v3 =	vadd.f32 v47, v3;
	v47 =	vld [tilespmem:$0x1F840]  }
0x2d3: {  	v0 =	vadd.f32 v20, v0;
	v14 =	vadd.s32 $0x960, v57;
	v57 =	vld [tilespmem:$0x1F8F0]  }
0x2d4: {  	v13 =	vadd.s32 $0xA60, v21;
	v21 =	vld [tilespmem:$0x1F6F0]  }
0x2d5: {  	v0 =	vadd.f32 v32, v0;
	v32 =	vld [tilespmem:$0x1F730]  }
0x2d6: {  	v1 =	vadd.f32 v34, v1;
	v34 =	vld [tilespmem:$0x1F760]  }
0x2d7: {  	v3 =	vadd.f32 v50, v3;
	v50 =	vld [tilespmem:$0x1F830]  }
0x2d8: {  	v35 =	vld.idx.msk [tilespmem:v12+s10+$0x0], $0xffff  }
0x2d9: {  	v12 =	vadd.s32 $0xAC0, v36;
	v36 =	vld [tilespmem:$0x1F910]  }
0x2da: {  	v1 =	vadd.f32 v39, v1;
	v39 =	vld [tilespmem:$0x1F920]  }
0x2db: {  	v9 =	vadd.s32 s17, v60;
	v60 =	vld [tilespmem:$0x1FCF0]  }
0x2dc: {  	v3 =	vadd.f32 v7, v3;
	v7 =	vld.idx.msk [tilespmem:v14+s10+$0x0], $0xffff  }
0x2dd: {  	v2 =	vadd.f32 v5, v2;
	v5 =	vld.idx.msk [tilespmem:v11+s10+$0x0], $0xffff  }
0x2de: {  	v40 =	vld.idx.msk [tilespmem:v13+s10+$0x0], $0xffff  }
0x2df: {  	v14 =	vadd.s32 $0xA40, v23;
	v23 =	vld [tilespmem:$0x1F710]  }
0x2e0: {  	v0 =	vadd.f32 v37, v0;
	v13 =	vadd.s32 $0xB40, v41;
	v41 =	vld [tilespmem:$0x1F980]  }
0x2e1: {  	v1 =	vadd.f32 v44, v1;
	v44 =	vld [tilespmem:$0x1F9B0]  }
0x2e2: {  	v11 =	vadd.s32 $0xAE0, v33;
	v0 =	vadd.f32 v42, v0;
	v3 =	vadd.f32 v59, v3;
	v59 =	vld [tilespmem:$0x1F800]  }
0x2e3: {  	v2 =	vadd.f32 v6, v2;
	v6 =	vld.idx.msk [tilespmem:v10+s10+$0x0], $0xffff  }
0x2e4: {  	v0 =	vadd.f32 v46, v0;
	v46 =	vld [tilespmem:$0x1FA10]  }
0x2e5: {  	v3 =	vadd.f32 v18, v3;
	v18 =	vld [tilespmem:$0x1F6E0];
	v2 =	vadd.f32 v4, v2  }
0x2e6: {  	v4 =	vld.idx.msk [tilespmem:v14+s10+$0x0], $0xffff  }
0x2e7: {  	v3 =	vadd.f32 v7, v3;
	v7 =	vld.idx.msk [tilespmem:v11+s10+$0x0], $0xffff;
	v11 =	vadd.s32 $0xBC0, v45;
	v2 =	vadd.f32 v5, v2  }
0x2e8: {  	v5 =	vld.idx.msk [tilespmem:v12+s10+$0x0], $0xffff  }
0x2e9: {  	v0 =	vadd.f32 v51, v0;
	v51 =	vld [tilespmem:$0x1FD70];
	v2 =	vadd.f32 v6, v2  }
0x2ea: {  	v1 =	vadd.f32 v48, v1;
	v6 =	vld.idx.msk [tilespmem:v13+s10+$0x0], $0xffff  }
0x2eb: {  	v10 =	vadd.s32 $0xB60, v38;
	v14 =	vadd.s32 $0xBE0, v43;
	v43 =	vld [tilespmem:$0x1F990];
	v2 =	vadd.f32 v4, v2  }
0x2ec: {  	v1 =	vadd.f32 v52, v1;
	v4 =	vld.idx.msk [tilespmem:v11+s10+$0x0], $0xffff  }
0x2ed: {  	v12 =	vadd.s32 $0xC60, v47;
	v47 =	vld [tilespmem:$0x1FA20];
	v2 =	vadd.f32 v5, v2  }
0x2ee: {  	v1 =	vadd.f32 v55, v1;
	v55 =	vld [tilespmem:$0x1FD90]  }
0x2ef: {  	v2 =	vadd.f32 v6, v2;
	v6 =	vld [tilespmem:$0x1F8B0]  }
0x2f0: {  	v49 =	vld.idx.msk [tilespmem:v10+s10+$0x0], $0xffff  }
0x2f1: {  	v3 =	vadd.f32 v35, v3;
	v2 =	vadd.f32 v4, v2;
	v4 =	vld [tilespmem:$0x1F870]  }
0x2f2: {  	v10 =	vadd.s32 $0xC40, v50;
	v35 =	vld [tilespmem:$0x1F690];
	v1 =	vadd.f32 v57, v1  }
0x2f3: {  	v0 =	vadd.f32 v54, v0;
	v3 =	vadd.f32 v40, v3;
	v53 =	vld.idx.msk [tilespmem:v14+s10+$0x0], $0xffff  }
0x2f4: {  	v1 =	vadd.f32 v6, v1;
	v6 =	vld [tilespmem:$0x1F890]  }
0x2f5: {  	v0 =	vadd.f32 v56, v0;
	v3 =	vadd.f32 v7, v3;
	v7 =	vld.idx.msk [tilespmem:v12+s10+$0x0], $0xffff  }
0x2f6: {  	v1 =	vadd.f32 v4, v1;
	v4 =	vld [tilespmem:$0x1F850]  }
0x2f7: {  	v0 =	vadd.f32 v58, v0;
	v5 =	vld.idx.msk [tilespmem:v10+s10+$0x0], $0xffff  }
0x2f8: {  	v50 =	vld [tilespmem:$0x1FD60];
	v3 =	vadd.f32 v49, v3  }
0x2f9: {  	v56 =	vld [tilespmem:$0x1FD20];
	v0 =	vadd.f32 v6, v0  }
0x2fa: {  	v57 =	vld [tilespmem:$0x1FD30];
	v3 =	vadd.f32 v53, v3  }
0x2fb: {  	v0 =	vadd.f32 v4, v0;
	v4 =	vld [tilespmem:$0x1F780]  }
0x2fc: {  	v40 =	vld [tilespmem:$0x1F940];
	v3 =	vadd.f32 v7, v3;
	v2 =	vadd.f32 v5, v2  }
0x2fd: {  	v58 =	vld [tilespmem:$0x1FCE0]  }
0x2fe: {  	v11 =	vadd.s32 s17, v62;
	v62 =	vld [tilespmem:$0x1FD10];
	v0 =	vadd.f32 v1, v0;
	v1 =	vadd.f32 v3, v2  }
0x2ff: {  	v5 =	vld [tilespmem:$0x1F7D0]  }
0x300: {  	v0 =	vadd.f32 v1, v0;
	v1 =	vld [tilespmem:$0x1F790];
	v4 =	vadd.s32 s17, v4  }
0x301: {  	v7 =	vld [tilespmem:$0x1F7F0]  }
0x302: {  	v12 =	vadd.s32 s17, v63;
	v63 =	vld [tilespmem:$0x1FCA0]  }
0x303: {  	s16 =	sadd.s32 $0x10, s16;
	v49 =	vld [tilespmem:$0x1FA30]  }
0x304: {  	v5 =	vadd.s32 s17, v5;
	v6 =	vld [tilespmem:$0x1F7E0];
	[tilespmem:s16+$0x0] =	vst v0  }
0x305: {  	v1 =	vadd.s32 s17, v1;
	v0 =	vld.idx.msk [tilespmem:v4+s2+$0x0], $0xffff  }
0x306: {  	v7 =	vadd.s32 s17, v7;
	v4 =	vld [tilespmem:$0x1F7C0]  }
0x307: {  	v8 =	vadd.s32 s17, v59;
	v2 =	vld [tilespmem:$0x1F7A0]  }
0x308: {  	v3 =	vld [tilespmem:$0x1F7B0]  }
0x309: {  	v5 =	vld.idx.msk [tilespmem:v5+s2+$0x0], $0xffff  }
0x30a: {  	v14 =	vadd.s32 s17, v35;
	v1 =	vld.idx.msk [tilespmem:v1+s2+$0x0], $0xffff;
	v0 =	vmul.f32 $3.200000000e+01, v0  }
0x30b: {  	v7 =	vld.idx.msk [tilespmem:v7+s2+$0x0], $0xffff;
	v4 =	vadd.s32 s17, v4  }
0x30c: {  	v2 =	vadd.s32 s17, v2;
	v8 =	vld.idx.msk [tilespmem:v8+s2+$0x0], $0xffff;
	v0 =	vtrunc.f32 v0  }
0x30d: {  	v3 =	vadd.s32 s17, v3;
	v9 =	vld.idx.msk [tilespmem:v9+s2+$0x0], $0xffff;
	v0 =	vcvt.f32.s32 v0  }
0x30e: {  	v17 =	vld.idx.msk [tilespmem:v12+s2+$0x0], $0xffff  }
0x30f: {  	v38 =	vld.idx.msk [tilespmem:v14+s2+$0x0], $0xffff;
	v1 =	vmul.f32 $3.200000000e+01, v1;
	v0 =	vadd.s32 $0xC00, v0  }
0x310: {  	v6 =	vadd.s32 s17, v6;
	v4 =	vld.idx.msk [tilespmem:v4+s2+$0x0], $0xffff  }
0x311: {  	v12 =	vadd.s32 s17, v19;
	v2 =	vld.idx.msk [tilespmem:v2+s2+$0x0], $0xffff;
	v1 =	vtrunc.f32 v1  }
0x312: {  	v14 =	vadd.s32 s17, v40;
	v3 =	vld.idx.msk [tilespmem:v3+s2+$0x0], $0xffff;
	v1 =	vcvt.f32.s32 v1  }
0x313: {  	v19 =	vld [tilespmem:$0x1FC60]  }
0x314: {  	v1 =	vadd.s32 $0xC20, v1;
	v0 =	vld.idx.msk [tilespmem:v0+s10+$0x0], $0xffff  }
0x315: {  	v6 =	vld.idx.msk [tilespmem:v6+s2+$0x0], $0xffff;
	v4 =	vmul.f32 $3.200000000e+01, v4  }
0x316: {  	v13 =	vadd.s32 s17, v16;
	v20 =	vmul.f32 $3.200000000e+01, v9;
	v12 =	vld.idx.msk [tilespmem:v12+s2+$0x0], $0xffff;
	v2 =	vmul.f32 $3.200000000e+01, v2  }
0x317: {  	v10 =	vadd.s32 s17, v61;
	v42 =	vld.idx.msk [tilespmem:v14+s2+$0x0], $0xffff;
	v3 =	vmul.f32 $3.200000000e+01, v3;
	v4 =	vtrunc.f32 v4  }
0x318: {  	v9 =	vadd.s32 s17, v21;
	v21 =	vld [tilespmem:$0x1FC80];
	v2 =	vtrunc.f32 v2;
	v4 =	vcvt.f32.s32 v4  }
0x319: {  	v5 =	vmul.f32 $3.200000000e+01, v5;
	v14 =	vadd.s32 s17, v63;
	v1 =	vld.idx.msk [tilespmem:v1+s10+$0x0], $0xffff;
	[tilespmem:$0x1F850] =	vst v0;
	v0 =	vcvt.f32.s32 v2  }
0x31a: {  	v3 =	vtrunc.f32 v3;
	v2 =	vadd.s32 $0xB80, v4;
	v4 =	vmul.f32 $3.200000000e+01, v6;
	v6 =	vld.idx.msk [tilespmem:v11+s2+$0x0], $0xffff  }
0x31b: {  	v11 =	vadd.s32 s17, v18;
	v18 =	vld [tilespmem:$0x1FCD0];
	[tilespmem:$0x1F830] =	vst v0;
	v0 =	vcvt.f32.s32 v3  }
0x31c: {  	v3 =	vtrunc.f32 v5;
	v5 =	vld [tilespmem:$0x1F6C0]  }
0x31d: {  	[tilespmem:$0x1F840] =	vst v0;
	v0 =	vld.idx.msk [tilespmem:v10+s2+$0x0], $0xffff  }
0x31e: {  	[tilespmem:$0x1F870] =	vst v1;
	v1 =	vld.idx.msk [tilespmem:v13+s2+$0x0], $0xffff  }
0x31f: {  	v7 =	vmul.f32 $3.200000000e+01, v7;
	v10 =	vmul.f32 $3.200000000e+01, v17;
	v17 =	vld.idx.msk [tilespmem:v14+s2+$0x0], $0xffff  }
0x320: {  	v4 =	vtrunc.f32 v4;
	v3 =	vcvt.f32.s32 v3;
	v13 =	vadd.s32 s17, v23;
	v23 =	vld [tilespmem:$0x1FFC0]  }
0x321: {  	v8 =	vmul.f32 $3.200000000e+01, v8;
	v4 =	vcvt.f32.s32 v4;
	v14 =	vadd.s32 s17, v19;
	v19 =	vld [tilespmem:$0x1FFD0]  }
0x322: {  	v3 =	vadd.s32 $0xBA0, v3;
	v2 =	vld.idx.msk [tilespmem:v2+s10+$0x0], $0xffff  }
0x323: {  	[tilespmem:$0x1F860] =	vst v4;
	v4 =	vtrunc.f32 v7;
	v7 =	vtrunc.f32 v8;
	v8 =	vadd.s32 s17, v22;
	v11 =	vld.idx.msk [tilespmem:v11+s2+$0x0], $0xffff  }
0x324: {  	v22 =	vld [tilespmem:$0x1FC90]  }
0x325: {  	v7 =	vcvt.f32.s32 v7;
	v5 =	vadd.s32 s17, v5;
	v33 =	vld.idx.msk [tilespmem:v13+s2+$0x0], $0xffff  }
0x326: {  	v13 =	vadd.s32 s17, v34;
	v34 =	vld [tilespmem:$0x1FC40]  }
0x327: {  	v7 =	vadd.s32 $0xB00, v7;
	v0 =	vmul.f32 $3.200000000e+01, v0;
	[tilespmem:$0x1F890] =	vst v2;
	v2 =	vcvt.f32.s32 v4;
	v3 =	vld.idx.msk [tilespmem:v3+s10+$0x0], $0xffff  }
0x328: {  	v1 =	vmul.f32 $3.200000000e+01, v1;
	v8 =	vld.idx.msk [tilespmem:v8+s2+$0x0], $0xffff  }
0x329: {  	v6 =	vmul.f32 $3.200000000e+01, v6;
	v0 =	vtrunc.f32 v0;
	[tilespmem:$0x1F880] =	vst v2;
	v2 =	vld [tilespmem:$0x1F700]  }
0x32a: {  	v1 =	vtrunc.f32 v1;
	v4 =	vld.idx.msk [tilespmem:v5+s2+$0x0], $0xffff;
	v5 =	vtrunc.f32 v20  }
0x32b: {  	v0 =	vcvt.f32.s32 v0;
	v20 =	vld [tilespmem:$0x1FC70];
	v5 =	vcvt.f32.s32 v5  }
0x32c: {  	v1 =	vcvt.f32.s32 v1;
	v7 =	vld.idx.msk [tilespmem:v7+s10+$0x0], $0xffff  }
0x32d: {  	[tilespmem:$0x1F8A0] =	vst v0;
	v0 =	vtrunc.f32 v6;
	v6 =	vtrunc.f32 v10;
	v37 =	vld.idx.msk [tilespmem:v13+s2+$0x0], $0xffff;
	v5 =	vadd.s32 $0xB20, v5  }
0x32e: {  	v1 =	vadd.s32 $0xAA0, v1;
	[tilespmem:$0x1F8B0] =	vst v3;
	v3 =	vld.idx.msk [tilespmem:v9+s2+$0x0], $0xffff;
	v6 =	vcvt.f32.s32 v6;
	v0 =	vcvt.f32.s32 v0  }
0x32f: {  	v12 =	vmul.f32 $3.200000000e+01, v12;
	v10 =	vmul.f32 $3.200000000e+01, v33;
	v33 =	vld [tilespmem:$0x1FC30];
	v2 =	vadd.s32 s17, v2  }
0x330: {  	v11 =	vmul.f32 $3.200000000e+01, v11;
	[tilespmem:$0x1F8C0] =	vst v0;
	v0 =	vld [tilespmem:$0x1F740];
	v4 =	vmul.f32 $3.200000000e+01, v4;
	v6 =	vadd.s32 $0xA80, v6  }
0x331: {  	[tilespmem:$0x1F8D0] =	vst v7;
	v7 =	vtrunc.f32 v12;
	v12 =	vmul.f32 $3.200000000e+01, v38;
	v38 =	vld [tilespmem:$0x1FE00]  }
0x332: {  	v9 =	vadd.s32 s17, v32;
	v4 =	vtrunc.f32 v4;
	v7 =	vcvt.f32.s32 v7;
	v5 =	vld.idx.msk [tilespmem:v5+s10+$0x0], $0xffff  }
0x333: {  	v1 =	vld.idx.msk [tilespmem:v1+s10+$0x0], $0xffff;
	v4 =	vcvt.f32.s32 v4;
	v3 =	vmul.f32 $3.200000000e+01, v3  }
0x334: {  	v2 =	vld.idx.msk [tilespmem:v2+s2+$0x0], $0xffff  }
0x335: {  	v7 =	vadd.s32 $0xA00, v7;
	[tilespmem:$0x1F8E0] =	vst v4;
	v4 =	vtrunc.f32 v11;
	v3 =	vtrunc.f32 v3;
	v6 =	vld.idx.msk [tilespmem:v6+s10+$0x0], $0xffff  }
0x336: {  	v0 =	vadd.s32 s17, v0;
	v11 =	vmul.f32 $3.200000000e+01, v37;
	v37 =	vld [tilespmem:$0x1FDF0];
	v4 =	vcvt.f32.s32 v4  }
0x337: {  	v3 =	vcvt.f32.s32 v3;
	[tilespmem:$0x1F8F0] =	vst v5;
	v5 =	vld.idx.msk [tilespmem:v9+s2+$0x0], $0xffff  }
0x338: {  	v9 =	vadd.s32 s17, v36;
	[tilespmem:$0x1F900] =	vst v4;
	v4 =	vld [tilespmem:$0x1F750]  }
0x339: {  	v3 =	vadd.s32 $0xA20, v3;
	v36 =	vld [tilespmem:$0x1FC50]  }
0x33a: {  	v7 =	vld.idx.msk [tilespmem:v7+s10+$0x0], $0xffff  }
0x33b: {  	v0 =	vld.idx.msk [tilespmem:v0+s2+$0x0], $0xffff;
	v2 =	vmul.f32 $3.200000000e+01, v2  }
0x33c: {  	[tilespmem:$0x1F930] =	vst v6;
	v6 =	vtrunc.f32 v10;
	v10 =	vadd.s32 s17, v43;
	v43 =	vld [tilespmem:$0x1FE30]  }
0x33d: {  	v13 =	vadd.s32 s17, v39;
	v8 =	vmul.f32 $3.200000000e+01, v8;
	[tilespmem:$0x1F950] =	vst v1;
	v2 =	vtrunc.f32 v2;
	v1 =	vld.idx.msk [tilespmem:v9+s2+$0x0], $0xffff  }
0x33e: {  	v6 =	vcvt.f32.s32 v6;
	v4 =	vadd.s32 s17, v4;
	v2 =	vcvt.f32.s32 v2;
	v3 =	vld.idx.msk [tilespmem:v3+s10+$0x0], $0xffff  }
0x33f: {  	v8 =	vtrunc.f32 v8;
	v9 =	vadd.s32 s17, v41;
	v41 =	vld [tilespmem:$0x1FF90];
	[tilespmem:$0x1F9A0] =	vst v7  }
0x340: {  	v5 =	vmul.f32 $3.200000000e+01, v5;
	v6 =	vadd.s32 $0x980, v6;
	v7 =	vld [tilespmem:$0x1F9D0];
	[tilespmem:$0x1F960] =	vst v2;
	v2 =	vcvt.f32.s32 v8  }
0x341: {  	v0 =	vmul.f32 $3.200000000e+01, v0;
	v8 =	vmul.f32 $3.200000000e+01, v42;
	v42 =	vld [tilespmem:$0x1FE20]  }
0x342: {  	v5 =	vtrunc.f32 v5;
	[tilespmem:$0x1F970] =	vst v2;
	v2 =	vld.idx.msk [tilespmem:v13+s2+$0x0], $0xffff  }
0x343: {  	v5 =	vcvt.f32.s32 v5;
	v0 =	vtrunc.f32 v0;
	v4 =	vld.idx.msk [tilespmem:v4+s2+$0x0], $0xffff  }
0x344: {  	v13 =	vadd.s32 s17, v44;
	[tilespmem:$0x1F9C0] =	vst v3;
	v3 =	vld.idx.msk [tilespmem:v9+s2+$0x0], $0xffff;
	v0 =	vcvt.f32.s32 v0  }
0x345: {  	v11 =	vtrunc.f32 v11;
	v5 =	vadd.s32 $0x9A0, v5;
	v6 =	vld.idx.msk [tilespmem:v6+s10+$0x0], $0xffff  }
0x346: {  	v9 =	vadd.s32 s17, v47;
	v47 =	vld [tilespmem:$0x1FE60];
	[tilespmem:$0x1F9E0] =	vst v0;
	v0 =	vcvt.f32.s32 v11  }
0x347: {  	v7 =	vadd.s32 s17, v7;
	v11 =	vadd.s32 s17, v49;
	v49 =	vld [tilespmem:$0x1FE80]  }
0x348: {  	v12 =	vtrunc.f32 v12;
	[tilespmem:$0x1F9F0] =	vst v0;
	v0 =	vld.idx.msk [tilespmem:v10+s2+$0x0], $0xffff  }
0x349: {  	v45 =	vcvt.f32.s32 v12;
	v48 =	vld.idx.msk [tilespmem:v13+s2+$0x0], $0xffff  }
0x34a: {  	v2 =	vmul.f32 $3.200000000e+01, v2;
	v5 =	vld.idx.msk [tilespmem:v5+s10+$0x0], $0xffff  }
0x34b: {  	v1 =	vmul.f32 $3.200000000e+01, v1;
	v13 =	vadd.s32 s17, v50;
	[tilespmem:$0x1FA00] =	vst v6;
	v6 =	vadd.s32 $0x900, v45;
	v45 =	vld [tilespmem:$0x1FF60]  }
0x34c: {  	v7 =	vld.idx.msk [tilespmem:v7+s2+$0x0], $0xffff;
	v2 =	vtrunc.f32 v2  }
0x34d: {  	v1 =	vtrunc.f32 v1;
	v2 =	vcvt.f32.s32 v2;
	v52 =	vld.idx.msk [tilespmem:v11+s2+$0x0], $0xffff  }
0x34e: {  	v12 =	vadd.s32 s17, v46;
	v1 =	vcvt.f32.s32 v1;
	v11 =	vadd.s32 s17, v55;
	v55 =	vld [tilespmem:$0x1FED0]  }
0x34f: {  	[tilespmem:$0x1FA60] =	vst v2;
	v2 =	vld.idx.msk [tilespmem:v9+s2+$0x0], $0xffff  }
0x350: {  	v3 =	vmul.f32 $3.200000000e+01, v3;
	v1 =	vadd.s32 $0x920, v1;
	v54 =	vld.idx.msk [tilespmem:v13+s2+$0x0], $0xffff  }
0x351: {  	v8 =	vtrunc.f32 v8;
	v13 =	vadd.s32 s17, v56;
	v56 =	vld [tilespmem:$0x1FEE0]  }
0x352: {  	v4 =	vmul.f32 $3.200000000e+01, v4;
	v3 =	vtrunc.f32 v3;
	v9 =	vadd.s32 s17, v57;
	v57 =	vld [tilespmem:$0x1FEF0]  }
0x353: {  	v3 =	vcvt.f32.s32 v3;
	v0 =	vmul.f32 $3.200000000e+01, v0;
	[tilespmem:$0x1FA40] =	vst v5;
	v5 =	vld.idx.msk [tilespmem:v12+s2+$0x0], $0xffff  }
0x354: {  	v8 =	vcvt.f32.s32 v8;
	v4 =	vtrunc.f32 v4;
	v6 =	vld.idx.msk [tilespmem:v6+s10+$0x0], $0xffff  }
0x355: {  	v4 =	vcvt.f32.s32 v4;
	v1 =	vld.idx.msk [tilespmem:v1+s10+$0x0], $0xffff;
	v3 =	vadd.s32 $0x8A0, v3;
	v0 =	vtrunc.f32 v0  }
0x356: {  	v12 =	vadd.s32 s17, v51;
	v51 =	vld [tilespmem:$0x1FEA0];
	v7 =	vmul.f32 $3.200000000e+01, v7;
	v0 =	vcvt.f32.s32 v0  }
0x357: {  	v53 =	vmul.f32 $3.200000000e+01, v48;
	[tilespmem:$0x1FA50] =	vst v4;
	v11 =	vld.idx.msk [tilespmem:v11+s2+$0x0], $0xffff  }
0x358: {  	v4 =	vadd.s32 $0x880, v8;
	v8 =	vmul.f32 $3.200000000e+01, v52;
	v52 =	vld [tilespmem:$0x1FEB0];
	v7 =	vtrunc.f32 v7;
	[tilespmem:$0x1FA80] =	vst v0  }
0x359: {  	v0 =	vtrunc.f32 v53;
	v2 =	vmul.f32 $3.200000000e+01, v2;
	[tilespmem:$0x1FA70] =	vst v6;
	v6 =	vld [tilespmem:$0x1FD80]  }
0x35a: {  	v7 =	vcvt.f32.s32 v7;
	v5 =	vmul.f32 $3.200000000e+01, v5;
	v3 =	vld.idx.msk [tilespmem:v3+s10+$0x0], $0xffff  }
0x35b: {  	[tilespmem:$0x1FA90] =	vst v1;
	v1 =	vld.idx.msk [tilespmem:v12+s2+$0x0], $0xffff;
	v0 =	vcvt.f32.s32 v0;
	v12 =	vadd.s32 s17, v58;
	v2 =	vtrunc.f32 v2  }
0x35c: {  	v13 =	vld.idx.msk [tilespmem:v13+s2+$0x0], $0xffff;
	v7 =	vadd.s32 $0x800, v7;
	v2 =	vcvt.f32.s32 v2  }
0x35d: {  	v4 =	vld.idx.msk [tilespmem:v4+s10+$0x0], $0xffff;
	[tilespmem:$0x1FAA0] =	vst v0;
	v5 =	vtrunc.f32 v5  }
0x35e: {  	v0 =	vld [tilespmem:$0x1FD40];
	v5 =	vcvt.f32.s32 v5;
	[tilespmem:$0x1FAC0] =	vst v2;
	v6 =	vadd.s32 s17, v6  }
0x35f: {  	v2 =	vtrunc.f32 v8;
	[tilespmem:$0x1FAD0] =	vst v3;
	v3 =	vld.idx.msk [tilespmem:v9+s2+$0x0], $0xffff  }
0x360: {  	v5 =	vadd.s32 $0x820, v5;
	v2 =	vcvt.f32.s32 v2;
	v61 =	vld.idx.msk [tilespmem:v12+s2+$0x0], $0xffff  }
0x361: {  	v10 =	vmul.f32 $3.200000000e+01, v54;
	v1 =	vmul.f32 $3.200000000e+01, v1;
	v7 =	vld.idx.msk [tilespmem:v7+s10+$0x0], $0xffff  }
0x362: {  	[tilespmem:$0x1FAE0] =	vst v2;
	v2 =	vld [tilespmem:$0x1FD00]  }
0x363: {  	v59 =	vtrunc.f32 v10;
	[tilespmem:$0x1FAB0] =	vst v4;
	v0 =	vadd.s32 s17, v0;
	v1 =	vtrunc.f32 v1;
	v4 =	vld.idx.msk [tilespmem:v6+s2+$0x0], $0xffff  }
0x364: {  	v13 =	vmul.f32 $3.200000000e+01, v13;
	v12 =	vadd.s32 s17, v62;
	v1 =	vcvt.f32.s32 v1;
	v6 =	vld [tilespmem:$0x1FD50]  }
0x365: {  	v8 =	vcvt.f32.s32 v59;
	v9 =	vadd.s32 s17, v60;
	v5 =	vld.idx.msk [tilespmem:v5+s10+$0x0], $0xffff  }
0x366: {  	v54 =	vld [tilespmem:$0x1FF00];
	v13 =	vtrunc.f32 v13;
	v1 =	vadd.s32 $0x7A0, v1  }
0x367: {  	v58 =	vld [tilespmem:$0x1FF10];
	v3 =	vmul.f32 $3.200000000e+01, v3;
	[tilespmem:$0x1FAF0] =	vst v7;
	v7 =	vadd.s32 $0x780, v8;
	v8 =	vcvt.f32.s32 v13  }
0x368: {  	v0 =	vld.idx.msk [tilespmem:v0+s2+$0x0], $0xffff;
	v2 =	vadd.s32 s17, v2  }
0x369: {  	v16 =	vld.idx.msk [tilespmem:v12+s2+$0x0], $0xffff;
	v3 =	vtrunc.f32 v3;
	v8 =	vadd.s32 $0x700, v8  }
0x36a: {  	v3 =	vcvt.f32.s32 v3;
	v6 =	vadd.s32 s17, v6;
	v4 =	vmul.f32 $3.200000000e+01, v4;
	[tilespmem:$0x1FB10] =	vst v5;
	v5 =	vld.idx.msk [tilespmem:v9+s2+$0x0], $0xffff  }
0x36b: {  	v11 =	vmul.f32 $3.200000000e+01, v11;
	v9 =	vadd.s32 s17, v15;
	v1 =	vld.idx.msk [tilespmem:v1+s10+$0x0], $0xffff  }
0x36c: {  	v12 =	vmul.f32 $3.200000000e+01, v17;
	v3 =	vadd.s32 $0x720, v3;
	v7 =	vld.idx.msk [tilespmem:v7+s10+$0x0], $0xffff;
	v4 =	vtrunc.f32 v4  }
0x36d: {  	v2 =	vld.idx.msk [tilespmem:v2+s2+$0x0], $0xffff;
	v0 =	vmul.f32 $3.200000000e+01, v0;
	v4 =	vcvt.f32.s32 v4  }
0x36e: {  	v10 =	vmul.f32 $3.200000000e+01, v61;
	v12 =	vtrunc.f32 v12;
	v8 =	vld.idx.msk [tilespmem:v8+s10+$0x0], $0xffff  }
0x36f: {  	v0 =	vtrunc.f32 v0;
	v6 =	vld.idx.msk [tilespmem:v6+s2+$0x0], $0xffff;
	[tilespmem:$0x1FB00] =	vst v4;
	v4 =	vtrunc.f32 v11  }
0x370: {  	[tilespmem:$0x1FB40] =	vst v1;
	v1 =	vld.idx.msk [tilespmem:v9+s2+$0x0], $0xffff;
	v5 =	vmul.f32 $3.200000000e+01, v5;
	v4 =	vcvt.f32.s32 v4  }
0x371: {  	v9 =	vadd.s32 s17, v20;
	v0 =	vcvt.f32.s32 v0;
	v11 =	vmul.f32 $3.200000000e+01, v16;
	v3 =	vld.idx.msk [tilespmem:v3+s10+$0x0], $0xffff;
	[tilespmem:$0x1FB30] =	vst v7  }
0x372: {  	v7 =	vtrunc.f32 v10;
	v5 =	vtrunc.f32 v5;
	[tilespmem:$0x1FB20] =	vst v4;
	v4 =	vld [tilespmem:$0x1FCC0]  }
0x373: {  	v59 =	vld [tilespmem:$0x1FF40];
	v2 =	vmul.f32 $3.200000000e+01, v2;
	v5 =	vcvt.f32.s32 v5;
	[tilespmem:$0x1FB70] =	vst v8;
	v8 =	vadd.s32 s17, v23  }
0x374: {  	v60 =	vld [tilespmem:$0x1FF50];
	v13 =	vadd.s32 s17, v18;
	v7 =	vcvt.f32.s32 v7;
	v6 =	vmul.f32 $3.200000000e+01, v6  }
0x375: {  	v61 =	vld [tilespmem:$0x1FF70];
	v2 =	vtrunc.f32 v2;
	v1 =	vmul.f32 $3.200000000e+01, v1;
	v5 =	vadd.s32 $0x6A0, v5  }
0x376: {  	v10 =	vadd.s32 s17, v21;
	[tilespmem:$0x1FB80] =	vst v3;
	v3 =	vld.idx.msk [tilespmem:v9+s2+$0x0], $0xffff;
	v2 =	vcvt.f32.s32 v2;
	v6 =	vtrunc.f32 v6  }
0x377: {  	[tilespmem:$0x1FB50] =	vst v0;
	v4 =	vadd.s32 s17, v4;
	v0 =	vcvt.f32.s32 v6;
	v6 =	vadd.s32 $0x680, v7;
	v7 =	vld.idx.msk [tilespmem:v14+s2+$0x0], $0xffff  }
0x378: {  	v11 =	vtrunc.f32 v11;
	[tilespmem:$0x1FB90] =	vst v2;
	v1 =	vtrunc.f32 v1;
	v8 =	vld.idx.msk [tilespmem:v8+s2+$0x0], $0xffff  }
0x379: {  	v2 =	vcvt.f32.s32 v11;
	v1 =	vcvt.f32.s32 v1;
	[tilespmem:$0x1FB60] =	vst v0;
	v0 =	vld.idx.msk [tilespmem:v13+s2+$0x0], $0xffff;
	v13 =	vadd.s32 s17, v22  }
0x37a: {  	v32 =	vcvt.f32.s32 v12;
	v12 =	vadd.s32 s17, v33;
	v5 =	vld.idx.msk [tilespmem:v5+s10+$0x0], $0xffff  }
0x37b: {  	[tilespmem:$0x1FBA0] =	vst v2;
	v2 =	vld.idx.msk [tilespmem:v10+s2+$0x0], $0xffff;
	v1 =	vadd.s32 $0x620, v1  }
0x37c: {  	v3 =	vmul.f32 $3.200000000e+01, v3;
	v4 =	vld.idx.msk [tilespmem:v4+s2+$0x0], $0xffff  }
0x37d: {  	v6 =	vld.idx.msk [tilespmem:v6+s10+$0x0], $0xffff  }
0x37e: {  	v9 =	vadd.s32 s17, v34;
	v3 =	vtrunc.f32 v3;
	v35 =	vld.idx.msk [tilespmem:v13+s2+$0x0], $0xffff  }
0x37f: {  	v3 =	vcvt.f32.s32 v3;
	v13 =	vadd.s32 s17, v37;
	[tilespmem:$0x1FBC0] =	vst v5;
	v5 =	vld.idx.msk [tilespmem:v12+s2+$0x0], $0xffff  }
0x380: {  	v0 =	vmul.f32 $3.200000000e+01, v0;
	v12 =	vadd.s32 s17, v38;
	v1 =	vld.idx.msk [tilespmem:v1+s10+$0x0], $0xffff  }
0x381: {  	v21 =	vld [tilespmem:$0x1FDE0];
	v3 =	vadd.s32 $0x5A0, v3  }
0x382: {  	v22 =	vld [tilespmem:$0x1FFF0];
	v7 =	vmul.f32 $3.200000000e+01, v7;
	v0 =	vtrunc.f32 v0  }
0x383: {  	v11 =	vadd.s32 s17, v36;
	v2 =	vmul.f32 $3.200000000e+01, v2;
	v25 =	vcvt.f32.s32 v0;
	v0 =	vld.idx.msk [tilespmem:v9+s2+$0x0], $0xffff  }
0x384: {  	v7 =	vtrunc.f32 v7;
	[tilespmem:$0x1FBB0] =	vst v6;
	v6 =	vadd.s32 $0x600, v32;
	v4 =	vmul.f32 $3.200000000e+01, v4;
	v40 =	vld.idx.msk [tilespmem:v13+s2+$0x0], $0xffff  }
0x385: {  	v8 =	vmul.f32 $3.200000000e+01, v8;
	v7 =	vcvt.f32.s32 v7;
	[tilespmem:$0x1FBE0] =	vst v1;
	v1 =	vld.idx.msk [tilespmem:v12+s2+$0x0], $0xffff  }
0x386: {  	v14 =	vadd.s32 s17, v60;
	v2 =	vtrunc.f32 v2;
	v4 =	vtrunc.f32 v4;
	v26 =	vld.idx.msk [tilespmem:v3+s10+$0x0], $0xffff  }
0x387: {  	v39 =	vmul.f32 $3.200000000e+01, v35;
	v5 =	vmul.f32 $3.200000000e+01, v5;
	v12 =	vadd.s32 s17, v45;
	v3 =	vld [tilespmem:$0x1FE50]  }
0x388: {  	v27 =	vcvt.f32.s32 v2;
	v24 =	vcvt.f32.s32 v4;
	v4 =	vadd.s32 $0x580, v7;
	v7 =	vld.idx.msk [tilespmem:v11+s2+$0x0], $0xffff  }
0x389: {  	v2 =	vtrunc.f32 v39;
	v5 =	vtrunc.f32 v5;
	v6 =	vld.idx.msk [tilespmem:v6+s10+$0x0], $0xffff  }
0x38a: {  	v9 =	vadd.s32 s17, v43;
	v29 =	vcvt.f32.s32 v2;
	v2 =	vld [tilespmem:$0x1FE40];
	v5 =	vcvt.f32.s32 v5  }
0x38b: {  	v63 =	vld.idx.msk [tilespmem:v14+s2+$0x0], $0xffff;
	v0 =	vmul.f32 $3.200000000e+01, v0  }
0x38c: {  	v8 =	vtrunc.f32 v8;
	v10 =	vmul.f32 $3.200000000e+01, v40;
	v5 =	vadd.s32 $0x520, v5;
	v48 =	vld.idx.msk [tilespmem:v12+s2+$0x0], $0xffff  }
0x38d: {  	v0 =	vtrunc.f32 v0;
	v3 =	vadd.s32 s17, v3;
	v4 =	vld.idx.msk [tilespmem:v4+s10+$0x0], $0xffff;
	v7 =	vmul.f32 $3.200000000e+01, v7  }
0x38e: {  	v8 =	vcvt.f32.s32 v8;
	v31 =	vcvt.f32.s32 v0;
	[tilespmem:$0x1FBD0] =	vst v6;
	v6 =	vld [tilespmem:$0x1FE10]  }
0x38f: {  	v46 =	vtrunc.f32 v10;
	v2 =	vadd.s32 s17, v2;
	v0 =	vtrunc.f32 v7;
	v7 =	vld.idx.msk [tilespmem:v9+s2+$0x0], $0xffff  }
0x390: {  	v13 =	vadd.s32 s17, v42;
	v9 =	vcvt.f32.s32 v46;
	v33 =	vcvt.f32.s32 v0;
	v0 =	vld [tilespmem:$0x1FE70]  }
0x391: {  	v8 =	vadd.s32 $0x500, v8;
	v1 =	vmul.f32 $3.200000000e+01, v1;
	v30 =	vld.idx.msk [tilespmem:v5+s10+$0x0], $0xffff  }
0x392: {  	v9 =	vadd.s32 $0x480, v9;
	v3 =	vld.idx.msk [tilespmem:v3+s2+$0x0], $0xffff  }
0x393: {  	v1 =	vtrunc.f32 v1;
	v5 =	vld [tilespmem:$0x1FE90];
	v6 =	vadd.s32 s17, v6  }
0x394: {  	v11 =	vadd.s32 s17, v41;
	v1 =	vcvt.f32.s32 v1;
	v2 =	vld.idx.msk [tilespmem:v2+s2+$0x0], $0xffff  }
0x395: {  	v44 =	vld.idx.msk [tilespmem:v13+s2+$0x0], $0xffff;
	v0 =	vadd.s32 s17, v0  }
0x396: {  	v28 =	vld.idx.msk [tilespmem:v8+s10+$0x0], $0xffff;
	v1 =	vadd.s32 $0x4A0, v1;
	v7 =	vmul.f32 $3.200000000e+01, v7  }
0x397: {  	v8 =	vmul.f32 $3.200000000e+01, v48;
	v32 =	vld.idx.msk [tilespmem:v9+s10+$0x0], $0xffff  }
0x398: {  	[tilespmem:$0x1FBF0] =	vst v4;
	v5 =	vadd.s32 s17, v5;
	v7 =	vtrunc.f32 v7;
	v3 =	vmul.f32 $3.200000000e+01, v3;
	v4 =	vld.idx.msk [tilespmem:v6+s2+$0x0], $0xffff  }
0x399: {  	v15 =	vadd.s32 s17, v61;
	v7 =	vcvt.f32.s32 v7;
	v6 =	vld.idx.msk [tilespmem:v11+s2+$0x0], $0xffff;
	v2 =	vmul.f32 $3.200000000e+01, v2  }
0x39a: {  	v9 =	vadd.s32 s17, v57;
	v3 =	vtrunc.f32 v3;
	v11 =	vmul.f32 $3.200000000e+01, v44;
	v0 =	vld.idx.msk [tilespmem:v0+s2+$0x0], $0xffff  }
0x39b: {  	v13 =	vadd.s32 s17, v52;
	v34 =	vld.idx.msk [tilespmem:v1+s10+$0x0], $0xffff;
	v3 =	vcvt.f32.s32 v3;
	v2 =	vtrunc.f32 v2  }
0x39c: {  	v12 =	vadd.s32 s17, v49;
	v1 =	vld [tilespmem:$0x1FEC0];
	v50 =	vtrunc.f32 v11;
	v39 =	vcvt.f32.s32 v2  }
0x39d: {  	v10 =	vadd.s32 s17, v47;
	v2 =	vld.idx.msk [tilespmem:v5+s2+$0x0], $0xffff;
	v5 =	vtrunc.f32 v8;
	v4 =	vmul.f32 $3.200000000e+01, v4  }
0x39e: {  	v14 =	vld.idx.msk [tilespmem:v15+s2+$0x0], $0xffff;
	v40 =	vcvt.f32.s32 v5;
	v6 =	vmul.f32 $3.200000000e+01, v6  }
0x39f: {  	v7 =	vadd.s32 $0x420, v7;
	v9 =	vld.idx.msk [tilespmem:v9+s2+$0x0], $0xffff;
	v0 =	vmul.f32 $3.200000000e+01, v0;
	v4 =	vtrunc.f32 v4  }
0x3a0: {  	v11 =	vadd.s32 s17, v51;
	v5 =	vld.idx.msk [tilespmem:v13+s2+$0x0], $0xffff;
	v35 =	vcvt.f32.s32 v4;
	v4 =	vtrunc.f32 v6  }
0x3a1: {  	v1 =	vadd.s32 s17, v1;
	v37 =	vcvt.f32.s32 v4;
	v4 =	vld.idx.msk [tilespmem:v12+s2+$0x0], $0xffff  }
0x3a2: {  	v3 =	vadd.s32 $0x380, v3;
	v6 =	vld.idx.msk [tilespmem:v10+s2+$0x0], $0xffff;
	v0 =	vtrunc.f32 v0  }
0x3a3: {  	v42 =	vcvt.f32.s32 v0;
	v0 =	vld [tilespmem:$0x1FF30]  }
0x3a4: {  	v38 =	vld.idx.msk [tilespmem:v7+s10+$0x0], $0xffff  }
0x3a5: {  	v8 =	vadd.s32 s17, v55;
	v11 =	vld.idx.msk [tilespmem:v11+s2+$0x0], $0xffff  }
0x3a6: {  	v13 =	vadd.s32 s17, v58;
	v1 =	vld.idx.msk [tilespmem:v1+s2+$0x0], $0xffff;
	v4 =	vmul.f32 $3.200000000e+01, v4  }
0x3a7: {  	v41 =	vld.idx.msk [tilespmem:v3+s10+$0x0], $0xffff;
	v10 =	vcvt.f32.s32 v50;
	v6 =	vmul.f32 $3.200000000e+01, v6  }
0x3a8: {  	v3 =	vld [tilespmem:$0x1FF80];
	v5 =	vmul.f32 $3.200000000e+01, v5;
	v0 =	vadd.s32 s17, v0;
	v4 =	vtrunc.f32 v4  }
0x3a9: {  	v12 =	vadd.s32 s17, v56;
	v6 =	vtrunc.f32 v6;
	v44 =	vcvt.f32.s32 v4;
	v4 =	vld [tilespmem:$0x1FF20]  }
0x3aa: {  	v8 =	vld.idx.msk [tilespmem:v8+s2+$0x0], $0xffff;
	v53 =	vadd.s32 $0x400, v10;
	v6 =	vcvt.f32.s32 v6  }
0x3ab: {  	v13 =	vld.idx.msk [tilespmem:v13+s2+$0x0], $0xffff;
	v10 =	vadd.s32 s17, v54;
	v5 =	vtrunc.f32 v5  }
0x3ac: {  	v46 =	vcvt.f32.s32 v5;
	v5 =	vld [tilespmem:$0x1FFB0];
	v6 =	vadd.s32 $0x3A0, v6  }
0x3ad: {  	v0 =	vld.idx.msk [tilespmem:v0+s2+$0x0], $0xffff  }
0x3ae: {  	v2 =	vmul.f32 $3.200000000e+01, v2;
	v7 =	vld.idx.msk [tilespmem:v12+s2+$0x0], $0xffff;
	v4 =	vadd.s32 s17, v4  }
0x3af: {  	v12 =	vadd.s32 s17, v59;
	v36 =	vld.idx.msk [tilespmem:v53+s10+$0x0], $0xffff  }
0x3b0: {  	v2 =	vtrunc.f32 v2;
	v10 =	vld.idx.msk [tilespmem:v10+s2+$0x0], $0xffff  }
0x3b1: {  	v9 =	vmul.f32 $3.200000000e+01, v9;
	v2 =	vcvt.f32.s32 v2;
	v3 =	vadd.s32 s17, v3;
	v43 =	vld.idx.msk [tilespmem:v6+s10+$0x0], $0xffff  }
0x3b2: {  	v1 =	vmul.f32 $3.200000000e+01, v1;
	v6 =	vld [tilespmem:$0x1FFA0];
	v0 =	vmul.f32 $3.200000000e+01, v0  }
0x3b3: {  	v49 =	vtrunc.f32 v9;
	v4 =	vld.idx.msk [tilespmem:v4+s2+$0x0], $0xffff  }
0x3b4: {  	v2 =	vadd.s32 $0x300, v2;
	v1 =	vtrunc.f32 v1;
	v62 =	vld.idx.msk [tilespmem:v12+s2+$0x0], $0xffff;
	v0 =	vtrunc.f32 v0  }
0x3b5: {  	v5 =	vadd.s32 s17, v5;
	v7 =	vmul.f32 $3.200000000e+01, v7;
	v51 =	vcvt.f32.s32 v0;
	v0 =	vld [tilespmem:$0x1FDD0]  }
0x3b6: {  	v9 =	vadd.s32 s17, v21;
	v54 =	vmul.f32 $3.200000000e+01, v63;
	v1 =	vcvt.f32.s32 v1;
	v20 =	vld.idx.msk [tilespmem:v3+s2+$0x0], $0xffff  }
0x3b7: {  	v11 =	vmul.f32 $3.200000000e+01, v11;
	v48 =	vtrunc.f32 v7;
	v7 =	vld [tilespmem:$0x1FFE0];
	v6 =	vadd.s32 s17, v6  }
0x3b8: {  	v8 =	vmul.f32 $3.200000000e+01, v8;
	v57 =	vadd.s32 $0x280, v1;
	v1 =	vld [tilespmem:$0x1FDC0];
	v4 =	vmul.f32 $3.200000000e+01, v4  }
0x3b9: {  	v11 =	vtrunc.f32 v11;
	v18 =	vmul.f32 $3.200000000e+01, v13;
	v13 =	vadd.s32 s17, v19;
	v45 =	vld.idx.msk [tilespmem:v2+s10+$0x0], $0xffff  }
0x3ba: {  	v5 =	vld.idx.msk [tilespmem:v5+s2+$0x0], $0xffff;
	v23 =	vadd.s32 s17, v0;
	v0 =	vtrunc.f32 v4;
	v4 =	vmul.f32 $3.200000000e+01, v62  }
0x3bb: {  	v11 =	vcvt.f32.s32 v11;
	v12 =	vadd.s32 s17, v22;
	v53 =	vcvt.f32.s32 v0;
	v0 =	vld [tilespmem:$0x1FDB0]  }
0x3bc: {  	v8 =	vtrunc.f32 v8;
	v7 =	vadd.s32 s17, v7;
	v6 =	vld.idx.msk [tilespmem:v6+s2+$0x0], $0xffff;
	v2 =	vtrunc.f32 v4  }
0x3bd: {  	p0 =	sne.s32 s17, $0xC1C0;
	v58 =	vcvt.f32.s32 v8;
	v52 =	vcvt.f32.s32 v2;
	v2 =	vld [tilespmem:$0x1FDA0]  }
.Ltmp0:
0x3be: {  	v60 =	vld.idx.msk [tilespmem:v9+s2+$0x0], $0xffff;
	v3 =	vtrunc.f32 v18;
	v10 =	vmul.f32 $3.200000000e+01, v10;
	(pc) =	sbr.rel @p0 .LBB2_2-.Ltmp0, $4  }
0x3bf: {  	v56 =	vadd.s32 $0x320, v11;
	v50 =	vcvt.f32.s32 v3;
	v59 =	vld.idx.msk [tilespmem:v13+s2+$0x0], $0xffff;
	v4 =	vmul.f32 $3.200000000e+01, v20  }
0x3c0: {  	v47 =	vtrunc.f32 v10;
	v63 =	vld.idx.msk [tilespmem:v12+s2+$0x0], $0xffff;
	v3 =	vadd.s32 s17, v0;
	v0 =	vmul.f32 $3.200000000e+01, v14  }
0x3c1: {  	s15 =	smov.u32 s17;
	v1 =	vadd.s32 s17, v1;
	v55 =	vmul.f32 $3.200000000e+01, v5;
	v61 =	vld.idx.msk [tilespmem:v7+s2+$0x0], $0xffff;
	v5 =	vtrunc.f32 v4  }
0x3c2: {  	v62 =	vld.idx.msk [tilespmem:v23+s2+$0x0], $0xffff;
	v4 =	vmul.f32 $3.200000000e+01, v6;
	s17 =	sadd.s32 $0x640, s17;
	v0 =	vtrunc.f32 v0;
	v2 =	vadd.s32 s15, v2  }
0x3c3: {  	v6 =	vld [tilespmem:$0x1FC00]  }
0x3c4: {  	v8 =	vld [tilespmem:$0x1FC10];
	_ =	sdelay $0x3  }
0x3c5: {  	v7 =	vld [tilespmem:$0x1FC20];
	v6 =	vadd.s32 s15, v6  }
0x3c6: {  	v3 =	vld.idx.msk [tilespmem:v3+s2+$0x0], $0xffff;
	v5 =	vcvt.f32.s32 v5;
	v0 =	vcvt.f32.s32 v0;
	v8 =	vadd.s32 s15, v8  }
0x3c7: {  	v1 =	vld.idx.msk [tilespmem:v1+s2+$0x0], $0xffff;
	v11 =	vmul.f32 $3.200000000e+01, v60;
	v4 =	vtrunc.f32 v4  }
0x3c8: {  	v2 =	vld.idx.msk [tilespmem:v2+s2+$0x0], $0xffff;
	v9 =	vmul.f32 $3.200000000e+01, v59;
	v4 =	vcvt.f32.s32 v4  }
0x3c9: {  	v10 =	vmul.f32 $3.200000000e+01, v63;
	v11 =	vtrunc.f32 v11  }
0x3ca: {  	v9 =	vtrunc.f32 v9;
	v22 =	vmul.f32 $3.200000000e+01, v61;
	v7 =	vadd.s32 s15, v7;
	v6 =	vld.idx.msk [tilespmem:v6+s2+$0x0], $0xffff  }
0x3cb: {  	v11 =	vcvt.f32.s32 v11;
	v10 =	vtrunc.f32 v10;
	v8 =	vld.idx.msk [tilespmem:v8+s2+$0x0], $0xffff  }
0x3cc: {  	v3 =	vmul.f32 $3.200000000e+01, v3;
	v1 =	vmul.f32 $3.200000000e+01, v1  }
0x3cd: {  	v9 =	vcvt.f32.s32 v9;
	v2 =	vmul.f32 $3.200000000e+01, v2  }
0x3ce: {  	v3 =	vtrunc.f32 v3;
	v1 =	vtrunc.f32 v1  }
0x3cf: {  	v12 =	vadd.s32 $0x2A0, v58;
	v2 =	vtrunc.f32 v2;
	v7 =	vld.idx.msk [tilespmem:v7+s2+$0x0], $0xffff;
	v6 =	vmul.f32 $3.200000000e+01, v6  }
0x3d0: {  	v13 =	vadd.s32 $0x260, v50;
	v2 =	vcvt.f32.s32 v2;
	v8 =	vmul.f32 $3.200000000e+01, v8  }
0x3d1: {  	v14 =	vadd.s32 $0x240, v51;
	v1 =	vcvt.f32.s32 v1;
	v6 =	vtrunc.f32 v6  }
0x3d2: {  	v17 =	vshll.u32 v2, $0x5;
	v8 =	vtrunc.f32 v8;
	v6 =	vcvt.f32.s32 v6  }
0x3d3: {  	v3 =	vcvt.f32.s32 v3;
	v17 =	vadd.s32 v1, v17;
	v8 =	vcvt.f32.s32 v8  }
0x3d4: {  	v23 =	vld [tilespmem:$0xFC80];
	v10 =	vcvt.f32.s32 v10;
	v7 =	vmul.f32 $3.200000000e+01, v7;
	v19 =	vshll.u32 v6, $0x5  }
0x3d5: {  	v59 =	vld.idx.msk [tilespmem:v13+s10+$0x0], $0xffff;
	v6 =	vadd.s32 $0x40, v6;
	v20 =	vshll.u32 v8, $0x5;
	v19 =	vadd.s32 v3, v19  }
0x3d6: {  	v60 =	vld.idx.msk [tilespmem:v14+s10+$0x0], $0xffff;
	v7 =	vtrunc.f32 v7;
	v20 =	vadd.s32 v10, v20;
	v19 =	vadd.s32 $0x400, v19  }
0x3d7: {  	v21 =	vmul.f32 $3.200000000e+01, v62;
	v2 =	vld.idx.msk [tilespmem:v2+s10+$0x0], $0xffff;
	v7 =	vcvt.f32.s32 v7;
	v20 =	vadd.s32 $0x800, v20  }
0x3d8: {  	v13 =	vadd.s32 $0x160, v5;
	v14 =	vadd.s32 $0x180, v4;
	v17 =	vld.idx.msk [tilespmem:v17+s11+$0x0], $0xffff;
	v8 =	vadd.s32 $0x80, v8  }
0x3d9: {  	v58 =	vld.idx.msk [tilespmem:v12+s10+$0x0], $0xffff;
	v21 =	vtrunc.f32 v21;
	v18 =	vshll.u32 v7, $0x5;
	v7 =	vadd.s32 $0xC0, v7  }
0x3da: {  	v22 =	vtrunc.f32 v22;
	v61 =	vshll.u32 v11, $0x5;
	v21 =	vcvt.f32.s32 v21;
	v6 =	vld.idx.msk [tilespmem:v6+s10+$0x0], $0xffff  }
0x3db: {  	v22 =	vcvt.f32.s32 v22;
	v5 =	vadd.s32 v5, v61;
	v18 =	vadd.s32 v9, v18;
	v19 =	vld.idx.msk [tilespmem:v19+s11+$0x0], $0xffff  }
0x3dc: {  	v61 =	vshll.u32 v21, $0x5;
	v21 =	vadd.s32 $0x100, v21;
	v18 =	vadd.s32 $0xC00, v18;
	v20 =	vld.idx.msk [tilespmem:v20+s11+$0x0], $0xffff  }
0x3dd: {  	v2 =	vadd.f32 v2, v23;
	v23 =	vadd.s32 v22, v61;
	v17 =	vadd.f32 $0.0e+00, v17;
	v8 =	vld.idx.msk [tilespmem:v8+s10+$0x0], $0xffff  }
0x3de: {  	v63 =	vtrunc.f32 v55;
	v12 =	vadd.s32 $0x1C0, v0;
	v23 =	vadd.s32 $0x1000, v23;
	v7 =	vld.idx.msk [tilespmem:v7+s10+$0x0], $0xffff  }
0x3df: {  	v11 =	vadd.s32 $0x140, v11;
	v1 =	vadd.s32 $0x20, v1;
	v6 =	vadd.f32 v6, v17  }
0x3e0: {  	v0 =	vshll.u32 v0, $0x5;
	v5 =	vadd.s32 $0x1400, v5;
	v14 =	vld.idx.msk [tilespmem:v14+s10+$0x0], $0xffff;
	v2 =	vadd.f32 v19, v2  }
0x3e1: {  	v0 =	vadd.s32 v53, v0;
	v10 =	vadd.s32 $0xA0, v10;
	v18 =	vld.idx.msk [tilespmem:v18+s11+$0x0], $0xffff;
	v6 =	vadd.f32 v20, v6  }
0x3e2: {  	v17 =	vcvt.f32.s32 v63;
	v19 =	vld.idx.msk [tilespmem:v21+s10+$0x0], $0xffff;
	v2 =	vadd.f32 v8, v2;
	v8 =	vtrunc.f32 v54  }
0x3e3: {  	v20 =	vld.idx.msk [tilespmem:v23+s11+$0x0], $0xffff;
	v6 =	vadd.f32 v7, v6;
	v7 =	vcvt.f32.s32 v8;
	v8 =	vadd.s32 $0x120, v22  }
0x3e4: {  	v4 =	vshll.u32 v4, $0x5;
	v0 =	vadd.s32 $0x1C00, v0;
	v1 =	vld.idx.msk [tilespmem:v1+s10+$0x0], $0xffff  }
0x3e5: {  	v16 =	vadd.s32 $0x200, v52;
	v5 =	vld.idx.msk [tilespmem:v5+s11+$0x0], $0xffff;
	v4 =	vadd.s32 v17, v4  }
0x3e6: {  	v10 =	vld.idx.msk [tilespmem:v10+s10+$0x0], $0xffff;
	v21 =	vshll.u32 v51, $0x5;
	v4 =	vadd.s32 $0x1800, v4;
	v2 =	vadd.f32 v18, v2  }
0x3e7: {  	v11 =	vld.idx.msk [tilespmem:v11+s10+$0x0], $0xffff;
	v21 =	vadd.s32 v50, v21  }
0x3e8: {  	v6 =	vadd.f32 v20, v6;
	v20 =	vadd.s32 $0x2400, v21;
	v2 =	vadd.f32 v19, v2;
	v8 =	vld.idx.msk [tilespmem:v8+s10+$0x0], $0xffff  }
0x3e9: {  	v0 =	vld.idx.msk [tilespmem:v0+s11+$0x0], $0xffff;
	v1 =	vadd.f32 $0.0e+00, v1;
	v17 =	vadd.s32 $0x1A0, v17  }
0x3ea: {  	v16 =	vld.idx.msk [tilespmem:v16+s10+$0x0], $0xffff;
	v18 =	vshll.u32 v52, $0x5;
	v2 =	vadd.f32 v5, v2  }
0x3eb: {  	v1 =	vadd.f32 v10, v1;
	v18 =	vadd.s32 v7, v18;
	v7 =	vadd.s32 $0x220, v7;
	v4 =	vld.idx.msk [tilespmem:v4+s11+$0x0], $0xffff  }
0x3ec: {  	v2 =	vadd.f32 v14, v2  }
0x3ed: {  	v1 =	vadd.f32 v8, v1;
	v8 =	vld.idx.msk [tilespmem:v20+s11+$0x0], $0xffff  }
0x3ee: {  	v6 =	vadd.f32 v11, v6;
	v5 =	vld.idx.msk [tilespmem:v17+s10+$0x0], $0xffff;
	v0 =	vadd.f32 v0, v2  }
0x3ef: {  	v57 =	vld.idx.msk [tilespmem:v57+s10+$0x0], $0xffff  }
0x3f0: {  	v4 =	vadd.f32 v4, v6;
	v6 =	vld.idx.msk [tilespmem:v7+s10+$0x0], $0xffff;
	v0 =	vadd.f32 v16, v0;
	_ =	sdelay $0x1  }
0x3f1: {  	v0 =	vadd.f32 v8, v0  }
0x3f2: {  	v1 =	vadd.f32 v5, v1  }
0x3f3: {  	v56 =	vld.idx.msk [tilespmem:v56+s10+$0x0], $0xffff;
	v0 =	vadd.f32 v57, v0  }
0x3f4: {  	v3 =	vadd.s32 $0x60, v3;
	v1 =	vadd.f32 v6, v1  }
0x3f5: {  	v0 =	vadd.f32 v45, v0  }
0x3f6: {  	v1 =	vadd.f32 v58, v1  }
0x3f7: {  	v0 =	vadd.f32 v41, v0  }
0x3f8: {  	v9 =	vadd.s32 $0xE0, v9;
	v1 =	vadd.f32 v56, v1  }
0x3f9: {  	v3 =	vld.idx.msk [tilespmem:v3+s10+$0x0], $0xffff;
	v0 =	vadd.f32 v36, v0  }
0x3fa: {  	v14 =	vld [tilespmem:$0x1FBF0];
	v1 =	vadd.f32 v43, v1  }
0x3fb: {  	v0 =	vadd.f32 v32, v0  }
0x3fc: {  	v15 =	vadd.s32 $0x1E0, v53;
	v1 =	vadd.f32 v38, v1  }
0x3fd: {  	v9 =	vld.idx.msk [tilespmem:v9+s10+$0x0], $0xffff;
	v18 =	vadd.s32 $0x2000, v18;
	v0 =	vadd.f32 v28, v0  }
0x3fe: {  	v12 =	vld.idx.msk [tilespmem:v12+s10+$0x0], $0xffff;
	v19 =	vcvt.f32.s32 v49;
	v1 =	vadd.f32 v34, v1  }
0x3ff: {  	v3 =	vadd.f32 $0.0e+00, v3;
	v21 =	vcvt.f32.s32 v48;
	v0 =	vadd.f32 v14, v0;
	v14 =	vld [tilespmem:$0x1FBE0]  }
0x400: {  	v13 =	vld.idx.msk [tilespmem:v13+s10+$0x0], $0xffff;
	v22 =	vcvt.f32.s32 v47;
	v19 =	vadd.s32 $0x2E0, v19;
	v1 =	vadd.f32 v30, v1  }
0x401: {  	v15 =	vld.idx.msk [tilespmem:v15+s10+$0x0], $0xffff;
	v11 =	vadd.s32 $0x2C0, v21  }
0x402: {  	v3 =	vadd.f32 v9, v3;
	v10 =	vadd.s32 $0x360, v22;
	v9 =	vld.idx.msk [tilespmem:v18+s11+$0x0], $0xffff;
	v1 =	vadd.f32 v26, v1  }
0x403: {  	v7 =	vadd.s32 $0x340, v46  }
0x404: {  	v1 =	vadd.f32 v14, v1;
	v14 =	vld [tilespmem:$0x1FBD0]  }
0x405: {  	v3 =	vadd.f32 v13, v3;
	v13 =	vadd.s32 $0x3E0, v44;
	v4 =	vadd.f32 v12, v4;
	v2 =	vld.idx.msk [tilespmem:v19+s10+$0x0], $0xffff  }
0x406: {  	v12 =	vadd.s32 $0x3C0, v42;
	v5 =	vld.idx.msk [tilespmem:v11+s10+$0x0], $0xffff  }
0x407: {  	v3 =	vadd.f32 v15, v3;
	v11 =	vadd.s32 $0x460, v40;
	v4 =	vadd.f32 v9, v4;
	v9 =	vld.idx.msk [tilespmem:v10+s10+$0x0], $0xffff  }
0x408: {  	v10 =	vadd.s32 $0x440, v39;
	v6 =	vld.idx.msk [tilespmem:v7+s10+$0x0], $0xffff  }
0x409: {  	v3 =	vadd.f32 v59, v3;
	v0 =	vadd.f32 v14, v0;
	v14 =	vld [tilespmem:$0x1FBC0]  }
0x40a: {  	v7 =	vadd.s32 $0x4E0, v37;
	v4 =	vadd.f32 v60, v4;
	v8 =	vld.idx.msk [tilespmem:v13+s10+$0x0], $0xffff  }
0x40b: {  	v13 =	vadd.s32 $0x4C0, v35;
	v2 =	vadd.f32 v2, v3;
	v3 =	vld.idx.msk [tilespmem:v12+s10+$0x0], $0xffff  }
0x40c: {  	v12 =	vadd.s32 $0x560, v33;
	v4 =	vadd.f32 v5, v4;
	v5 =	vld.idx.msk [tilespmem:v11+s10+$0x0], $0xffff  }
0x40d: {  	v11 =	vadd.s32 $0x540, v31;
	v2 =	vadd.f32 v9, v2;
	v9 =	vld.idx.msk [tilespmem:v10+s10+$0x0], $0xffff  }
0x40e: {  	v1 =	vadd.f32 v14, v1;
	v14 =	vld [tilespmem:$0x1FBB0]  }
0x40f: {  	v4 =	vadd.f32 v6, v4;
	v6 =	vld.idx.msk [tilespmem:v7+s10+$0x0], $0xffff  }
0x410: {  	v10 =	vadd.s32 $0x5E0, v29;
	v2 =	vadd.f32 v8, v2;
	v8 =	vld.idx.msk [tilespmem:v13+s10+$0x0], $0xffff  }
0x411: {  	v3 =	vadd.f32 v3, v4;
	v4 =	vld.idx.msk [tilespmem:v12+s10+$0x0], $0xffff  }
0x412: {  	v7 =	vadd.s32 $0x5C0, v27;
	v2 =	vadd.f32 v5, v2;
	v5 =	vld.idx.msk [tilespmem:v11+s10+$0x0], $0xffff  }
0x413: {  	v0 =	vadd.f32 v14, v0;
	v14 =	vld [tilespmem:$0x1FB80]  }
0x414: {  	v11 =	vld [tilespmem:$0x1FBA0]  }
0x415: {  	v13 =	vadd.s32 $0x660, v25;
	v3 =	vadd.f32 v9, v3;
	v9 =	vld.idx.msk [tilespmem:v10+s10+$0x0], $0xffff  }
0x416: {  	v10 =	vld [tilespmem:$0x1FB90]  }
0x417: {  	v12 =	vadd.s32 $0x640, v24;
	v2 =	vadd.f32 v6, v2;
	v6 =	vld.idx.msk [tilespmem:v7+s10+$0x0], $0xffff  }
0x418: {  	v1 =	vadd.f32 v14, v1;
	v14 =	vld [tilespmem:$0x1FB70]  }
0x419: {  	v7 =	vld [tilespmem:$0x1FB60]  }
0x41a: {  	v3 =	vadd.f32 v8, v3;
	v8 =	vld.idx.msk [tilespmem:v13+s10+$0x0], $0xffff;
	v11 =	vadd.s32 $0x6E0, v11  }
0x41b: {  	v13 =	vld [tilespmem:$0x1FB50]  }
0x41c: {  	v2 =	vadd.f32 v4, v2;
	v4 =	vld.idx.msk [tilespmem:v12+s10+$0x0], $0xffff;
	v10 =	vadd.s32 $0x6C0, v10  }
0x41d: {  	v0 =	vadd.f32 v14, v0;
	v14 =	vld [tilespmem:$0x1FB40]  }
0x41e: {  	v12 =	vld [tilespmem:$0x1FB20]  }
0x41f: {  	v3 =	vadd.f32 v5, v3;
	v7 =	vadd.s32 $0x760, v7;
	v5 =	vld.idx.msk [tilespmem:v11+s10+$0x0], $0xffff  }
0x420: {  	v11 =	vld [tilespmem:$0x1FB00]  }
0x421: {  	v2 =	vadd.f32 v9, v2;
	v13 =	vadd.s32 $0x740, v13;
	v9 =	vld.idx.msk [tilespmem:v10+s10+$0x0], $0xffff  }
0x422: {  	v1 =	vadd.f32 v14, v1;
	v14 =	vld [tilespmem:$0x1FB30]  }
0x423: {  	v10 =	vld [tilespmem:$0x1FAE0]  }
0x424: {  	v3 =	vadd.f32 v6, v3;
	v12 =	vadd.s32 $0x7E0, v12;
	v6 =	vld.idx.msk [tilespmem:v7+s10+$0x0], $0xffff  }
0x425: {  	v7 =	vld [tilespmem:$0x1FAC0]  }
0x426: {  	v2 =	vadd.f32 v8, v2;
	v8 =	vld.idx.msk [tilespmem:v13+s10+$0x0], $0xffff;
	v11 =	vadd.s32 $0x7C0, v11  }
0x427: {  	v0 =	vadd.f32 v14, v0;
	v14 =	vld [tilespmem:$0x1FB10]  }
0x428: {  	v13 =	vld [tilespmem:$0x1FAA0]  }
0x429: {  	v3 =	vadd.f32 v4, v3;
	v4 =	vld.idx.msk [tilespmem:v12+s10+$0x0], $0xffff;
	v10 =	vadd.s32 $0x860, v10  }
0x42a: {  	v12 =	vld [tilespmem:$0x1FA80]  }
0x42b: {  	v2 =	vadd.f32 v5, v2;
	v7 =	vadd.s32 $0x840, v7;
	v5 =	vld.idx.msk [tilespmem:v11+s10+$0x0], $0xffff  }
0x42c: {  	v1 =	vadd.f32 v14, v1;
	v14 =	vld [tilespmem:$0x1FAF0]  }
0x42d: {  	v11 =	vld [tilespmem:$0x1FA60]  }
0x42e: {  	v3 =	vadd.f32 v9, v3;
	v13 =	vadd.s32 $0x8E0, v13;
	v9 =	vld.idx.msk [tilespmem:v10+s10+$0x0], $0xffff  }
0x42f: {  	v10 =	vld [tilespmem:$0x1FA50]  }
0x430: {  	v2 =	vadd.f32 v6, v2;
	v12 =	vadd.s32 $0x8C0, v12;
	v6 =	vld.idx.msk [tilespmem:v7+s10+$0x0], $0xffff  }
0x431: {  	v0 =	vadd.f32 v14, v0;
	v14 =	vld [tilespmem:$0x1FAD0]  }
0x432: {  	v7 =	vld [tilespmem:$0x1F9F0]  }
0x433: {  	v3 =	vadd.f32 v8, v3;
	v8 =	vld.idx.msk [tilespmem:v13+s10+$0x0], $0xffff;
	v11 =	vadd.s32 $0x960, v11  }
0x434: {  	v13 =	vld [tilespmem:$0x1F9E0]  }
0x435: {  	v2 =	vadd.f32 v4, v2;
	v4 =	vld.idx.msk [tilespmem:v12+s10+$0x0], $0xffff;
	v10 =	vadd.s32 $0x940, v10  }
0x436: {  	v1 =	vadd.f32 v14, v1;
	v14 =	vld [tilespmem:$0x1FAB0]  }
0x437: {  	v12 =	vld [tilespmem:$0x1F970];
	v7 =	vadd.s32 $0x9E0, v7  }
0x438: {  	v3 =	vadd.f32 v5, v3;
	v5 =	vld.idx.msk [tilespmem:v11+s10+$0x0], $0xffff  }
0x439: {  	v11 =	vld [tilespmem:$0x1F960]  }
0x43a: {  	v2 =	vadd.f32 v9, v2;
	v13 =	vadd.s32 $0x9C0, v13;
	v9 =	vld.idx.msk [tilespmem:v10+s10+$0x0], $0xffff  }
0x43b: {  	v0 =	vadd.f32 v14, v0;
	v14 =	vld [tilespmem:$0x1FA90]  }
0x43c: {  	v3 =	vadd.f32 v6, v3;
	v6 =	vld.idx.msk [tilespmem:v7+s10+$0x0], $0xffff  }
0x43d: {  	v12 =	vadd.s32 $0xA60, v12;
	v7 =	vld [tilespmem:$0x1F8E0]  }
0x43e: {  	v10 =	vld [tilespmem:$0x1F900]  }
0x43f: {  	v2 =	vadd.f32 v8, v2;
	v8 =	vld.idx.msk [tilespmem:v13+s10+$0x0], $0xffff;
	v11 =	vadd.s32 $0xA40, v11  }
0x440: {  	v1 =	vadd.f32 v14, v1;
	v14 =	vld [tilespmem:$0x1FA70]  }
0x441: {  	v13 =	vld [tilespmem:$0x1F8C0]  }
0x442: {  	v3 =	vadd.f32 v4, v3;
	v4 =	vld.idx.msk [tilespmem:v12+s10+$0x0], $0xffff;
	v7 =	vadd.s32 $0xAC0, v7  }
0x443: {  	v12 =	vld [tilespmem:$0x1F8A0]  }
0x444: {  	v2 =	vadd.f32 v5, v2;
	v10 =	vadd.s32 $0xAE0, v10;
	v5 =	vld.idx.msk [tilespmem:v11+s10+$0x0], $0xffff  }
0x445: {  	v0 =	vadd.f32 v14, v0;
	v14 =	vld [tilespmem:$0x1FA40]  }
0x446: {  	v11 =	vld [tilespmem:$0x1F880]  }
0x447: {  	v2 =	vadd.f32 v6, v2;
	v13 =	vadd.s32 $0xB60, v13;
	v6 =	vld.idx.msk [tilespmem:v7+s10+$0x0], $0xffff  }
0x448: {  	v12 =	vadd.s32 $0xB40, v12;
	v7 =	vld [tilespmem:$0x1F840]  }
0x449: {  	v3 =	vadd.f32 v9, v3;
	v9 =	vld.idx.msk [tilespmem:v10+s10+$0x0], $0xffff  }
0x44a: {  	v1 =	vadd.f32 v14, v1;
	v14 =	vld [tilespmem:$0x1FA00]  }
0x44b: {  	v10 =	vld [tilespmem:$0x1F860];
	v11 =	vadd.s32 $0xBE0, v11  }
0x44c: {  	v3 =	vadd.f32 v8, v3;
	v8 =	vld.idx.msk [tilespmem:v13+s10+$0x0], $0xffff  }
0x44d: {  	v2 =	vadd.f32 v4, v2;
	v4 =	vld.idx.msk [tilespmem:v12+s10+$0x0], $0xffff;
	v7 =	vadd.s32 $0xC60, v7  }
0x44e: {  	v12 =	vld [tilespmem:$0x1F9A0]  }
0x44f: {  	v0 =	vadd.f32 v14, v0;
	v14 =	vld [tilespmem:$0x1F9C0]  }
0x450: {  	v3 =	vadd.f32 v5, v3;
	v10 =	vadd.s32 $0xBC0, v10;
	v5 =	vld.idx.msk [tilespmem:v11+s10+$0x0], $0xffff  }
0x451: {  	v11 =	vld [tilespmem:$0x1F950]  }
0x452: {  	v3 =	vadd.f32 v6, v3;
	v6 =	vld.idx.msk [tilespmem:v7+s10+$0x0], $0xffff  }
0x453: {  	v7 =	vld [tilespmem:$0x1F8F0]  }
0x454: {  	v3 =	vadd.f32 v4, v3;
	v4 =	vld [tilespmem:$0x1F8B0];
	v1 =	vadd.f32 v14, v1  }
0x455: {  	v2 =	vadd.f32 v9, v2;
	v9 =	vld.idx.msk [tilespmem:v10+s10+$0x0], $0xffff  }
0x456: {  	v10 =	vld [tilespmem:$0x1F930];
	v1 =	vadd.f32 v11, v1;
	_ =	sdelay $0x1  }
0x457: {  	v2 =	vadd.f32 v8, v2;
	v8 =	vld [tilespmem:$0x1F8D0];
	v1 =	vadd.f32 v7, v1  }
0x458: {  	v13 =	vld [tilespmem:$0x1F830];
	v0 =	vadd.f32 v12, v0  }
0x459: {  	v1 =	vadd.f32 v4, v1;
	v4 =	vld [tilespmem:$0x1F890]  }
0x45a: {  	v0 =	vadd.f32 v10, v0;
	_ =	sdelay $0x1  }
0x45b: {  	v0 =	vadd.f32 v8, v0  }
0x45c: {  	v13 =	vadd.s32 $0xC40, v13  }
0x45d: {  	v0 =	vadd.f32 v4, v0;
	v4 =	vld [tilespmem:$0x1F870];
	_ =	sdelay $0x3  }
0x45e: {  	v7 =	vld.idx.msk [tilespmem:v13+s10+$0x0], $0xffff  }
0x45f: {  	v1 =	vadd.f32 v4, v1;
	v4 =	vld [tilespmem:$0x1F850];
	_ =	sdelay $0x1  }
0x460: {  	v2 =	vadd.f32 v5, v2  }
0x461: {  	v3 =	vadd.f32 v9, v3  }
0x462: {  	v2 =	vadd.f32 v6, v2  }
0x463: {  	v3 =	vadd.f32 v7, v3;
	v0 =	vadd.f32 v4, v0;
	_ =	sdelay $0x1  }
0x464: {  	v0 =	vadd.f32 v1, v0;
	v1 =	vadd.f32 v2, v3;
	_ =	sdelay $0x1  }
0x465: {  	v0 =	vadd.f32 v1, v0  }
0x466: {  	s31 =	sadd.s32 $0x10, s16  }
0x467: {  	[tilespmem:s31+$0x0] =	vst v0  }
0x468: {  	[hbm4b:s7+s2] =	stream.linear.scatter [tilespmem:s13], [sflag:$0x1], $0x200, $0x38;
	[tilespmem:$0xFF00] =	vst v63  }
0x469: {  	_ =	swait.ge [sflag:s9], $0x200  }
0x46a: {  	v0 =	vld [tilespmem:$0x1FDA0]  }
0x46b: {  	v19 =	vld [tilespmem:$0x1FDC0]  }
0x46c: {  	v1 =	vld [tilespmem:$0x1FDB0]  }
0x46d: {  	v16 =	vld [tilespmem:$0x1FFF0]  }
0x46e: {  	v15 =	vld [tilespmem:$0x1FFD0]  }
0x46f: {  	v24 =	vld [tilespmem:$0x1FDD0]  }
0x470: {  	v23 =	vld [tilespmem:$0x1FFE0]  }
0x471: {  	v25 =	vld [tilespmem:$0x1FDE0]  }
0x472: {  	v12 =	vld [tilespmem:$0x1FF80]  }
0x473: {  	v28 =	vld [tilespmem:$0x1FFA0]  }
0x474: {  	v39 =	vld [tilespmem:$0x1FFB0]  }
0x475: {  	v3 =	vld [tilespmem:$0x1FF70]  }
0x476: {  	v4 =	vld [tilespmem:$0x1FF20]  }
0x477: {  	v27 =	vld [tilespmem:$0x1FF40]  }
0x478: {  	v40 =	vld [tilespmem:$0x1FF50]  }
0x479: {  	v5 =	vld [tilespmem:$0x1FF30]  }
0x47a: {  	v20 =	vld [tilespmem:$0x1FF10]  }
0x47b: {  	v11 =	vld [tilespmem:$0x1FEC0]  }
0x47c: {  	v13 =	vld [tilespmem:$0x1FED0]  }
0x47d: {  	v9 =	vld [tilespmem:$0x1FEE0]  }
0x47e: {  	v41 =	vld [tilespmem:$0x1FEF0]  }
0x47f: {  	v42 =	vld [tilespmem:$0x1FE90]  }
0x480: {  	v17 =	vld [tilespmem:$0x1FEA0]  }
0x481: {  	v14 =	vld [tilespmem:$0x1FEB0]  }
0x482: {  	v10 =	vld [tilespmem:$0x1FF00]  }
0x483: {  	v26 =	vld [tilespmem:$0x1FE50]  }
0x484: {  	v22 =	vld [tilespmem:$0x1FE60]  }
0x485: {  	v21 =	vld [tilespmem:$0x1FE70]  }
0x486: {  	v18 =	vld [tilespmem:$0x1FE80]  }
0x487: {  	v34 =	vld [tilespmem:$0x1FE20]  }
0x488: {  	v30 =	vld [tilespmem:$0x1FE30]  }
0x489: {  	s14 =	sadd.s32 $0x1, s14;
	v29 =	vld [tilespmem:$0x1FE40]  }
0x48a: {  	p0 =	sne.s32 s14, s8;
	v8 =	vld [tilespmem:$0x1FF60]  }
.Ltmp1:
0x48b: {  	v31 =	vld [tilespmem:$0x1FDF0];
	(pc) =	sbr.rel @p0 .LBB2_1-.Ltmp1, $4  }
0x48c: {  	v32 =	vld [tilespmem:$0x1FE00]  }
0x48d: {  	v33 =	vld [tilespmem:$0x1FE10]  }
0x48e: {  	[sflag:s9] =	ssyncset.done $0x0;
	v6 =	vld [tilespmem:$0x1FF90]  }
0x48f: {  	v7 =	vld [tilespmem:$0x1FFC0];
	[sflag:s9] =	ssyncadd.s32 $0xFFFFFE00  }
0x490: {  	_ =	sfence.sel $0x180000  }
0x491: {  	[bflag:$0x0] =	sbarrier.arrive $0xFFFF  }
0x492: {  	p0 =	sne.s32 s0, $0x0;
	_ =	strace $0x90000047  }
0x493: {  	s0 =	sadd.s32 @!p0 $0x100000, s1;
	[bflag:$0x2] =	sbarrier.arrive $0xFFFF  }
0x494: {  	[sflag:s0] =	ssyncadd.tile.s32 @!p0 $0x1;
	_ =	shalt  }
.Lfunc_end2:
_tile_overlayer_lowered:
.L_overlay_start_2:
0x495: {  	(tag) =	ssettag $0x2  }
0x496: {  	s0 =	rddreg [dreg:$0x0];
	s2 =	stileid.u32  }
0x497: {  	s1 =	rddreg [dreg:$0x1];
	p0 =	sne.s32 s2, $0x0  }
0x498: {  	s3 =	rddreg [dreg:$0x2];
	[bflag:$0x3] =	sbarrier.arrive $0xFFFF;
	s2 =	simm.s32 @!p0 $0x1C01  }
0x499: {  	[timem:s3], [sflag:s2] =	dma.local @!p0 [hbm:s0], s1  }
0x49a: {  	s0 =	simm.s32 @!p0 $0x1  }
0x49b: {  	_ =	swait.ge @!p0 [sflag:s0], s1  }
0x49c: {  	s1 =	ssub.s32 @!p0 $0x0, s1;
	[sflag:s0] =	ssyncset.done @!p0 $0x0  }
0x49d: {  	[sflag:s0] =	ssyncadd.s32 @!p0 s1  }
0x49e: {  	[bflag:$0x3] =	sbarrier.arrive $0xFFFF  }
0x49f: {  	_ =	shalt  }

</sc_bundles>
